<compile_context>
chip_gen: v7x
topology: tpu7x:2x2x1
jax: 0.10.2.dev20260603
libtpu: 0.0.44.dev20260713+nightly
codegen_flags: <defaults>
</compile_context>

<pallas_src>
import functools

import jax
import jax.numpy as jnp
import numpy as np
from jax import lax
from jax.experimental import pallas as pl
from jax.experimental.pallas import tpu as pltpu
from jax.experimental.pallas import tpu_sc as plsc

_SIGN = np.uint32(0x80000000)
_MBLK = 512


def _prep_body(uv_ref, scal_ref, cwb_ref, depth_ref, pct_ref,
               at_ref, bt_ref, a2_ref):
    def s(i):
        return scal_ref[0, 0, i]
    fx, fy, cx, cy, sk = s(0), s(1), s(2), s(3), s(4)
    ux = uv_ref[0, :]
    uy = uv_ref[1, :]
    xl = (ux - cx + cy * sk / fy - sk * uy / fy) / fx
    yl = (uy - cy) / fy
    one = jnp.ones_like(ux)
    cam_rel = jnp.concatenate(
        [xl[None, :], yl[None, :], one[None, :], one[None, :]],
        axis=0).astype(jnp.bfloat16)
    wr = lax.dot_general(cwb_ref[0], cam_rel, (((1,), (0,)), ((), ())),
                         preferred_element_type=jnp.float32)
    depth = depth_ref[0, 0, :]
    p = []
    d = []
    for i in range(3):
        d.append(wr[i, :] - s(17 + i))
    nrm = jnp.sqrt((d[0] * d[0] + d[1] * d[1]) + d[2] * d[2])
    for i in range(3):
        p.append(depth * (d[i] / nrm) + s(17 + i))
    a2_ref[0, 0, :] = (p[0] * p[0] + p[1] * p[1]) + p[2] * p[2]
    one = jnp.ones_like(depth)
    zero = jnp.zeros_like(depth)
    at = jnp.concatenate([(-2.0 * p[0])[None, :], (-2.0 * p[1])[None, :],
                          (-2.0 * p[2])[None, :], one[None, :], one[None, :],
                          one[None, :], zero[None, :], zero[None, :]], axis=0)
    at_ref[0] = at.astype(jnp.bfloat16)

    px = pct_ref[0, 0, :]
    py = pct_ref[0, 1, :]
    pz = pct_ref[0, 2, :]
    b2 = (px * px + py * py) + pz * pz
    r1 = b2 - b2.astype(jnp.bfloat16).astype(jnp.float32)
    r2 = r1 - r1.astype(jnp.bfloat16).astype(jnp.float32)
    zb = jnp.zeros_like(b2)
    bt = jnp.concatenate([px[None, :], py[None, :], pz[None, :],
                          b2[None, :], r1[None, :], r2[None, :],
                          zb[None, :], zb[None, :]], axis=0)
    bt_ref[0] = bt.astype(jnp.bfloat16)


def _dist_body(at_ref, bt_ref, a2_ref, out_ref):
    a = at_ref[0]
    b = bt_ref[0]
    acc = lax.dot_general(b, a, (((0,), (0,)), ((), ())),
                          preferred_element_type=jnp.float32)
    out_ref[0, 0, 0] = jnp.min(acc, axis=0) + a2_ref[0, 0, 0]


def _count_lt(keys, cand):
    m = (keys < cand).astype(jnp.int32)
    return jnp.sum(jnp.sum(m, axis=2, keepdims=True), axis=1, keepdims=True)


def _select_body(d_ref, out_ref, *, k, scale):
    x = d_ref[...]
    B = x.shape[0]
    u = lax.bitcast_convert_type(x, jnp.uint32)
    keys = jnp.where(u >= _SIGN, ~u, u | _SIGN)
    t = jnp.zeros((B, 1, 1), jnp.uint32)
    for bit in range(31, -1, -1):
        cand = t | np.uint32(1 << bit)
        cnt = _count_lt(keys, cand)
        t = jnp.where(cnt < k, cand, t)
    cnt_less = _count_lt(keys, t)
    sum_less = jnp.sum(jnp.sum(jnp.where(keys < t, x, 0.0),
                               axis=2, keepdims=True), axis=1, keepdims=True)
    tu = jnp.where(t >= _SIGN, t & np.uint32(0x7FFFFFFF), ~t)
    vt = lax.bitcast_convert_type(tu, jnp.float32)
    total = sum_less + (k - cnt_less).astype(jnp.float32) * vt
    out_ref[...] = jnp.broadcast_to(total * scale, (B, 1, 128))


def _sc_select_call(distr2, B, M, k, scale):
    nv = M // 16
    mesh = plsc.VectorSubcoreMesh(core_axis_name="c", subcore_axis_name="s")

    def body(dist_hbm, out_hbm, xv, kv, ov, fsum_ref):
        wid = lax.axis_index("s") * 2 + lax.axis_index("c")

        def lane_sum(x, ref):
            lane = lax.iota(jnp.int32, 16)
            for sh in (1, 2, 4, 8):
                ref[...] = x
                x = x + plsc.load_gather(ref, [jnp.bitwise_xor(lane, sh)])
            return x

        @pl.when(wid < B)
        def _():
            pltpu.sync_copy(dist_hbm.at[wid], xv)

            def keys_body(i, _):
                x = xv[pl.ds(i * 16, 16)]
                u = lax.bitcast_convert_type(x, jnp.uint32)
                kv[pl.ds(i * 16, 16)] = jnp.where(u >= _SIGN, ~u, u | _SIGN)
                return 0

            lax.fori_loop(0, nv, keys_body, 0)
            t = jnp.zeros((16,), jnp.uint32)
            for bit in range(31, -1, -1):
                cand = t | np.uint32(1 << bit)

                def cnt_body(i, c):
                    m = kv[pl.ds(i * 16, 16)] < cand
                    return c + jnp.where(m, 1.0, 0.0)

                cvec = lax.fori_loop(0, nv, cnt_body,
                                     jnp.zeros((16,), jnp.float32))
                cnt = lane_sum(cvec, fsum_ref)
                t = jnp.where(cnt < k, cand, t)

            def sum_body(i, carry):
                c, sv = carry
                m = kv[pl.ds(i * 16, 16)] < t
                c = c + jnp.where(m, 1.0, 0.0)
                sv = sv + jnp.where(m, xv[pl.ds(i * 16, 16)], 0.0)
                return c, sv

            cvec, svec = lax.fori_loop(
                0, nv, sum_body,
                (jnp.zeros((16,), jnp.float32), jnp.zeros((16,), jnp.float32)))
            cnt_less = lane_sum(cvec, fsum_ref)
            sum_less = lane_sum(svec, fsum_ref)
            tu = jnp.where(t >= _SIGN, t & np.uint32(0x7FFFFFFF), ~t)
            vt = lax.bitcast_convert_type(tu, jnp.float32)
            ov[...] = (sum_less + (k - cnt_less) * vt) * scale
            pltpu.sync_copy(ov, out_hbm.at[wid])

    import functools as _ft
    fn = _ft.partial(
        pl.kernel, mesh=mesh,
        out_type=jax.ShapeDtypeStruct((B, 16), jnp.float32),
        scratch_types=[pltpu.VMEM((M,), jnp.float32),
                       pltpu.VMEM((M,), jnp.uint32),
                       pltpu.VMEM((16,), jnp.float32),
                       pltpu.VMEM((16,), jnp.float32)],
        compiler_params=pltpu.CompilerParams(needs_layout_passes=False),
    )(body)
    return fn(distr2)


def _uv_rows(res):
    g = np.arange(res, dtype=np.float32)
    uv = (np.stack(np.meshgrid(g, g, indexing='ij'))
          * np.float32(1.0 / res) + np.float32(0.5 / res))
    uv = np.flip(uv, axis=0).reshape(2, -1)
    return np.ascontiguousarray(uv)


def kernel(c, image, image_depth, pc, neural_rendering_resolution):
    B = c.shape[0]
    res = image.shape[-1]
    M = res * res
    pc3 = pc[..., :3]
    N = pc3.shape[1]
    half = min(M, N) // 2
    mb = M // _MBLK

    cam2world = c[:, :16].reshape(-1, 4, 4)
    intr = c[:, 16:25].reshape(-1, 3, 3)
    cw = cam2world.astype(jnp.bfloat16).astype(jnp.float32)
    scal = jnp.concatenate([
        intr[:, 0, 0:1], intr[:, 1, 1:2], intr[:, 0, 2:3], intr[:, 1, 2:3],
        intr[:, 0, 1:2], cw[:, :3, :].reshape(B, 12),
        cam2world[:, :3, 3]], axis=1).reshape(B, 1, 20)
    uv = jnp.asarray(_uv_rows(res))
    cwb = cam2world.astype(jnp.bfloat16)[:, :3, :]
    depth3 = image_depth.reshape(B, 1, M)
    pct = pc3.transpose(0, 2, 1)

    at, bt, a2o = pl.pallas_call(
        _prep_body,
        grid=(B,),
        in_specs=[
            pl.BlockSpec((2, M), lambda b: (0, 0)),
            pl.BlockSpec((1, 1, 20), lambda b: (b, 0, 0),
                         memory_space=pltpu.SMEM),
            pl.BlockSpec((1, 3, 4), lambda b: (b, 0, 0)),
            pl.BlockSpec((1, 1, M), lambda b: (b, 0, 0)),
            pl.BlockSpec((1, 3, N), lambda b: (b, 0, 0)),
        ],
        out_specs=[
            pl.BlockSpec((1, 8, M), lambda b: (b, 0, 0)),
            pl.BlockSpec((1, 8, N), lambda b: (b, 0, 0)),
            pl.BlockSpec((1, 1, M), lambda b: (b, 0, 0)),
        ],
        out_shape=[
            jax.ShapeDtypeStruct((B, 8, M), jnp.bfloat16),
            jax.ShapeDtypeStruct((B, 8, N), jnp.bfloat16),
            jax.ShapeDtypeStruct((B, 1, M), jnp.float32),
        ],
    )(uv, scal, cwb, depth3, pct)

    a2r = a2o.reshape(B, mb, 1, _MBLK)
    dist = pl.pallas_call(
        _dist_body,
        grid=(B, mb),
        in_specs=[
            pl.BlockSpec((1, 8, _MBLK), lambda b, m: (b, 0, m)),
            pl.BlockSpec((1, 8, N), lambda b, m: (b, 0, 0)),
            pl.BlockSpec((1, 1, 1, _MBLK), lambda b, m: (b, m, 0, 0)),
        ],
        out_specs=pl.BlockSpec((1, 1, 1, _MBLK), lambda b, m: (b, m, 0, 0)),
        out_shape=jax.ShapeDtypeStruct((B, mb, 1, _MBLK), jnp.float32),
    )(at, bt, a2r)

    distr2 = dist.reshape(B, M)
    sel = _sc_select_call(distr2, B, M, half, 2.0 / half)

    res_t = jnp.asarray(neural_rendering_resolution)
    res_unit = (res_t // res_t).astype(jnp.float32)
    return sel[:, :1] * res_unit

# --- scband reference (transcript-rebuilt; emitter-appended) ---
"""Pipeline reference for scband-chamfer-loss-44856638440163 (READ-ONLY COPY).

The authoritative reference and input builder live on the scoring server;
editing this copy changes nothing except your own understanding.
"""

import jax, jax.numpy as jnp
import numpy as np


def ray_sampler(cam2world_matrix, intrinsics, resolution):
    # Faithful JAX port of EG3D RaySampler
    N = cam2world_matrix.shape[0]
    M = resolution * resolution
    cam_locs_world = cam2world_matrix[:, :3, 3]
    fx = intrinsics[:, 0, 0]
    fy = intrinsics[:, 1, 1]
    cx = intrinsics[:, 0, 2]
    cy = intrinsics[:, 1, 2]
    sk = intrinsics[:, 0, 1]

    uv = jnp.stack(jnp.meshgrid(jnp.arange(resolution, dtype=jnp.float32),
                                jnp.arange(resolution, dtype=jnp.float32),
                                indexing='ij')) * (1.0 / resolution) + (0.5 / resolution)
    uv = jnp.flip(uv, axis=0).reshape(2, -1).T  # [M, 2]
    uv = jnp.tile(uv[None], (N, 1, 1))  # [N, M, 2]

    x_cam = uv[:, :, 0]
    y_cam = uv[:, :, 1]
    z_cam = jnp.ones((N, M), dtype=jnp.float32)

    x_lift = (x_cam - cx[:, None] + cy[:, None] * sk[:, None] / fy[:, None]
              - sk[:, None] * y_cam / fy[:, None]) / fx[:, None] * z_cam
    y_lift = (y_cam - cy[:, None]) / fy[:, None] * z_cam

    cam_rel_points = jnp.stack([x_lift, y_lift, z_cam, jnp.ones((N, M), dtype=jnp.float32)], axis=-1)  # [N, M, 4]
    world_rel_points = jnp.einsum('bij,bmj->bmi', cam2world_matrix, cam_rel_points)[..., :3]

    ray_dirs = world_rel_points - cam_locs_world[:, None, :]
    ray_dirs = ray_dirs / jnp.linalg.norm(ray_dirs, axis=2, keepdims=True)
    ray_origins = jnp.broadcast_to(cam_locs_world[:, None, :], ray_dirs.shape)
    return ray_origins, ray_dirs


def chamfer_3d(a, b):
    # squared L2 chamfer via matmul form: ||a-b||^2 = |a|^2 + |b|^2 - 2 a.b
    a2 = jnp.sum(a * a, axis=-1)  # [B, M]
    b2 = jnp.sum(b * b, axis=-1)  # [B, N]
    ab = jnp.einsum('bmd,bnd->bmn', a, b)  # [B, M, N]
    dist = a2[:, :, None] + b2[:, None, :] - 2.0 * ab
    dist1 = jnp.min(dist, axis=2)  # [B, M] nearest in b for each a
    dist2 = jnp.min(dist, axis=1)  # [B, N] nearest in a for each b
    idx1 = jnp.argmin(dist, axis=2)
    idx2 = jnp.argmin(dist, axis=1)
    return dist1, dist2, idx1, idx2


def setup_inputs(seed: int = 0) -> dict:
    key = jax.random.key(seed)
    k1, k2, k3, k4 = jax.random.split(key, 4)
    B = 4
    res = 64
    c = jax.random.uniform(k1, (B, 25), dtype=jnp.float32)
    image = jax.random.normal(k2, (B, 3, res, res), dtype=jnp.float32)
    image_depth = jax.random.uniform(k3, (B, 1, res, res), dtype=jnp.float32)
    pc = jax.random.normal(k4, (B, 4096, 3), dtype=jnp.float32)
    return {"c": c, "image": image, "image_depth": image_depth, "pc": pc,
            "neural_rendering_resolution": res}


def reference(c, image, image_depth, pc, neural_rendering_resolution):
    B = c.shape[0]
    pc = pc[..., :3]
    image_depth_flat = image_depth.reshape(image.shape[0], -1, 1)  # [B, M, 1]
    cam2world_matrix = c[:, :16].reshape(-1, 4, 4)
    intrinsics = c[:, 16:25].reshape(-1, 3, 3)

    resolution_static = image.shape[-1]
    res_traced = jnp.asarray(neural_rendering_resolution)
    res_unit = (res_traced // res_traced).astype(jnp.float32)

    ray_origins, ray_directions = ray_sampler(cam2world_matrix, intrinsics, resolution_static)
    pred_pos = image_depth_flat * ray_directions + ray_origins  # [B, M, 3]

    chamfer_loss_0, chamfer_loss_1, _, _ = chamfer_3d(pred_pos, pc)

    chamfer_loss_0_sorted = jnp.sort(chamfer_loss_0, axis=1)
    chamfer_loss_1_sorted = jnp.sort(chamfer_loss_1, axis=1)
    half = min(pred_pos.shape[1], pc.shape[1]) // 2
    chamfer_loss_0_sorted = chamfer_loss_0_sorted[:, :half]
    # NOTE: faithful to original code, which (buggily) reassigns loss_1 from loss_0
    chamfer_loss_1_sorted = chamfer_loss_0_sorted[:, :half]

    chamfer_loss_0 = jnp.mean(chamfer_loss_0_sorted, axis=1).astype(jnp.float32)
    chamfer_loss_1 = jnp.mean(chamfer_loss_1_sorted, axis=1).astype(jnp.float32)
    chamfer_loss = chamfer_loss_1 + chamfer_loss_0
    return (chamfer_loss * res_unit).reshape(B, 1)

if __name__ == "__main__":
    import jax
    _d = setup_inputs()
    print(jax.jit(kernel)(*tuple(_d.values())))

</pallas_src>

<mosaic_0001>
#map = affine_map<(d0, d1) -> (0, 0)>
module attributes {stable_mosaic.version = 14 : i64} {
  func.func @body(%arg0: i32, %arg1: i32, %arg2: memref<4x4096xf32, #tpu.memory_space<hbm>>, %arg3: memref<4x16xf32, #tpu.memory_space<hbm>>, %arg4: memref<4096xf32, #tpu.memory_space<vmem>>, %arg5: memref<4096xi32, #tpu.memory_space<vmem>>, %arg6: memref<16xf32, #tpu.memory_space<vmem>>, %arg7: memref<16xf32, #tpu.memory_space<vmem>>) attributes {dimension_semantics = [#tpu.dimension_semantics<core_parallel>, #tpu.dimension_semantics<subcore_parallel>], iteration_bounds = array<i64: 2, 16>, scalar_prefetch = 0 : i64, scratch_operands = 4 : i64, tpu.core_type = #tpu.core_type<sc_vector_subcore>, window_params = [{transform_indices = #map}, {transform_indices = #map}]} {
    %mul3A = arith.constant 2 : i32
    %mul3A_0 = arith.muli %arg1, %mul3A : i32
    %add3A = arith.addi %mul3A_0, %arg0 : i32
    %lt3A = arith.constant 4 : i32
    %lt3A_1 = arith.cmpi slt, %add3A, %lt3A : i32
    %convert_element_type3A = arith.extui %lt3A_1 : i1 to i32
    %cond3A = arith.constant 0 : i32
    %cond3A_2 = arith.cmpi ne, %convert_element_type3A, %cond3A : i32
    scf.if %cond3A_2 {
      "tpu.region"() ({
        %run_scoped3A = tpu.sem_alloc : memref<!tpu.dma_semaphore, #tpu.memory_space<semaphore_mem>>
        %dma_start3A = arith.constant 0 : i32
        %dma_start3A_1495 = tpu.memref_slice %arg2[%add3A, %dma_start3A] : memref<4x4096xf32, #tpu.memory_space<hbm>> -> memref<1x4096xf32, #tpu.memory_space<hbm>>
        %dma_start3A_1496 = tpu.memref_squeeze %dma_start3A_1495 : memref<1x4096xf32, #tpu.memory_space<hbm>> -> memref<4096xf32, #tpu.memory_space<hbm>>
        %dma_start3A_1497 = arith.constant 0 : i32
        %dma_start3A_1498 = tpu.memref_slice %arg2[%add3A, %dma_start3A_1497] : memref<4x4096xf32, #tpu.memory_space<hbm>> -> memref<1x4096xf32, #tpu.memory_space<hbm>>
        %dma_start3A_1499 = tpu.memref_squeeze %dma_start3A_1498 : memref<1x4096xf32, #tpu.memory_space<hbm>> -> memref<4096xf32, #tpu.memory_space<hbm>>
        tpu.enqueue_dma source(%dma_start3A_1499 : memref<4096xf32, #tpu.memory_space<hbm>>) target(%arg4 : memref<4096xf32, #tpu.memory_space<vmem>>) target_semaphore(%run_scoped3A : memref<!tpu.dma_semaphore, #tpu.memory_space<semaphore_mem>>)
        %dma_wait3A = arith.constant 0 : i32
        %dma_wait3A_1500 = tpu.memref_slice %arg2[%add3A, %dma_wait3A] : memref<4x4096xf32, #tpu.memory_space<hbm>> -> memref<1x4096xf32, #tpu.memory_space<hbm>>
        %dma_wait3A_1501 = tpu.memref_squeeze %dma_wait3A_1500 : memref<1x4096xf32, #tpu.memory_space<hbm>> -> memref<4096xf32, #tpu.memory_space<hbm>>
        %dma_wait3A_1502 = arith.constant 0 : i32
        %dma_wait3A_1503 = tpu.memref_slice %arg2[%add3A, %dma_wait3A_1502] : memref<4x4096xf32, #tpu.memory_space<hbm>> -> memref<1x4096xf32, #tpu.memory_space<hbm>>
        %dma_wait3A_1504 = tpu.memref_squeeze %dma_wait3A_1503 : memref<1x4096xf32, #tpu.memory_space<hbm>> -> memref<4096xf32, #tpu.memory_space<hbm>>
        tpu.wait_dma2 semaphore(%run_scoped3A : memref<!tpu.dma_semaphore, #tpu.memory_space<semaphore_mem>>) src(%dma_wait3A_1504 : memref<4096xf32, #tpu.memory_space<hbm>>) dst(%arg4 : memref<4096xf32, #tpu.memory_space<vmem>>)
        tpu.yield
      }) : () -> ()
      %scan3A = arith.constant 0 : i32
      %scan3A_3 = arith.constant 0 : i32
      %scan3A_4 = arith.constant 256 : i32
      %scan3A_5 = arith.addi %scan3A_3, %scan3A_4 : i32
      %scan3A_6 = arith.constant 1 : i32
      %scan3A_7 = scf.for %scan3A_1495 = %scan3A_3 to %scan3A_5 step %scan3A_6 iter_args(%scan3A_1496 = %scan3A) -> (i32)  : i32 {
        %mul3A_1497 = arith.constant 16 : i32
        %mul3A_1498 = arith.muli %scan3A_1495, %mul3A_1497 : i32
        %get3A = arith.index_cast %mul3A_1498 : i32 to index
        %get3A_1499 = tpu.vector_load %arg4[%get3A] {strides = array<i32>} : memref<4096xf32, #tpu.memory_space<vmem>>, vector<16xf32>,
        %bitcast_convert_type3A_1500 = tpu.bitcast %get3A_1499 : vector<16xf32> -> vector<16xi32>
        %ge3A_1501 = arith.constant -2147483648 : i32
        %ge3A_1502 = vector.broadcast %ge3A_1501 : i32 to vector<16xi32>
        %ge3A_1503 = arith.cmpi uge, %bitcast_convert_type3A_1500, %ge3A_1502 : vector<16xi32>
        %not3A_1504 = arith.constant dense<-1> : vector<16xi32>
        %not3A_1505 = arith.xori %bitcast_convert_type3A_1500, %not3A_1504 : vector<16xi32>
        %or3A_1506 = arith.constant -2147483648 : i32
        %or3A_1507 = vector.broadcast %or3A_1506 : i32 to vector<16xi32>
        %or3A_1508 = arith.ori %bitcast_convert_type3A_1500, %or3A_1507 : vector<16xi32>
        %select_n3A_1509 = arith.select %ge3A_1503, %not3A_1505, %or3A_1508 : vector<16xi1>, vector<16xi32>
        %mul3A_1510 = arith.constant 16 : i32
        %mul3A_1511 = arith.muli %scan3A_1495, %mul3A_1510 : i32
        %swap3A_1512 = arith.index_cast %mul3A_1511 : i32 to index
        %swap3A_1513 = tpu.vector_load %arg5[%swap3A_1512] {strides = array<i32>} : memref<4096xi32, #tpu.memory_space<vmem>>, vector<16xi32>,
        tpu.vector_store %arg5[%swap3A_1512], %select_n3A_1509 {strides = array<i32>} : memref<4096xi32, #tpu.memory_space<vmem>>, vector<16xi32>,
        %scan3A_1514 = arith.constant 0 : i32
        scf.yield %scan3A_1514 : i32
      }
      %scan3A_8 = arith.constant 256 : i32
      %broadcast_in_dim3A = arith.constant 0 : i32
      %broadcast_in_dim3A_9 = vector.broadcast %broadcast_in_dim3A : i32 to vector<16xi32>
      %or3A = arith.constant -2147483648 : i32
      %or3A_10 = vector.broadcast %or3A : i32 to vector<16xi32>
      %or3A_11 = arith.ori %broadcast_in_dim3A_9, %or3A_10 : vector<16xi32>
      %broadcast_in_dim3A_12 = arith.constant 0.000000e+00 : f32
      %broadcast_in_dim3A_13 = vector.broadcast %broadcast_in_dim3A_12 : f32 to vector<16xf32>
      %scan3A_14 = arith.constant 0 : i32
      %scan3A_15 = arith.constant 256 : i32
      %scan3A_16 = arith.addi %scan3A_14, %scan3A_15 : i32
      %scan3A_17 = arith.constant 1 : i32
      %scan3A_18 = scf.for %scan3A_1495 = %scan3A_14 to %scan3A_16 step %scan3A_17 iter_args(%scan3A_1496 = %broadcast_in_dim3A_13) -> (vector<16xf32>)  : i32 {
        %mul3A_1497 = arith.constant 16 : i32
        %mul3A_1498 = arith.muli %scan3A_1495, %mul3A_1497 : i32
        %get3A = arith.index_cast %mul3A_1498 : i32 to index
        %get3A_1499 = tpu.vector_load %arg5[%get3A] {strides = array<i32>} : memref<4096xi32, #tpu.memory_space<vmem>>, vector<16xi32>,
        %lt3A_1500 = arith.cmpi ult, %get3A_1499, %or3A_11 : vector<16xi32>
        %jit3A = arith.constant 1.000000e+00 : f32
        %jit3A_1501 = arith.constant 0.000000e+00 : f32
        %broadcast_in_dim3A_1502 = vector.broadcast %jit3A : f32 to vector<16xf32>
        %broadcast_in_dim3A_1503 = vector.broadcast %jit3A_1501 : f32 to vector<16xf32>
        %select_n3A_1504 = arith.select %lt3A_1500, %broadcast_in_dim3A_1502, %broadcast_in_dim3A_1503 : vector<16xi1>, vector<16xf32>
        %add3A_1505 = arith.addf %scan3A_1496, %select_n3A_1504 : vector<16xf32>
        scf.yield %add3A_1505 : vector<16xf32>
      }
      %scan3A_19 = arith.constant 256 : i32
      %iota3A = tpu.iota {dimensions = array<i32: 0>} : vector<16xi32>
      %swap3A = arith.constant 0 : index
      %swap3A_20 = tpu.vector_load %arg7[%swap3A] {strides = array<i32>} : memref<16xf32, #tpu.memory_space<vmem>>, vector<16xf32>,
      tpu.vector_store %arg7[%swap3A], %scan3A_18 {strides = array<i32>} : memref<16xf32, #tpu.memory_space<vmem>>, vector<16xf32>,
      %xor3A = arith.constant 1 : i32
      %xor3A_21 = vector.broadcast %xor3A : i32 to vector<16xi32>
      %xor3A_22 = arith.xori %iota3A, %xor3A_21 : vector<16xi32>
      %gather3A = tpu.vector_load_idx %arg7[%xor3A_22] : memref<16xf32, #tpu.memory_space<vmem>>[vector<16xi32>], vector<16xf32>,
      %add3A_23 = arith.addf %scan3A_18, %gather3A : vector<16xf32>
      %swap3A_24 = arith.constant 0 : index
      %swap3A_25 = tpu.vector_load %arg7[%swap3A_24] {strides = array<i32>} : memref<16xf32, #tpu.memory_space<vmem>>, vector<16xf32>,
      tpu.vector_store %arg7[%swap3A_24], %add3A_23 {strides = array<i32>} : memref<16xf32, #tpu.memory_space<vmem>>, vector<16xf32>,
      %xor3A_26 = arith.constant 2 : i32
      %xor3A_27 = vector.broadcast %xor3A_26 : i32 to vector<16xi32>
      %xor3A_28 = arith.xori %iota3A, %xor3A_27 : vector<16xi32>
      %gather3A_29 = tpu.vector_load_idx %arg7[%xor3A_28] : memref<16xf32, #tpu.memory_space<vmem>>[vector<16xi32>], vector<16xf32>,
      %add3A_30 = arith.addf %add3A_23, %gather3A_29 : vector<16xf32>
      %swap3A_31 = arith.constant 0 : index
      %swap3A_32 = tpu.vector_load %arg7[%swap3A_31] {strides = array<i32>} : memref<16xf32, #tpu.memory_space<vmem>>, vector<16xf32>,
      tpu.vector_store %arg7[%swap3A_31], %add3A_30 {strides = array<i32>} : memref<16xf32, #tpu.memory_space<vmem>>, vector<16xf32>,
      %xor3A_33 = arith.constant 4 : i32
      %xor3A_34 = vector.broadcast %xor3A_33 : i32 to vector<16xi32>
      %xor3A_35 = arith.xori %iota3A, %xor3A_34 : vector<16xi32>
      %gather3A_36 = tpu.vector_load_idx %arg7[%xor3A_35] : memref<16xf32, #tpu.memory_space<vmem>>[vector<16xi32>], vector<16xf32>,
      %add3A_37 = arith.addf %add3A_30, %gather3A_36 : vector<16xf32>
      %swap3A_38 = arith.constant 0 : index
      %swap3A_39 = tpu.vector_load %arg7[%swap3A_38] {strides = array<i32>} : memref<16xf32, #tpu.memory_space<vmem>>, vector<16xf32>,
      tpu.vector_store %arg7[%swap3A_38], %add3A_37 {strides = array<i32>} : memref<16xf32, #tpu.memory_space<vmem>>, vector<16xf32>,
      %xor3A_40 = arith.constant 8 : i32
      %xor3A_41 = vector.broadcast %xor3A_40 : i32 to vector<16xi32>
      %xor3A_42 = arith.xori %iota3A, %xor3A_41 : vector<16xi32>
      %gather3A_43 = tpu.vector_load_idx %arg7[%xor3A_42] : memref<16xf32, #tpu.memory_space<vmem>>[vector<16xi32>], vector<16xf32>,
      %add3A_44 = arith.addf %add3A_37, %gather3A_43 : vector<16xf32>
      %lt3A_45 = arith.constant 2.048000e+03 : f32
      %lt3A_46 = vector.broadcast %lt3A_45 : f32 to vector<16xf32>
      %lt3A_47 = arith.cmpf olt, %add3A_44, %lt3A_46 : vector<16xf32>
      %select_n3A = arith.select %lt3A_47, %or3A_11, %broadcast_in_dim3A_9 : vector<16xi1>, vector<16xi32>
      %or3A_48 = arith.constant 1073741824 : i32
      %or3A_49 = vector.broadcast %or3A_48 : i32 to vector<16xi32>
      %or3A_50 = arith.ori %select_n3A, %or3A_49 : vector<16xi32>
      %broadcast_in_dim3A_51 = arith.constant 0.000000e+00 : f32
      %broadcast_in_dim3A_52 = vector.broadcast %broadcast_in_dim3A_51 : f32 to vector<16xf32>
      %scan3A_53 = arith.constant 0 : i32
      %scan3A_54 = arith.constant 256 : i32
      %scan3A_55 = arith.addi %scan3A_53, %scan3A_54 : i32
      %scan3A_56 = arith.constant 1 : i32
      %scan3A_57 = scf.for %scan3A_1495 = %scan3A_53 to %scan3A_55 step %scan3A_56 iter_args(%scan3A_1496 = %broadcast_in_dim3A_52) -> (vector<16xf32>)  : i32 {
        %mul3A_1497 = arith.constant 16 : i32
        %mul3A_1498 = arith.muli %scan3A_1495, %mul3A_1497 : i32
        %get3A = arith.index_cast %mul3A_1498 : i32 to index
        %get3A_1499 = tpu.vector_load %arg5[%get3A] {strides = array<i32>} : memref<4096xi32, #tpu.memory_space<vmem>>, vector<16xi32>,
        %lt3A_1500 = arith.cmpi ult, %get3A_1499, %or3A_50 : vector<16xi32>
        %jit3A = arith.constant 1.000000e+00 : f32
        %jit3A_1501 = arith.constant 0.000000e+00 : f32
        %broadcast_in_dim3A_1502 = vector.broadcast %jit3A : f32 to vector<16xf32>
        %broadcast_in_dim3A_1503 = vector.broadcast %jit3A_1501 : f32 to vector<16xf32>
        %select_n3A_1504 = arith.select %lt3A_1500, %broadcast_in_dim3A_1502, %broadcast_in_dim3A_1503 : vector<16xi1>, vector<16xf32>
        %add3A_1505 = arith.addf %scan3A_1496, %select_n3A_1504 : vector<16xf32>
        scf.yield %add3A_1505 : vector<16xf32>
      }
      %scan3A_58 = arith.constant 256 : i32
      %iota3A_59 = tpu.iota {dimensions = array<i32: 0>} : vector<16xi32>
      %swap3A_60 = arith.constant 0 : index
      %swap3A_61 = tpu.vector_load %arg7[%swap3A_60] {strides = array<i32>} : memref<16xf32, #tpu.memory_space<vmem>>, vector<16xf32>,
      tpu.vector_store %arg7[%swap3A_60], %scan3A_57 {strides = array<i32>} : memref<16xf32, #tpu.memory_space<vmem>>, vector<16xf32>,
      %xor3A_62 = arith.constant 1 : i32
      %xor3A_63 = vector.broadcast %xor3A_62 : i32 to vector<16xi32>
      %xor3A_64 = arith.xori %iota3A_59, %xor3A_63 : vector<16xi32>
      %gather3A_65 = tpu.vector_load_idx %arg7[%xor3A_64] : memref<16xf32, #tpu.memory_space<vmem>>[vector<16xi32>], vector<16xf32>,
      %add3A_66 = arith.addf %scan3A_57, %gather3A_65 : vector<16xf32>
      %swap3A_67 = arith.constant 0 : index
      %swap3A_68 = tpu.vector_load %arg7[%swap3A_67] {strides = array<i32>} : memref<16xf32, #tpu.memory_space<vmem>>, vector<16xf32>,
      tpu.vector_store %arg7[%swap3A_67], %add3A_66 {strides = array<i32>} : memref<16xf32, #tpu.memory_space<vmem>>, vector<16xf32>,
      %xor3A_69 = arith.constant 2 : i32
      %xor3A_70 = vector.broadcast %xor3A_69 : i32 to vector<16xi32>
      %xor3A_71 = arith.xori %iota3A_59, %xor3A_70 : vector<16xi32>
      %gather3A_72 = tpu.vector_load_idx %arg7[%xor3A_71] : memref<16xf32, #tpu.memory_space<vmem>>[vector<16xi32>], vector<16xf32>,
      %add3A_73 = arith.addf %add3A_66, %gather3A_72 : vector<16xf32>
      %swap3A_74 = arith.constant 0 : index
      %swap3A_75 = tpu.vector_load %arg7[%swap3A_74] {strides = array<i32>} : memref<16xf32, #tpu.memory_space<vmem>>, vector<16xf32>,
      tpu.vector_store %arg7[%swap3A_74], %add3A_73 {strides = array<i32>} : memref<16xf32, #tpu.memory_space<vmem>>, vector<16xf32>,
      %xor3A_76 = arith.constant 4 : i32
      %xor3A_77 = vector.broadcast %xor3A_76 : i32 to vector<16xi32>
      %xor3A_78 = arith.xori %iota3A_59, %xor3A_77 : vector<16xi32>
      %gather3A_79 = tpu.vector_load_idx %arg7[%xor3A_78] : memref<16xf32, #tpu.memory_space<vmem>>[vector<16xi32>], vector<16xf32>,
      %add3A_80 = arith.addf %add3A_73, %gather3A_79 : vector<16xf32>
      %swap3A_81 = arith.constant 0 : index
      %swap3A_82 = tpu.vector_load %arg7[%swap3A_81] {strides = array<i32>} : memref<16xf32, #tpu.memory_space<vmem>>, vector<16xf32>,
      tpu.vector_store %arg7[%swap3A_81], %add3A_80 {strides = array<i32>} : memref<16xf32, #tpu.memory_space<vmem>>, vector<16xf32>,
      %xor3A_83 = arith.constant 8 : i32
      %xor3A_84 = vector.broadcast %xor3A_83 : i32 to vector<16xi32>
      %xor3A_85 = arith.xori %iota3A_59, %xor3A_84 : vector<16xi32>
      %gather3A_86 = tpu.vector_load_idx %arg7[%xor3A_85] : memref<16xf32, #tpu.memory_space<vmem>>[vector<16xi32>], vector<16xf32>,
      %add3A_87 = arith.addf %add3A_80, %gather3A_86 : vector<16xf32>
      %lt3A_88 = arith.constant 2.048000e+03 : f32
      %lt3A_89 = vector.broadcast %lt3A_88 : f32 to vector<16xf32>
      %lt3A_90 = arith.cmpf olt, %add3A_87, %lt3A_89 : vector<16xf32>
      %select_n3A_91 = arith.select %lt3A_90, %or3A_50, %select_n3A : vector<16xi1>, vector<16xi32>
      %or3A_92 = arith.constant 536870912 : i32
      %or3A_93 = vector.broadcast %or3A_92 : i32 to vector<16xi32>
      %or3A_94 = arith.ori %select_n3A_91, %or3A_93 : vector<16xi32>
      %broadcast_in_dim3A_95 = arith.constant 0.000000e+00 : f32
      %broadcast_in_dim3A_96 = vector.broadcast %broadcast_in_dim3A_95 : f32 to vector<16xf32>
      %scan3A_97 = arith.constant 0 : i32
      %scan3A_98 = arith.constant 256 : i32
      %scan3A_99 = arith.addi %scan3A_97, %scan3A_98 : i32
      %scan3A_100 = arith.constant 1 : i32
      %scan3A_101 = scf.for %scan3A_1495 = %scan3A_97 to %scan3A_99 step %scan3A_100 iter_args(%scan3A_1496 = %broadcast_in_dim3A_96) -> (vector<16xf32>)  : i32 {
        %mul3A_1497 = arith.constant 16 : i32
        %mul3A_1498 = arith.muli %scan3A_1495, %mul3A_1497 : i32
        %get3A = arith.index_cast %mul3A_1498 : i32 to index
        %get3A_1499 = tpu.vector_load %arg5[%get3A] {strides = array<i32>} : memref<4096xi32, #tpu.memory_space<vmem>>, vector<16xi32>,
        %lt3A_1500 = arith.cmpi ult, %get3A_1499, %or3A_94 : vector<16xi32>
        %jit3A = arith.constant 1.000000e+00 : f32
        %jit3A_1501 = arith.constant 0.000000e+00 : f32
        %broadcast_in_dim3A_1502 = vector.broadcast %jit3A : f32 to vector<16xf32>
        %broadcast_in_dim3A_1503 = vector.broadcast %jit3A_1501 : f32 to vector<16xf32>
        %select_n3A_1504 = arith.select %lt3A_1500, %broadcast_in_dim3A_1502, %broadcast_in_dim3A_1503 : vector<16xi1>, vector<16xf32>
        %add3A_1505 = arith.addf %scan3A_1496, %select_n3A_1504 : vector<16xf32>
        scf.yield %add3A_1505 : vector<16xf32>
      }
      %scan3A_102 = arith.constant 256 : i32
      %iota3A_103 = tpu.iota {dimensions = array<i32: 0>} : vector<16xi32>
      %swap3A_104 = arith.constant 0 : index
      %swap3A_105 = tpu.vector_load %arg7[%swap3A_104] {strides = array<i32>} : memref<16xf32, #tpu.memory_space<vmem>>, vector<16xf32>,
      tpu.vector_store %arg7[%swap3A_104], %scan3A_101 {strides = array<i32>} : memref<16xf32, #tpu.memory_space<vmem>>, vector<16xf32>,
      %xor3A_106 = arith.constant 1 : i32
      %xor3A_107 = vector.broadcast %xor3A_106 : i32 to vector<16xi32>
      %xor3A_108 = arith.xori %iota3A_103, %xor3A_107 : vector<16xi32>
      %gather3A_109 = tpu.vector_load_idx %arg7[%xor3A_108] : memref<16xf32, #tpu.memory_space<vmem>>[vector<16xi32>], vector<16xf32>,
      %add3A_110 = arith.addf %scan3A_101, %gather3A_109 : vector<16xf32>
      %swap3A_111 = arith.constant 0 : index
      %swap3A_112 = tpu.vector_load %arg7[%swap3A_111] {strides = array<i32>} : memref<16xf32, #tpu.memory_space<vmem>>, vector<16xf32>,
      tpu.vector_store %arg7[%swap3A_111], %add3A_110 {strides = array<i32>} : memref<16xf32, #tpu.memory_space<vmem>>, vector<16xf32>,
      %xor3A_113 = arith.constant 2 : i32
      %xor3A_114 = vector.broadcast %xor3A_113 : i32 to vector<16xi32>
      %xor3A_115 = arith.xori %iota3A_103, %xor3A_114 : vector<16xi32>
      %gather3A_116 = tpu.vector_load_idx %arg7[%xor3A_115] : memref<16xf32, #tpu.memory_space<vmem>>[vector<16xi32>], vector<16xf32>,
      %add3A_117 = arith.addf %add3A_110, %gather3A_116 : vector<16xf32>
      %swap3A_118 = arith.constant 0 : index
      %swap3A_119 = tpu.vector_load %arg7[%swap3A_118] {strides = array<i32>} : memref<16xf32, #tpu.memory_space<vmem>>, vector<16xf32>,
      tpu.vector_store %arg7[%swap3A_118], %add3A_117 {strides = array<i32>} : memref<16xf32, #tpu.memory_space<vmem>>, vector<16xf32>,
      %xor3A_120 = arith.constant 4 : i32
      %xor3A_121 = vector.broadcast %xor3A_120 : i32 to vector<16xi32>
      %xor3A_122 = arith.xori %iota3A_103, %xor3A_121 : vector<16xi32>
      %gather3A_123 = tpu.vector_load_idx %arg7[%xor3A_122] : memref<16xf32, #tpu.memory_space<vmem>>[vector<16xi32>], vector<16xf32>,
      %add3A_124 = arith.addf %add3A_117, %gather3A_123 : vector<16xf32>
      %swap3A_125 = arith.constant 0 : index
      %swap3A_126 = tpu.vector_load %arg7[%swap3A_125] {strides = array<i32>} : memref<16xf32, #tpu.memory_space<vmem>>, vector<16xf32>,
      tpu.vector_store %arg7[%swap3A_125], %add3A_124 {strides = array<i32>} : memref<16xf32, #tpu.memory_space<vmem>>, vector<16xf32>,
      %xor3A_127 = arith.constant 8 : i32
      %xor3A_128 = vector.broadcast %xor3A_127 : i32 to vector<16xi32>
      %xor3A_129 = arith.xori %iota3A_103, %xor3A_128 : vector<16xi32>
      %gather3A_130 = tpu.vector_load_idx %arg7[%xor3A_129] : memref<16xf32, #tpu.memory_space<vmem>>[vector<16xi32>], vector<16xf32>,
      %add3A_131 = arith.addf %add3A_124, %gather3A_130 : vector<16xf32>
      %lt3A_132 = arith.constant 2.048000e+03 : f32
      %lt3A_133 = vector.broadcast %lt3A_132 : f32 to vector<16xf32>
      %lt3A_134 = arith.cmpf olt, %add3A_131, %lt3A_133 : vector<16xf32>
      %select_n3A_135 = arith.select %lt3A_134, %or3A_94, %select_n3A_91 : vector<16xi1>, vector<16xi32>
      %or3A_136 = arith.constant 268435456 : i32
      %or3A_137 = vector.broadcast %or3A_136 : i32 to vector<16xi32>
      %or3A_138 = arith.ori %select_n3A_135, %or3A_137 : vector<16xi32>
      %broadcast_in_dim3A_139 = arith.constant 0.000000e+00 : f32
      %broadcast_in_dim3A_140 = vector.broadcast %broadcast_in_dim3A_139 : f32 to vector<16xf32>
      %scan3A_141 = arith.constant 0 : i32
      %scan3A_142 = arith.constant 256 : i32
      %scan3A_143 = arith.addi %scan3A_141, %scan3A_142 : i32
      %scan3A_144 = arith.constant 1 : i32
      %scan3A_145 = scf.for %scan3A_1495 = %scan3A_141 to %scan3A_143 step %scan3A_144 iter_args(%scan3A_1496 = %broadcast_in_dim3A_140) -> (vector<16xf32>)  : i32 {
        %mul3A_1497 = arith.constant 16 : i32
        %mul3A_1498 = arith.muli %scan3A_1495, %mul3A_1497 : i32
        %get3A = arith.index_cast %mul3A_1498 : i32 to index
        %get3A_1499 = tpu.vector_load %arg5[%get3A] {strides = array<i32>} : memref<4096xi32, #tpu.memory_space<vmem>>, vector<16xi32>,
        %lt3A_1500 = arith.cmpi ult, %get3A_1499, %or3A_138 : vector<16xi32>
        %jit3A = arith.constant 1.000000e+00 : f32
        %jit3A_1501 = arith.constant 0.000000e+00 : f32
        %broadcast_in_dim3A_1502 = vector.broadcast %jit3A : f32 to vector<16xf32>
        %broadcast_in_dim3A_1503 = vector.broadcast %jit3A_1501 : f32 to vector<16xf32>
        %select_n3A_1504 = arith.select %lt3A_1500, %broadcast_in_dim3A_1502, %broadcast_in_dim3A_1503 : vector<16xi1>, vector<16xf32>
        %add3A_1505 = arith.addf %scan3A_1496, %select_n3A_1504 : vector<16xf32>
        scf.yield %add3A_1505 : vector<16xf32>
      }
      %scan3A_146 = arith.constant 256 : i32
      %iota3A_147 = tpu.iota {dimensions = array<i32: 0>} : vector<16xi32>
      %swap3A_148 = arith.constant 0 : index
      %swap3A_149 = tpu.vector_load %arg7[%swap3A_148] {strides = array<i32>} : memref<16xf32, #tpu.memory_space<vmem>>, vector<16xf32>,
      tpu.vector_store %arg7[%swap3A_148], %scan3A_145 {strides = array<i32>} : memref<16xf32, #tpu.memory_space<vmem>>, vector<16xf32>,
      %xor3A_150 = arith.constant 1 : i32
      %xor3A_151 = vector.broadcast %xor3A_150 : i32 to vector<16xi32>
      %xor3A_152 = arith.xori %iota3A_147, %xor3A_151 : vector<16xi32>
      %gather3A_153 = tpu.vector_load_idx %arg7[%xor3A_152] : memref<16xf32, #tpu.memory_space<vmem>>[vector<16xi32>], vector<16xf32>,
      %add3A_154 = arith.addf %scan3A_145, %gather3A_153 : vector<16xf32>
      %swap3A_155 = arith.constant 0 : index
      %swap3A_156 = tpu.vector_load %arg7[%swap3A_155] {strides = array<i32>} : memref<16xf32, #tpu.memory_space<vmem>>, vector<16xf32>,
      tpu.vector_store %arg7[%swap3A_155], %add3A_154 {strides = array<i32>} : memref<16xf32, #tpu.memory_space<vmem>>, vector<16xf32>,
      %xor3A_157 = arith.constant 2 : i32
      %xor3A_158 = vector.broadcast %xor3A_157 : i32 to vector<16xi32>
      %xor3A_159 = arith.xori %iota3A_147, %xor3A_158 : vector<16xi32>
      %gather3A_160 = tpu.vector_load_idx %arg7[%xor3A_159] : memref<16xf32, #tpu.memory_space<vmem>>[vector<16xi32>], vector<16xf32>,
      %add3A_161 = arith.addf %add3A_154, %gather3A_160 : vector<16xf32>
      %swap3A_162 = arith.constant 0 : index
      %swap3A_163 = tpu.vector_load %arg7[%swap3A_162] {strides = array<i32>} : memref<16xf32, #tpu.memory_space<vmem>>, vector<16xf32>,
      tpu.vector_store %arg7[%swap3A_162], %add3A_161 {strides = array<i32>} : memref<16xf32, #tpu.memory_space<vmem>>, vector<16xf32>,
      %xor3A_164 = arith.constant 4 : i32
      %xor3A_165 = vector.broadcast %xor3A_164 : i32 to vector<16xi32>
      %xor3A_166 = arith.xori %iota3A_147, %xor3A_165 : vector<16xi32>
      %gather3A_167 = tpu.vector_load_idx %arg7[%xor3A_166] : memref<16xf32, #tpu.memory_space<vmem>>[vector<16xi32>], vector<16xf32>,
      %add3A_168 = arith.addf %add3A_161, %gather3A_167 : vector<16xf32>
      %swap3A_169 = arith.constant 0 : index
      %swap3A_170 = tpu.vector_load %arg7[%swap3A_169] {strides = array<i32>} : memref<16xf32, #tpu.memory_space<vmem>>, vector<16xf32>,
      tpu.vector_store %arg7[%swap3A_169], %add3A_168 {strides = array<i32>} : memref<16xf32, #tpu.memory_space<vmem>>, vector<16xf32>,
      %xor3A_171 = arith.constant 8 : i32
      %xor3A_172 = vector.broadcast %xor3A_171 : i32 to vector<16xi32>
      %xor3A_173 = arith.xori %iota3A_147, %xor3A_172 : vector<16xi32>
      %gather3A_174 = tpu.vector_load_idx %arg7[%xor3A_173] : memref<16xf32, #tpu.memory_space<vmem>>[vector<16xi32>], vector<16xf32>,
      %add3A_175 = arith.addf %add3A_168, %gather3A_174 : vector<16xf32>
      %lt3A_176 = arith.constant 2.048000e+03 : f32
      %lt3A_177 = vector.broadcast %lt3A_176 : f32 to vector<16xf32>
      %lt3A_178 = arith.cmpf olt, %add3A_175, %lt3A_177 : vector<16xf32>
      %select_n3A_179 = arith.select %lt3A_178, %or3A_138, %select_n3A_135 : vector<16xi1>, vector<16xi32>
      %or3A_180 = arith.constant 134217728 : i32
      %or3A_181 = vector.broadcast %or3A_180 : i32 to vector<16xi32>
      %or3A_182 = arith.ori %select_n3A_179, %or3A_181 : vector<16xi32>
      %broadcast_in_dim3A_183 = arith.constant 0.000000e+00 : f32
      %broadcast_in_dim3A_184 = vector.broadcast %broadcast_in_dim3A_183 : f32 to vector<16xf32>
      %scan3A_185 = arith.constant 0 : i32
      %scan3A_186 = arith.constant 256 : i32
      %scan3A_187 = arith.addi %scan3A_185, %scan3A_186 : i32
      %scan3A_188 = arith.constant 1 : i32
      %scan3A_189 = scf.for %scan3A_1495 = %scan3A_185 to %scan3A_187 step %scan3A_188 iter_args(%scan3A_1496 = %broadcast_in_dim3A_184) -> (vector<16xf32>)  : i32 {
        %mul3A_1497 = arith.constant 16 : i32
        %mul3A_1498 = arith.muli %scan3A_1495, %mul3A_1497 : i32
        %get3A = arith.index_cast %mul3A_1498 : i32 to index
        %get3A_1499 = tpu.vector_load %arg5[%get3A] {strides = array<i32>} : memref<4096xi32, #tpu.memory_space<vmem>>, vector<16xi32>,
        %lt3A_1500 = arith.cmpi ult, %get3A_1499, %or3A_182 : vector<16xi32>
        %jit3A = arith.constant 1.000000e+00 : f32
        %jit3A_1501 = arith.constant 0.000000e+00 : f32
        %broadcast_in_dim3A_1502 = vector.broadcast %jit3A : f32 to vector<16xf32>
        %broadcast_in_dim3A_1503 = vector.broadcast %jit3A_1501 : f32 to vector<16xf32>
        %select_n3A_1504 = arith.select %lt3A_1500, %broadcast_in_dim3A_1502, %broadcast_in_dim3A_1503 : vector<16xi1>, vector<16xf32>
        %add3A_1505 = arith.addf %scan3A_1496, %select_n3A_1504 : vector<16xf32>
        scf.yield %add3A_1505 : vector<16xf32>
      }
      %scan3A_190 = arith.constant 256 : i32
      %iota3A_191 = tpu.iota {dimensions = array<i32: 0>} : vector<16xi32>
      %swap3A_192 = arith.constant 0 : index
      %swap3A_193 = tpu.vector_load %arg7[%swap3A_192] {strides = array<i32>} : memref<16xf32, #tpu.memory_space<vmem>>, vector<16xf32>,
      tpu.vector_store %arg7[%swap3A_192], %scan3A_189 {strides = array<i32>} : memref<16xf32, #tpu.memory_space<vmem>>, vector<16xf32>,
      %xor3A_194 = arith.constant 1 : i32
      %xor3A_195 = vector.broadcast %xor3A_194 : i32 to vector<16xi32>
      %xor3A_196 = arith.xori %iota3A_191, %xor3A_195 : vector<16xi32>
      %gather3A_197 = tpu.vector_load_idx %arg7[%xor3A_196] : memref<16xf32, #tpu.memory_space<vmem>>[vector<16xi32>], vector<16xf32>,
      %add3A_198 = arith.addf %scan3A_189, %gather3A_197 : vector<16xf32>
      %swap3A_199 = arith.constant 0 : index
      %swap3A_200 = tpu.vector_load %arg7[%swap3A_199] {strides = array<i32>} : memref<16xf32, #tpu.memory_space<vmem>>, vector<16xf32>,
      tpu.vector_store %arg7[%swap3A_199], %add3A_198 {strides = array<i32>} : memref<16xf32, #tpu.memory_space<vmem>>, vector<16xf32>,
      %xor3A_201 = arith.constant 2 : i32
      %xor3A_202 = vector.broadcast %xor3A_201 : i32 to vector<16xi32>
      %xor3A_203 = arith.xori %iota3A_191, %xor3A_202 : vector<16xi32>
      %gather3A_204 = tpu.vector_load_idx %arg7[%xor3A_203] : memref<16xf32, #tpu.memory_space<vmem>>[vector<16xi32>], vector<16xf32>,
      %add3A_205 = arith.addf %add3A_198, %gather3A_204 : vector<16xf32>
      %swap3A_206 = arith.constant 0 : index
      %swap3A_207 = tpu.vector_load %arg7[%swap3A_206] {strides = array<i32>} : memref<16xf32, #tpu.memory_space<vmem>>, vector<16xf32>,
      tpu.vector_store %arg7[%swap3A_206], %add3A_205 {strides = array<i32>} : memref<16xf32, #tpu.memory_space<vmem>>, vector<16xf32>,
      %xor3A_208 = arith.constant 4 : i32
      %xor3A_209 = vector.broadcast %xor3A_208 : i32 to vector<16xi32>
      %xor3A_210 = arith.xori %iota3A_191, %xor3A_209 : vector<16xi32>
      %gather3A_211 = tpu.vector_load_idx %arg7[%xor3A_210] : memref<16xf32, #tpu.memory_space<vmem>>[vector<16xi32>], vector<16xf32>,
      %add3A_212 = arith.addf %add3A_205, %gather3A_211 : vector<16xf32>
      %swap3A_213 = arith.constant 0 : index
      %swap3A_214 = tpu.vector_load %arg7[%swap3A_213] {strides = array<i32>} : memref<16xf32, #tpu.memory_space<vmem>>, vector<16xf32>,
      tpu.vector_store %arg7[%swap3A_213], %add3A_212 {strides = array<i32>} : memref<16xf32, #tpu.memory_space<vmem>>, vector<16xf32>,
      %xor3A_215 = arith.constant 8 : i32
      %xor3A_216 = vector.broadcast %xor3A_215 : i32 to vector<16xi32>
      %xor3A_217 = arith.xori %iota3A_191, %xor3A_216 : vector<16xi32>
      %gather3A_218 = tpu.vector_load_idx %arg7[%xor3A_217] : memref<16xf32, #tpu.memory_space<vmem>>[vector<16xi32>], vector<16xf32>,
      %add3A_219 = arith.addf %add3A_212, %gather3A_218 : vector<16xf32>
      %lt3A_220 = arith.constant 2.048000e+03 : f32
      %lt3A_221 = vector.broadcast %lt3A_220 : f32 to vector<16xf32>
      %lt3A_222 = arith.cmpf olt, %add3A_219, %lt3A_221 : vector<16xf32>
      %select_n3A_223 = arith.select %lt3A_222, %or3A_182, %select_n3A_179 : vector<16xi1>, vector<16xi32>
      %or3A_224 = arith.constant 67108864 : i32
      %or3A_225 = vector.broadcast %or3A_224 : i32 to vector<16xi32>
      %or3A_226 = arith.ori %select_n3A_223, %or3A_225 : vector<16xi32>
      %broadcast_in_dim3A_227 = arith.constant 0.000000e+00 : f32
      %broadcast_in_dim3A_228 = vector.broadcast %broadcast_in_dim3A_227 : f32 to vector<16xf32>
      %scan3A_229 = arith.constant 0 : i32
      %scan3A_230 = arith.constant 256 : i32
      %scan3A_231 = arith.addi %scan3A_229, %scan3A_230 : i32
      %scan3A_232 = arith.constant 1 : i32
      %scan3A_233 = scf.for %scan3A_1495 = %scan3A_229 to %scan3A_231 step %scan3A_232 iter_args(%scan3A_1496 = %broadcast_in_dim3A_228) -> (vector<16xf32>)  : i32 {
        %mul3A_1497 = arith.constant 16 : i32
        %mul3A_1498 = arith.muli %scan3A_1495, %mul3A_1497 : i32
        %get3A = arith.index_cast %mul3A_1498 : i32 to index
        %get3A_1499 = tpu.vector_load %arg5[%get3A] {strides = array<i32>} : memref<4096xi32, #tpu.memory_space<vmem>>, vector<16xi32>,
        %lt3A_1500 = arith.cmpi ult, %get3A_1499, %or3A_226 : vector<16xi32>
        %jit3A = arith.constant 1.000000e+00 : f32
        %jit3A_1501 = arith.constant 0.000000e+00 : f32
        %broadcast_in_dim3A_1502 = vector.broadcast %jit3A : f32 to vector<16xf32>
        %broadcast_in_dim3A_1503 = vector.broadcast %jit3A_1501 : f32 to vector<16xf32>
        %select_n3A_1504 = arith.select %lt3A_1500, %broadcast_in_dim3A_1502, %broadcast_in_dim3A_1503 : vector<16xi1>, vector<16xf32>
        %add3A_1505 = arith.addf %scan3A_1496, %select_n3A_1504 : vector<16xf32>
        scf.yield %add3A_1505 : vector<16xf32>
      }
      %scan3A_234 = arith.constant 256 : i32
      %iota3A_235 = tpu.iota {dimensions = array<i32: 0>} : vector<16xi32>
      %swap3A_236 = arith.constant 0 : index
      %swap3A_237 = tpu.vector_load %arg7[%swap3A_236] {strides = array<i32>} : memref<16xf32, #tpu.memory_space<vmem>>, vector<16xf32>,
      tpu.vector_store %arg7[%swap3A_236], %scan3A_233 {strides = array<i32>} : memref<16xf32, #tpu.memory_space<vmem>>, vector<16xf32>,
      %xor3A_238 = arith.constant 1 : i32
      %xor3A_239 = vector.broadcast %xor3A_238 : i32 to vector<16xi32>
      %xor3A_240 = arith.xori %iota3A_235, %xor3A_239 : vector<16xi32>
      %gather3A_241 = tpu.vector_load_idx %arg7[%xor3A_240] : memref<16xf32, #tpu.memory_space<vmem>>[vector<16xi32>], vector<16xf32>,
      %add3A_242 = arith.addf %scan3A_233, %gather3A_241 : vector<16xf32>
      %swap3A_243 = arith.constant 0 : index
      %swap3A_244 = tpu.vector_load %arg7[%swap3A_243] {strides = array<i32>} : memref<16xf32, #tpu.memory_space<vmem>>, vector<16xf32>,
      tpu.vector_store %arg7[%swap3A_243], %add3A_242 {strides = array<i32>} : memref<16xf32, #tpu.memory_space<vmem>>, vector<16xf32>,
      %xor3A_245 = arith.constant 2 : i32
      %xor3A_246 = vector.broadcast %xor3A_245 : i32 to vector<16xi32>
      %xor3A_247 = arith.xori %iota3A_235, %xor3A_246 : vector<16xi32>
      %gather3A_248 = tpu.vector_load_idx %arg7[%xor3A_247] : memref<16xf32, #tpu.memory_space<vmem>>[vector<16xi32>], vector<16xf32>,
      %add3A_249 = arith.addf %add3A_242, %gather3A_248 : vector<16xf32>
      %swap3A_250 = arith.constant 0 : index
      %swap3A_251 = tpu.vector_load %arg7[%swap3A_250] {strides = array<i32>} : memref<16xf32, #tpu.memory_space<vmem>>, vector<16xf32>,
      tpu.vector_store %arg7[%swap3A_250], %add3A_249 {strides = array<i32>} : memref<16xf32, #tpu.memory_space<vmem>>, vector<16xf32>,
      %xor3A_252 = arith.constant 4 : i32
      %xor3A_253 = vector.broadcast %xor3A_252 : i32 to vector<16xi32>
      %xor3A_254 = arith.xori %iota3A_235, %xor3A_253 : vector<16xi32>
      %gather3A_255 = tpu.vector_load_idx %arg7[%xor3A_254] : memref<16xf32, #tpu.memory_space<vmem>>[vector<16xi32>], vector<16xf32>,
      %add3A_256 = arith.addf %add3A_249, %gather3A_255 : vector<16xf32>
      %swap3A_257 = arith.constant 0 : index
      %swap3A_258 = tpu.vector_load %arg7[%swap3A_257] {strides = array<i32>} : memref<16xf32, #tpu.memory_space<vmem>>, vector<16xf32>,
      tpu.vector_store %arg7[%swap3A_257], %add3A_256 {strides = array<i32>} : memref<16xf32, #tpu.memory_space<vmem>>, vector<16xf32>,
      %xor3A_259 = arith.constant 8 : i32
      %xor3A_260 = vector.broadcast %xor3A_259 : i32 to vector<16xi32>
      %xor3A_261 = arith.xori %iota3A_235, %xor3A_260 : vector<16xi32>
      %gather3A_262 = tpu.vector_load_idx %arg7[%xor3A_261] : memref<16xf32, #tpu.memory_space<vmem>>[vector<16xi32>], vector<16xf32>,
      %add3A_263 = arith.addf %add3A_256, %gather3A_262 : vector<16xf32>
      %lt3A_264 = arith.constant 2.048000e+03 : f32
      %lt3A_265 = vector.broadcast %lt3A_264 : f32 to vector<16xf32>
      %lt3A_266 = arith.cmpf olt, %add3A_263, %lt3A_265 : vector<16xf32>
      %select_n3A_267 = arith.select %lt3A_266, %or3A_226, %select_n3A_223 : vector<16xi1>, vector<16xi32>
      %or3A_268 = arith.constant 33554432 : i32
      %or3A_269 = vector.broadcast %or3A_268 : i32 to vector<16xi32>
      %or3A_270 = arith.ori %select_n3A_267, %or3A_269 : vector<16xi32>
      %broadcast_in_dim3A_271 = arith.constant 0.000000e+00 : f32
      %broadcast_in_dim3A_272 = vector.broadcast %broadcast_in_dim3A_271 : f32 to vector<16xf32>
      %scan3A_273 = arith.constant 0 : i32
      %scan3A_274 = arith.constant 256 : i32
      %scan3A_275 = arith.addi %scan3A_273, %scan3A_274 : i32
      %scan3A_276 = arith.constant 1 : i32
      %scan3A_277 = scf.for %scan3A_1495 = %scan3A_273 to %scan3A_275 step %scan3A_276 iter_args(%scan3A_1496 = %broadcast_in_dim3A_272) -> (vector<16xf32>)  : i32 {
        %mul3A_1497 = arith.constant 16 : i32
        %mul3A_1498 = arith.muli %scan3A_1495, %mul3A_1497 : i32
        %get3A = arith.index_cast %mul3A_1498 : i32 to index
        %get3A_1499 = tpu.vector_load %arg5[%get3A] {strides = array<i32>} : memref<4096xi32, #tpu.memory_space<vmem>>, vector<16xi32>,
        %lt3A_1500 = arith.cmpi ult, %get3A_1499, %or3A_270 : vector<16xi32>
        %jit3A = arith.constant 1.000000e+00 : f32
        %jit3A_1501 = arith.constant 0.000000e+00 : f32
        %broadcast_in_dim3A_1502 = vector.broadcast %jit3A : f32 to vector<16xf32>
        %broadcast_in_dim3A_1503 = vector.broadcast %jit3A_1501 : f32 to vector<16xf32>
        %select_n3A_1504 = arith.select %lt3A_1500, %broadcast_in_dim3A_1502, %broadcast_in_dim3A_1503 : vector<16xi1>, vector<16xf32>
        %add3A_1505 = arith.addf %scan3A_1496, %select_n3A_1504 : vector<16xf32>
        scf.yield %add3A_1505 : vector<16xf32>
      }
      %scan3A_278 = arith.constant 256 : i32
      %iota3A_279 = tpu.iota {dimensions = array<i32: 0>} : vector<16xi32>
      %swap3A_280 = arith.constant 0 : index
      %swap3A_281 = tpu.vector_load %arg7[%swap3A_280] {strides = array<i32>} : memref<16xf32, #tpu.memory_space<vmem>>, vector<16xf32>,
      tpu.vector_store %arg7[%swap3A_280], %scan3A_277 {strides = array<i32>} : memref<16xf32, #tpu.memory_space<vmem>>, vector<16xf32>,
      %xor3A_282 = arith.constant 1 : i32
      %xor3A_283 = vector.broadcast %xor3A_282 : i32 to vector<16xi32>
      %xor3A_284 = arith.xori %iota3A_279, %xor3A_283 : vector<16xi32>
      %gather3A_285 = tpu.vector_load_idx %arg7[%xor3A_284] : memref<16xf32, #tpu.memory_space<vmem>>[vector<16xi32>], vector<16xf32>,
      %add3A_286 = arith.addf %scan3A_277, %gather3A_285 : vector<16xf32>
      %swap3A_287 = arith.constant 0 : index
      %swap3A_288 = tpu.vector_load %arg7[%swap3A_287] {strides = array<i32>} : memref<16xf32, #tpu.memory_space<vmem>>, vector<16xf32>,
      tpu.vector_store %arg7[%swap3A_287], %add3A_286 {strides = array<i32>} : memref<16xf32, #tpu.memory_space<vmem>>, vector<16xf32>,
      %xor3A_289 = arith.constant 2 : i32
      %xor3A_290 = vector.broadcast %xor3A_289 : i32 to vector<16xi32>
      %xor3A_291 = arith.xori %iota3A_279, %xor3A_290 : vector<16xi32>
      %gather3A_292 = tpu.vector_load_idx %arg7[%xor3A_291] : memref<16xf32, #tpu.memory_space<vmem>>[vector<16xi32>], vector<16xf32>,
      %add3A_293 = arith.addf %add3A_286, %gather3A_292 : vector<16xf32>
      %swap3A_294 = arith.constant 0 : index
      %swap3A_295 = tpu.vector_load %arg7[%swap3A_294] {strides = array<i32>} : memref<16xf32, #tpu.memory_space<vmem>>, vector<16xf32>,
      tpu.vector_store %arg7[%swap3A_294], %add3A_293 {strides = array<i32>} : memref<16xf32, #tpu.memory_space<vmem>>, vector<16xf32>,
      %xor3A_296 = arith.constant 4 : i32
      %xor3A_297 = vector.broadcast %xor3A_296 : i32 to vector<16xi32>
      %xor3A_298 = arith.xori %iota3A_279, %xor3A_297 : vector<16xi32>
      %gather3A_299 = tpu.vector_load_idx %arg7[%xor3A_298] : memref<16xf32, #tpu.memory_space<vmem>>[vector<16xi32>], vector<16xf32>,
      %add3A_300 = arith.addf %add3A_293, %gather3A_299 : vector<16xf32>
      %swap3A_301 = arith.constant 0 : index
      %swap3A_302 = tpu.vector_load %arg7[%swap3A_301] {strides = array<i32>} : memref<16xf32, #tpu.memory_space<vmem>>, vector<16xf32>,
      tpu.vector_store %arg7[%swap3A_301], %add3A_300 {strides = array<i32>} : memref<16xf32, #tpu.memory_space<vmem>>, vector<16xf32>,
      %xor3A_303 = arith.constant 8 : i32
      %xor3A_304 = vector.broadcast %xor3A_303 : i32 to vector<16xi32>
      %xor3A_305 = arith.xori %iota3A_279, %xor3A_304 : vector<16xi32>
      %gather3A_306 = tpu.vector_load_idx %arg7[%xor3A_305] : memref<16xf32, #tpu.memory_space<vmem>>[vector<16xi32>], vector<16xf32>,
      %add3A_307 = arith.addf %add3A_300, %gather3A_306 : vector<16xf32>
      %lt3A_308 = arith.constant 2.048000e+03 : f32
      %lt3A_309 = vector.broadcast %lt3A_308 : f32 to vector<16xf32>
      %lt3A_310 = arith.cmpf olt, %add3A_307, %lt3A_309 : vector<16xf32>
      %select_n3A_311 = arith.select %lt3A_310, %or3A_270, %select_n3A_267 : vector<16xi1>, vector<16xi32>
      %or3A_312 = arith.constant 16777216 : i32
      %or3A_313 = vector.broadcast %or3A_312 : i32 to vector<16xi32>
      %or3A_314 = arith.ori %select_n3A_311, %or3A_313 : vector<16xi32>
      %broadcast_in_dim3A_315 = arith.constant 0.000000e+00 : f32
      %broadcast_in_dim3A_316 = vector.broadcast %broadcast_in_dim3A_315 : f32 to vector<16xf32>
      %scan3A_317 = arith.constant 0 : i32
      %scan3A_318 = arith.constant 256 : i32
      %scan3A_319 = arith.addi %scan3A_317, %scan3A_318 : i32
      %scan3A_320 = arith.constant 1 : i32
      %scan3A_321 = scf.for %scan3A_1495 = %scan3A_317 to %scan3A_319 step %scan3A_320 iter_args(%scan3A_1496 = %broadcast_in_dim3A_316) -> (vector<16xf32>)  : i32 {
        %mul3A_1497 = arith.constant 16 : i32
        %mul3A_1498 = arith.muli %scan3A_1495, %mul3A_1497 : i32
        %get3A = arith.index_cast %mul3A_1498 : i32 to index
        %get3A_1499 = tpu.vector_load %arg5[%get3A] {strides = array<i32>} : memref<4096xi32, #tpu.memory_space<vmem>>, vector<16xi32>,
        %lt3A_1500 = arith.cmpi ult, %get3A_1499, %or3A_314 : vector<16xi32>
        %jit3A = arith.constant 1.000000e+00 : f32
        %jit3A_1501 = arith.constant 0.000000e+00 : f32
        %broadcast_in_dim3A_1502 = vector.broadcast %jit3A : f32 to vector<16xf32>
        %broadcast_in_dim3A_1503 = vector.broadcast %jit3A_1501 : f32 to vector<16xf32>
        %select_n3A_1504 = arith.select %lt3A_1500, %broadcast_in_dim3A_1502, %broadcast_in_dim3A_1503 : vector<16xi1>, vector<16xf32>
        %add3A_1505 = arith.addf %scan3A_1496, %select_n3A_1504 : vector<16xf32>
        scf.yield %add3A_1505 : vector<16xf32>
      }
      %scan3A_322 = arith.constant 256 : i32
      %iota3A_323 = tpu.iota {dimensions = array<i32: 0>} : vector<16xi32>
      %swap3A_324 = arith.constant 0 : index
      %swap3A_325 = tpu.vector_load %arg7[%swap3A_324] {strides = array<i32>} : memref<16xf32, #tpu.memory_space<vmem>>, vector<16xf32>,
      tpu.vector_store %arg7[%swap3A_324], %scan3A_321 {strides = array<i32>} : memref<16xf32, #tpu.memory_space<vmem>>, vector<16xf32>,
      %xor3A_326 = arith.constant 1 : i32
      %xor3A_327 = vector.broadcast %xor3A_326 : i32 to vector<16xi32>
      %xor3A_328 = arith.xori %iota3A_323, %xor3A_327 : vector<16xi32>
      %gather3A_329 = tpu.vector_load_idx %arg7[%xor3A_328] : memref<16xf32, #tpu.memory_space<vmem>>[vector<16xi32>], vector<16xf32>,
      %add3A_330 = arith.addf %scan3A_321, %gather3A_329 : vector<16xf32>
      %swap3A_331 = arith.constant 0 : index
      %swap3A_332 = tpu.vector_load %arg7[%swap3A_331] {strides = array<i32>} : memref<16xf32, #tpu.memory_space<vmem>>, vector<16xf32>,
      tpu.vector_store %arg7[%swap3A_331], %add3A_330 {strides = array<i32>} : memref<16xf32, #tpu.memory_space<vmem>>, vector<16xf32>,
      %xor3A_333 = arith.constant 2 : i32
      %xor3A_334 = vector.broadcast %xor3A_333 : i32 to vector<16xi32>
      %xor3A_335 = arith.xori %iota3A_323, %xor3A_334 : vector<16xi32>
      %gather3A_336 = tpu.vector_load_idx %arg7[%xor3A_335] : memref<16xf32, #tpu.memory_space<vmem>>[vector<16xi32>], vector<16xf32>,
      %add3A_337 = arith.addf %add3A_330, %gather3A_336 : vector<16xf32>
      %swap3A_338 = arith.constant 0 : index
      %swap3A_339 = tpu.vector_load %arg7[%swap3A_338] {strides = array<i32>} : memref<16xf32, #tpu.memory_space<vmem>>, vector<16xf32>,
      tpu.vector_store %arg7[%swap3A_338], %add3A_337 {strides = array<i32>} : memref<16xf32, #tpu.memory_space<vmem>>, vector<16xf32>,
      %xor3A_340 = arith.constant 4 : i32
      %xor3A_341 = vector.broadcast %xor3A_340 : i32 to vector<16xi32>
      %xor3A_342 = arith.xori %iota3A_323, %xor3A_341 : vector<16xi32>
      %gather3A_343 = tpu.vector_load_idx %arg7[%xor3A_342] : memref<16xf32, #tpu.memory_space<vmem>>[vector<16xi32>], vector<16xf32>,
      %add3A_344 = arith.addf %add3A_337, %gather3A_343 : vector<16xf32>
      %swap3A_345 = arith.constant 0 : index
      %swap3A_346 = tpu.vector_load %arg7[%swap3A_345] {strides = array<i32>} : memref<16xf32, #tpu.memory_space<vmem>>, vector<16xf32>,
      tpu.vector_store %arg7[%swap3A_345], %add3A_344 {strides = array<i32>} : memref<16xf32, #tpu.memory_space<vmem>>, vector<16xf32>,
      %xor3A_347 = arith.constant 8 : i32
      %xor3A_348 = vector.broadcast %xor3A_347 : i32 to vector<16xi32>
      %xor3A_349 = arith.xori %iota3A_323, %xor3A_348 : vector<16xi32>
      %gather3A_350 = tpu.vector_load_idx %arg7[%xor3A_349] : memref<16xf32, #tpu.memory_space<vmem>>[vector<16xi32>], vector<16xf32>,
      %add3A_351 = arith.addf %add3A_344, %gather3A_350 : vector<16xf32>
      %lt3A_352 = arith.constant 2.048000e+03 : f32
      %lt3A_353 = vector.broadcast %lt3A_352 : f32 to vector<16xf32>
      %lt3A_354 = arith.cmpf olt, %add3A_351, %lt3A_353 : vector<16xf32>
      %select_n3A_355 = arith.select %lt3A_354, %or3A_314, %select_n3A_311 : vector<16xi1>, vector<16xi32>
      %or3A_356 = arith.constant 8388608 : i32
      %or3A_357 = vector.broadcast %or3A_356 : i32 to vector<16xi32>
      %or3A_358 = arith.ori %select_n3A_355, %or3A_357 : vector<16xi32>
      %broadcast_in_dim3A_359 = arith.constant 0.000000e+00 : f32
      %broadcast_in_dim3A_360 = vector.broadcast %broadcast_in_dim3A_359 : f32 to vector<16xf32>
      %scan3A_361 = arith.constant 0 : i32
      %scan3A_362 = arith.constant 256 : i32
      %scan3A_363 = arith.addi %scan3A_361, %scan3A_362 : i32
      %scan3A_364 = arith.constant 1 : i32
      %scan3A_365 = scf.for %scan3A_1495 = %scan3A_361 to %scan3A_363 step %scan3A_364 iter_args(%scan3A_1496 = %broadcast_in_dim3A_360) -> (vector<16xf32>)  : i32 {
        %mul3A_1497 = arith.constant 16 : i32
        %mul3A_1498 = arith.muli %scan3A_1495, %mul3A_1497 : i32
        %get3A = arith.index_cast %mul3A_1498 : i32 to index
        %get3A_1499 = tpu.vector_load %arg5[%get3A] {strides = array<i32>} : memref<4096xi32, #tpu.memory_space<vmem>>, vector<16xi32>,
        %lt3A_1500 = arith.cmpi ult, %get3A_1499, %or3A_358 : vector<16xi32>
        %jit3A = arith.constant 1.000000e+00 : f32
        %jit3A_1501 = arith.constant 0.000000e+00 : f32
        %broadcast_in_dim3A_1502 = vector.broadcast %jit3A : f32 to vector<16xf32>
        %broadcast_in_dim3A_1503 = vector.broadcast %jit3A_1501 : f32 to vector<16xf32>
        %select_n3A_1504 = arith.select %lt3A_1500, %broadcast_in_dim3A_1502, %broadcast_in_dim3A_1503 : vector<16xi1>, vector<16xf32>
        %add3A_1505 = arith.addf %scan3A_1496, %select_n3A_1504 : vector<16xf32>
        scf.yield %add3A_1505 : vector<16xf32>
      }
      %scan3A_366 = arith.constant 256 : i32
      %iota3A_367 = tpu.iota {dimensions = array<i32: 0>} : vector<16xi32>
      %swap3A_368 = arith.constant 0 : index
      %swap3A_369 = tpu.vector_load %arg7[%swap3A_368] {strides = array<i32>} : memref<16xf32, #tpu.memory_space<vmem>>, vector<16xf32>,
      tpu.vector_store %arg7[%swap3A_368], %scan3A_365 {strides = array<i32>} : memref<16xf32, #tpu.memory_space<vmem>>, vector<16xf32>,
      %xor3A_370 = arith.constant 1 : i32
      %xor3A_371 = vector.broadcast %xor3A_370 : i32 to vector<16xi32>
      %xor3A_372 = arith.xori %iota3A_367, %xor3A_371 : vector<16xi32>
      %gather3A_373 = tpu.vector_load_idx %arg7[%xor3A_372] : memref<16xf32, #tpu.memory_space<vmem>>[vector<16xi32>], vector<16xf32>,
      %add3A_374 = arith.addf %scan3A_365, %gather3A_373 : vector<16xf32>
      %swap3A_375 = arith.constant 0 : index
      %swap3A_376 = tpu.vector_load %arg7[%swap3A_375] {strides = array<i32>} : memref<16xf32, #tpu.memory_space<vmem>>, vector<16xf32>,
      tpu.vector_store %arg7[%swap3A_375], %add3A_374 {strides = array<i32>} : memref<16xf32, #tpu.memory_space<vmem>>, vector<16xf32>,
      %xor3A_377 = arith.constant 2 : i32
      %xor3A_378 = vector.broadcast %xor3A_377 : i32 to vector<16xi32>
      %xor3A_379 = arith.xori %iota3A_367, %xor3A_378 : vector<16xi32>
      %gather3A_380 = tpu.vector_load_idx %arg7[%xor3A_379] : memref<16xf32, #tpu.memory_space<vmem>>[vector<16xi32>], vector<16xf32>,
      %add3A_381 = arith.addf %add3A_374, %gather3A_380 : vector<16xf32>
      %swap3A_382 = arith.constant 0 : index
      %swap3A_383 = tpu.vector_load %arg7[%swap3A_382] {strides = array<i32>} : memref<16xf32, #tpu.memory_space<vmem>>, vector<16xf32>,
      tpu.vector_store %arg7[%swap3A_382], %add3A_381 {strides = array<i32>} : memref<16xf32, #tpu.memory_space<vmem>>, vector<16xf32>,
      %xor3A_384 = arith.constant 4 : i32
      %xor3A_385 = vector.broadcast %xor3A_384 : i32 to vector<16xi32>
      %xor3A_386 = arith.xori %iota3A_367, %xor3A_385 : vector<16xi32>
      %gather3A_387 = tpu.vector_load_idx %arg7[%xor3A_386] : memref<16xf32, #tpu.memory_space<vmem>>[vector<16xi32>], vector<16xf32>,
      %add3A_388 = arith.addf %add3A_381, %gather3A_387 : vector<16xf32>
      %swap3A_389 = arith.constant 0 : index
      %swap3A_390 = tpu.vector_load %arg7[%swap3A_389] {strides = array<i32>} : memref<16xf32, #tpu.memory_space<vmem>>, vector<16xf32>,
      tpu.vector_store %arg7[%swap3A_389], %add3A_388 {strides = array<i32>} : memref<16xf32, #tpu.memory_space<vmem>>, vector<16xf32>,
      %xor3A_391 = arith.constant 8 : i32
      %xor3A_392 = vector.broadcast %xor3A_391 : i32 to vector<16xi32>
      %xor3A_393 = arith.xori %iota3A_367, %xor3A_392 : vector<16xi32>
      %gather3A_394 = tpu.vector_load_idx %arg7[%xor3A_393] : memref<16xf32, #tpu.memory_space<vmem>>[vector<16xi32>], vector<16xf32>,
      %add3A_395 = arith.addf %add3A_388, %gather3A_394 : vector<16xf32>
      %lt3A_396 = arith.constant 2.048000e+03 : f32
      %lt3A_397 = vector.broadcast %lt3A_396 : f32 to vector<16xf32>
      %lt3A_398 = arith.cmpf olt, %add3A_395, %lt3A_397 : vector<16xf32>
      %select_n3A_399 = arith.select %lt3A_398, %or3A_358, %select_n3A_355 : vector<16xi1>, vector<16xi32>
      %or3A_400 = arith.constant 4194304 : i32
      %or3A_401 = vector.broadcast %or3A_400 : i32 to vector<16xi32>
      %or3A_402 = arith.ori %select_n3A_399, %or3A_401 : vector<16xi32>
      %broadcast_in_dim3A_403 = arith.constant 0.000000e+00 : f32
      %broadcast_in_dim3A_404 = vector.broadcast %broadcast_in_dim3A_403 : f32 to vector<16xf32>
      %scan3A_405 = arith.constant 0 : i32
      %scan3A_406 = arith.constant 256 : i32
      %scan3A_407 = arith.addi %scan3A_405, %scan3A_406 : i32
      %scan3A_408 = arith.constant 1 : i32
      %scan3A_409 = scf.for %scan3A_1495 = %scan3A_405 to %scan3A_407 step %scan3A_408 iter_args(%scan3A_1496 = %broadcast_in_dim3A_404) -> (vector<16xf32>)  : i32 {
        %mul3A_1497 = arith.constant 16 : i32
        %mul3A_1498 = arith.muli %scan3A_1495, %mul3A_1497 : i32
        %get3A = arith.index_cast %mul3A_1498 : i32 to index
        %get3A_1499 = tpu.vector_load %arg5[%get3A] {strides = array<i32>} : memref<4096xi32, #tpu.memory_space<vmem>>, vector<16xi32>,
        %lt3A_1500 = arith.cmpi ult, %get3A_1499, %or3A_402 : vector<16xi32>
        %jit3A = arith.constant 1.000000e+00 : f32
        %jit3A_1501 = arith.constant 0.000000e+00 : f32
        %broadcast_in_dim3A_1502 = vector.broadcast %jit3A : f32 to vector<16xf32>
        %broadcast_in_dim3A_1503 = vector.broadcast %jit3A_1501 : f32 to vector<16xf32>
        %select_n3A_1504 = arith.select %lt3A_1500, %broadcast_in_dim3A_1502, %broadcast_in_dim3A_1503 : vector<16xi1>, vector<16xf32>
        %add3A_1505 = arith.addf %scan3A_1496, %select_n3A_1504 : vector<16xf32>
        scf.yield %add3A_1505 : vector<16xf32>
      }
      %scan3A_410 = arith.constant 256 : i32
      %iota3A_411 = tpu.iota {dimensions = array<i32: 0>} : vector<16xi32>
      %swap3A_412 = arith.constant 0 : index
      %swap3A_413 = tpu.vector_load %arg7[%swap3A_412] {strides = array<i32>} : memref<16xf32, #tpu.memory_space<vmem>>, vector<16xf32>,
      tpu.vector_store %arg7[%swap3A_412], %scan3A_409 {strides = array<i32>} : memref<16xf32, #tpu.memory_space<vmem>>, vector<16xf32>,
      %xor3A_414 = arith.constant 1 : i32
      %xor3A_415 = vector.broadcast %xor3A_414 : i32 to vector<16xi32>
      %xor3A_416 = arith.xori %iota3A_411, %xor3A_415 : vector<16xi32>
      %gather3A_417 = tpu.vector_load_idx %arg7[%xor3A_416] : memref<16xf32, #tpu.memory_space<vmem>>[vector<16xi32>], vector<16xf32>,
      %add3A_418 = arith.addf %scan3A_409, %gather3A_417 : vector<16xf32>
      %swap3A_419 = arith.constant 0 : index
      %swap3A_420 = tpu.vector_load %arg7[%swap3A_419] {strides = array<i32>} : memref<16xf32, #tpu.memory_space<vmem>>, vector<16xf32>,
      tpu.vector_store %arg7[%swap3A_419], %add3A_418 {strides = array<i32>} : memref<16xf32, #tpu.memory_space<vmem>>, vector<16xf32>,
      %xor3A_421 = arith.constant 2 : i32
      %xor3A_422 = vector.broadcast %xor3A_421 : i32 to vector<16xi32>
      %xor3A_423 = arith.xori %iota3A_411, %xor3A_422 : vector<16xi32>
      %gather3A_424 = tpu.vector_load_idx %arg7[%xor3A_423] : memref<16xf32, #tpu.memory_space<vmem>>[vector<16xi32>], vector<16xf32>,
      %add3A_425 = arith.addf %add3A_418, %gather3A_424 : vector<16xf32>
      %swap3A_426 = arith.constant 0 : index
      %swap3A_427 = tpu.vector_load %arg7[%swap3A_426] {strides = array<i32>} : memref<16xf32, #tpu.memory_space<vmem>>, vector<16xf32>,
      tpu.vector_store %arg7[%swap3A_426], %add3A_425 {strides = array<i32>} : memref<16xf32, #tpu.memory_space<vmem>>, vector<16xf32>,
      %xor3A_428 = arith.constant 4 : i32
      %xor3A_429 = vector.broadcast %xor3A_428 : i32 to vector<16xi32>
      %xor3A_430 = arith.xori %iota3A_411, %xor3A_429 : vector<16xi32>
      %gather3A_431 = tpu.vector_load_idx %arg7[%xor3A_430] : memref<16xf32, #tpu.memory_space<vmem>>[vector<16xi32>], vector<16xf32>,
      %add3A_432 = arith.addf %add3A_425, %gather3A_431 : vector<16xf32>
      %swap3A_433 = arith.constant 0 : index
      %swap3A_434 = tpu.vector_load %arg7[%swap3A_433] {strides = array<i32>} : memref<16xf32, #tpu.memory_space<vmem>>, vector<16xf32>,
      tpu.vector_store %arg7[%swap3A_433], %add3A_432 {strides = array<i32>} : memref<16xf32, #tpu.memory_space<vmem>>, vector<16xf32>,
      %xor3A_435 = arith.constant 8 : i32
      %xor3A_436 = vector.broadcast %xor3A_435 : i32 to vector<16xi32>
      %xor3A_437 = arith.xori %iota3A_411, %xor3A_436 : vector<16xi32>
      %gather3A_438 = tpu.vector_load_idx %arg7[%xor3A_437] : memref<16xf32, #tpu.memory_space<vmem>>[vector<16xi32>], vector<16xf32>,
      %add3A_439 = arith.addf %add3A_432, %gather3A_438 : vector<16xf32>
      %lt3A_440 = arith.constant 2.048000e+03 : f32
      %lt3A_441 = vector.broadcast %lt3A_440 : f32 to vector<16xf32>
      %lt3A_442 = arith.cmpf olt, %add3A_439, %lt3A_441 : vector<16xf32>
      %select_n3A_443 = arith.select %lt3A_442, %or3A_402, %select_n3A_399 : vector<16xi1>, vector<16xi32>
      %or3A_444 = arith.constant 2097152 : i32
      %or3A_445 = vector.broadcast %or3A_444 : i32 to vector<16xi32>
      %or3A_446 = arith.ori %select_n3A_443, %or3A_445 : vector<16xi32>
      %broadcast_in_dim3A_447 = arith.constant 0.000000e+00 : f32
      %broadcast_in_dim3A_448 = vector.broadcast %broadcast_in_dim3A_447 : f32 to vector<16xf32>
      %scan3A_449 = arith.constant 0 : i32
      %scan3A_450 = arith.constant 256 : i32
      %scan3A_451 = arith.addi %scan3A_449, %scan3A_450 : i32
      %scan3A_452 = arith.constant 1 : i32
      %scan3A_453 = scf.for %scan3A_1495 = %scan3A_449 to %scan3A_451 step %scan3A_452 iter_args(%scan3A_1496 = %broadcast_in_dim3A_448) -> (vector<16xf32>)  : i32 {
        %mul3A_1497 = arith.constant 16 : i32
        %mul3A_1498 = arith.muli %scan3A_1495, %mul3A_1497 : i32
        %get3A = arith.index_cast %mul3A_1498 : i32 to index
        %get3A_1499 = tpu.vector_load %arg5[%get3A] {strides = array<i32>} : memref<4096xi32, #tpu.memory_space<vmem>>, vector<16xi32>,
        %lt3A_1500 = arith.cmpi ult, %get3A_1499, %or3A_446 : vector<16xi32>
        %jit3A = arith.constant 1.000000e+00 : f32
        %jit3A_1501 = arith.constant 0.000000e+00 : f32
        %broadcast_in_dim3A_1502 = vector.broadcast %jit3A : f32 to vector<16xf32>
        %broadcast_in_dim3A_1503 = vector.broadcast %jit3A_1501 : f32 to vector<16xf32>
        %select_n3A_1504 = arith.select %lt3A_1500, %broadcast_in_dim3A_1502, %broadcast_in_dim3A_1503 : vector<16xi1>, vector<16xf32>
        %add3A_1505 = arith.addf %scan3A_1496, %select_n3A_1504 : vector<16xf32>
        scf.yield %add3A_1505 : vector<16xf32>
      }
      %scan3A_454 = arith.constant 256 : i32
      %iota3A_455 = tpu.iota {dimensions = array<i32: 0>} : vector<16xi32>
      %swap3A_456 = arith.constant 0 : index
      %swap3A_457 = tpu.vector_load %arg7[%swap3A_456] {strides = array<i32>} : memref<16xf32, #tpu.memory_space<vmem>>, vector<16xf32>,
      tpu.vector_store %arg7[%swap3A_456], %scan3A_453 {strides = array<i32>} : memref<16xf32, #tpu.memory_space<vmem>>, vector<16xf32>,
      %xor3A_458 = arith.constant 1 : i32
      %xor3A_459 = vector.broadcast %xor3A_458 : i32 to vector<16xi32>
      %xor3A_460 = arith.xori %iota3A_455, %xor3A_459 : vector<16xi32>
      %gather3A_461 = tpu.vector_load_idx %arg7[%xor3A_460] : memref<16xf32, #tpu.memory_space<vmem>>[vector<16xi32>], vector<16xf32>,
      %add3A_462 = arith.addf %scan3A_453, %gather3A_461 : vector<16xf32>
      %swap3A_463 = arith.constant 0 : index
      %swap3A_464 = tpu.vector_load %arg7[%swap3A_463] {strides = array<i32>} : memref<16xf32, #tpu.memory_space<vmem>>, vector<16xf32>,
      tpu.vector_store %arg7[%swap3A_463], %add3A_462 {strides = array<i32>} : memref<16xf32, #tpu.memory_space<vmem>>, vector<16xf32>,
      %xor3A_465 = arith.constant 2 : i32
      %xor3A_466 = vector.broadcast %xor3A_465 : i32 to vector<16xi32>
      %xor3A_467 = arith.xori %iota3A_455, %xor3A_466 : vector<16xi32>
      %gather3A_468 = tpu.vector_load_idx %arg7[%xor3A_467] : memref<16xf32, #tpu.memory_space<vmem>>[vector<16xi32>], vector<16xf32>,
      %add3A_469 = arith.addf %add3A_462, %gather3A_468 : vector<16xf32>
      %swap3A_470 = arith.constant 0 : index
      %swap3A_471 = tpu.vector_load %arg7[%swap3A_470] {strides = array<i32>} : memref<16xf32, #tpu.memory_space<vmem>>, vector<16xf32>,
      tpu.vector_store %arg7[%swap3A_470], %add3A_469 {strides = array<i32>} : memref<16xf32, #tpu.memory_space<vmem>>, vector<16xf32>,
      %xor3A_472 = arith.constant 4 : i32
      %xor3A_473 = vector.broadcast %xor3A_472 : i32 to vector<16xi32>
      %xor3A_474 = arith.xori %iota3A_455, %xor3A_473 : vector<16xi32>
      %gather3A_475 = tpu.vector_load_idx %arg7[%xor3A_474] : memref<16xf32, #tpu.memory_space<vmem>>[vector<16xi32>], vector<16xf32>,
      %add3A_476 = arith.addf %add3A_469, %gather3A_475 : vector<16xf32>
      %swap3A_477 = arith.constant 0 : index
      %swap3A_478 = tpu.vector_load %arg7[%swap3A_477] {strides = array<i32>} : memref<16xf32, #tpu.memory_space<vmem>>, vector<16xf32>,
      tpu.vector_store %arg7[%swap3A_477], %add3A_476 {strides = array<i32>} : memref<16xf32, #tpu.memory_space<vmem>>, vector<16xf32>,
      %xor3A_479 = arith.constant 8 : i32
      %xor3A_480 = vector.broadcast %xor3A_479 : i32 to vector<16xi32>
      %xor3A_481 = arith.xori %iota3A_455, %xor3A_480 : vector<16xi32>
      %gather3A_482 = tpu.vector_load_idx %arg7[%xor3A_481] : memref<16xf32, #tpu.memory_space<vmem>>[vector<16xi32>], vector<16xf32>,
      %add3A_483 = arith.addf %add3A_476, %gather3A_482 : vector<16xf32>
      %lt3A_484 = arith.constant 2.048000e+03 : f32
      %lt3A_485 = vector.broadcast %lt3A_484 : f32 to vector<16xf32>
      %lt3A_486 = arith.cmpf olt, %add3A_483, %lt3A_485 : vector<16xf32>
      %select_n3A_487 = arith.select %lt3A_486, %or3A_446, %select_n3A_443 : vector<16xi1>, vector<16xi32>
      %or3A_488 = arith.constant 1048576 : i32
      %or3A_489 = vector.broadcast %or3A_488 : i32 to vector<16xi32>
      %or3A_490 = arith.ori %select_n3A_487, %or3A_489 : vector<16xi32>
      %broadcast_in_dim3A_491 = arith.constant 0.000000e+00 : f32
      %broadcast_in_dim3A_492 = vector.broadcast %broadcast_in_dim3A_491 : f32 to vector<16xf32>
      %scan3A_493 = arith.constant 0 : i32
      %scan3A_494 = arith.constant 256 : i32
      %scan3A_495 = arith.addi %scan3A_493, %scan3A_494 : i32
      %scan3A_496 = arith.constant 1 : i32
      %scan3A_497 = scf.for %scan3A_1495 = %scan3A_493 to %scan3A_495 step %scan3A_496 iter_args(%scan3A_1496 = %broadcast_in_dim3A_492) -> (vector<16xf32>)  : i32 {
        %mul3A_1497 = arith.constant 16 : i32
        %mul3A_1498 = arith.muli %scan3A_1495, %mul3A_1497 : i32
        %get3A = arith.index_cast %mul3A_1498 : i32 to index
        %get3A_1499 = tpu.vector_load %arg5[%get3A] {strides = array<i32>} : memref<4096xi32, #tpu.memory_space<vmem>>, vector<16xi32>,
        %lt3A_1500 = arith.cmpi ult, %get3A_1499, %or3A_490 : vector<16xi32>
        %jit3A = arith.constant 1.000000e+00 : f32
        %jit3A_1501 = arith.constant 0.000000e+00 : f32
        %broadcast_in_dim3A_1502 = vector.broadcast %jit3A : f32 to vector<16xf32>
        %broadcast_in_dim3A_1503 = vector.broadcast %jit3A_1501 : f32 to vector<16xf32>
        %select_n3A_1504 = arith.select %lt3A_1500, %broadcast_in_dim3A_1502, %broadcast_in_dim3A_1503 : vector<16xi1>, vector<16xf32>
        %add3A_1505 = arith.addf %scan3A_1496, %select_n3A_1504 : vector<16xf32>
        scf.yield %add3A_1505 : vector<16xf32>
      }
      %scan3A_498 = arith.constant 256 : i32
      %iota3A_499 = tpu.iota {dimensions = array<i32: 0>} : vector<16xi32>
      %swap3A_500 = arith.constant 0 : index
      %swap3A_501 = tpu.vector_load %arg7[%swap3A_500] {strides = array<i32>} : memref<16xf32, #tpu.memory_space<vmem>>, vector<16xf32>,
      tpu.vector_store %arg7[%swap3A_500], %scan3A_497 {strides = array<i32>} : memref<16xf32, #tpu.memory_space<vmem>>, vector<16xf32>,
      %xor3A_502 = arith.constant 1 : i32
      %xor3A_503 = vector.broadcast %xor3A_502 : i32 to vector<16xi32>
      %xor3A_504 = arith.xori %iota3A_499, %xor3A_503 : vector<16xi32>
      %gather3A_505 = tpu.vector_load_idx %arg7[%xor3A_504] : memref<16xf32, #tpu.memory_space<vmem>>[vector<16xi32>], vector<16xf32>,
      %add3A_506 = arith.addf %scan3A_497, %gather3A_505 : vector<16xf32>
      %swap3A_507 = arith.constant 0 : index
      %swap3A_508 = tpu.vector_load %arg7[%swap3A_507] {strides = array<i32>} : memref<16xf32, #tpu.memory_space<vmem>>, vector<16xf32>,
      tpu.vector_store %arg7[%swap3A_507], %add3A_506 {strides = array<i32>} : memref<16xf32, #tpu.memory_space<vmem>>, vector<16xf32>,
      %xor3A_509 = arith.constant 2 : i32
      %xor3A_510 = vector.broadcast %xor3A_509 : i32 to vector<16xi32>
      %xor3A_511 = arith.xori %iota3A_499, %xor3A_510 : vector<16xi32>
      %gather3A_512 = tpu.vector_load_idx %arg7[%xor3A_511] : memref<16xf32, #tpu.memory_space<vmem>>[vector<16xi32>], vector<16xf32>,
      %add3A_513 = arith.addf %add3A_506, %gather3A_512 : vector<16xf32>
      %swap3A_514 = arith.constant 0 : index
      %swap3A_515 = tpu.vector_load %arg7[%swap3A_514] {strides = array<i32>} : memref<16xf32, #tpu.memory_space<vmem>>, vector<16xf32>,
      tpu.vector_store %arg7[%swap3A_514], %add3A_513 {strides = array<i32>} : memref<16xf32, #tpu.memory_space<vmem>>, vector<16xf32>,
      %xor3A_516 = arith.constant 4 : i32
      %xor3A_517 = vector.broadcast %xor3A_516 : i32 to vector<16xi32>
      %xor3A_518 = arith.xori %iota3A_499, %xor3A_517 : vector<16xi32>
      %gather3A_519 = tpu.vector_load_idx %arg7[%xor3A_518] : memref<16xf32, #tpu.memory_space<vmem>>[vector<16xi32>], vector<16xf32>,
      %add3A_520 = arith.addf %add3A_513, %gather3A_519 : vector<16xf32>
      %swap3A_521 = arith.constant 0 : index
      %swap3A_522 = tpu.vector_load %arg7[%swap3A_521] {strides = array<i32>} : memref<16xf32, #tpu.memory_space<vmem>>, vector<16xf32>,
      tpu.vector_store %arg7[%swap3A_521], %add3A_520 {strides = array<i32>} : memref<16xf32, #tpu.memory_space<vmem>>, vector<16xf32>,
      %xor3A_523 = arith.constant 8 : i32
      %xor3A_524 = vector.broadcast %xor3A_523 : i32 to vector<16xi32>
      %xor3A_525 = arith.xori %iota3A_499, %xor3A_524 : vector<16xi32>
      %gather3A_526 = tpu.vector_load_idx %arg7[%xor3A_525] : memref<16xf32, #tpu.memory_space<vmem>>[vector<16xi32>], vector<16xf32>,
      %add3A_527 = arith.addf %add3A_520, %gather3A_526 : vector<16xf32>
      %lt3A_528 = arith.constant 2.048000e+03 : f32
      %lt3A_529 = vector.broadcast %lt3A_528 : f32 to vector<16xf32>
      %lt3A_530 = arith.cmpf olt, %add3A_527, %lt3A_529 : vector<16xf32>
      %select_n3A_531 = arith.select %lt3A_530, %or3A_490, %select_n3A_487 : vector<16xi1>, vector<16xi32>
      %or3A_532 = arith.constant 524288 : i32
      %or3A_533 = vector.broadcast %or3A_532 : i32 to vector<16xi32>
      %or3A_534 = arith.ori %select_n3A_531, %or3A_533 : vector<16xi32>
      %broadcast_in_dim3A_535 = arith.constant 0.000000e+00 : f32
      %broadcast_in_dim3A_536 = vector.broadcast %broadcast_in_dim3A_535 : f32 to vector<16xf32>
      %scan3A_537 = arith.constant 0 : i32
      %scan3A_538 = arith.constant 256 : i32
      %scan3A_539 = arith.addi %scan3A_537, %scan3A_538 : i32
      %scan3A_540 = arith.constant 1 : i32
      %scan3A_541 = scf.for %scan3A_1495 = %scan3A_537 to %scan3A_539 step %scan3A_540 iter_args(%scan3A_1496 = %broadcast_in_dim3A_536) -> (vector<16xf32>)  : i32 {
        %mul3A_1497 = arith.constant 16 : i32
        %mul3A_1498 = arith.muli %scan3A_1495, %mul3A_1497 : i32
        %get3A = arith.index_cast %mul3A_1498 : i32 to index
        %get3A_1499 = tpu.vector_load %arg5[%get3A] {strides = array<i32>} : memref<4096xi32, #tpu.memory_space<vmem>>, vector<16xi32>,
        %lt3A_1500 = arith.cmpi ult, %get3A_1499, %or3A_534 : vector<16xi32>
        %jit3A = arith.constant 1.000000e+00 : f32
        %jit3A_1501 = arith.constant 0.000000e+00 : f32
        %broadcast_in_dim3A_1502 = vector.broadcast %jit3A : f32 to vector<16xf32>
        %broadcast_in_dim3A_1503 = vector.broadcast %jit3A_1501 : f32 to vector<16xf32>
        %select_n3A_1504 = arith.select %lt3A_1500, %broadcast_in_dim3A_1502, %broadcast_in_dim3A_1503 : vector<16xi1>, vector<16xf32>
        %add3A_1505 = arith.addf %scan3A_1496, %select_n3A_1504 : vector<16xf32>
        scf.yield %add3A_1505 : vector<16xf32>
      }
      %scan3A_542 = arith.constant 256 : i32
      %iota3A_543 = tpu.iota {dimensions = array<i32: 0>} : vector<16xi32>
      %swap3A_544 = arith.constant 0 : index
      %swap3A_545 = tpu.vector_load %arg7[%swap3A_544] {strides = array<i32>} : memref<16xf32, #tpu.memory_space<vmem>>, vector<16xf32>,
      tpu.vector_store %arg7[%swap3A_544], %scan3A_541 {strides = array<i32>} : memref<16xf32, #tpu.memory_space<vmem>>, vector<16xf32>,
      %xor3A_546 = arith.constant 1 : i32
      %xor3A_547 = vector.broadcast %xor3A_546 : i32 to vector<16xi32>
      %xor3A_548 = arith.xori %iota3A_543, %xor3A_547 : vector<16xi32>
      %gather3A_549 = tpu.vector_load_idx %arg7[%xor3A_548] : memref<16xf32, #tpu.memory_space<vmem>>[vector<16xi32>], vector<16xf32>,
      %add3A_550 = arith.addf %scan3A_541, %gather3A_549 : vector<16xf32>
      %swap3A_551 = arith.constant 0 : index
      %swap3A_552 = tpu.vector_load %arg7[%swap3A_551] {strides = array<i32>} : memref<16xf32, #tpu.memory_space<vmem>>, vector<16xf32>,
      tpu.vector_store %arg7[%swap3A_551], %add3A_550 {strides = array<i32>} : memref<16xf32, #tpu.memory_space<vmem>>, vector<16xf32>,
      %xor3A_553 = arith.constant 2 : i32
      %xor3A_554 = vector.broadcast %xor3A_553 : i32 to vector<16xi32>
      %xor3A_555 = arith.xori %iota3A_543, %xor3A_554 : vector<16xi32>
      %gather3A_556 = tpu.vector_load_idx %arg7[%xor3A_555] : memref<16xf32, #tpu.memory_space<vmem>>[vector<16xi32>], vector<16xf32>,
      %add3A_557 = arith.addf %add3A_550, %gather3A_556 : vector<16xf32>
      %swap3A_558 = arith.constant 0 : index
      %swap3A_559 = tpu.vector_load %arg7[%swap3A_558] {strides = array<i32>} : memref<16xf32, #tpu.memory_space<vmem>>, vector<16xf32>,
      tpu.vector_store %arg7[%swap3A_558], %add3A_557 {strides = array<i32>} : memref<16xf32, #tpu.memory_space<vmem>>, vector<16xf32>,
      %xor3A_560 = arith.constant 4 : i32
      %xor3A_561 = vector.broadcast %xor3A_560 : i32 to vector<16xi32>
      %xor3A_562 = arith.xori %iota3A_543, %xor3A_561 : vector<16xi32>
      %gather3A_563 = tpu.vector_load_idx %arg7[%xor3A_562] : memref<16xf32, #tpu.memory_space<vmem>>[vector<16xi32>], vector<16xf32>,
      %add3A_564 = arith.addf %add3A_557, %gather3A_563 : vector<16xf32>
      %swap3A_565 = arith.constant 0 : index
      %swap3A_566 = tpu.vector_load %arg7[%swap3A_565] {strides = array<i32>} : memref<16xf32, #tpu.memory_space<vmem>>, vector<16xf32>,
      tpu.vector_store %arg7[%swap3A_565], %add3A_564 {strides = array<i32>} : memref<16xf32, #tpu.memory_space<vmem>>, vector<16xf32>,
      %xor3A_567 = arith.constant 8 : i32
      %xor3A_568 = vector.broadcast %xor3A_567 : i32 to vector<16xi32>
      %xor3A_569 = arith.xori %iota3A_543, %xor3A_568 : vector<16xi32>
      %gather3A_570 = tpu.vector_load_idx %arg7[%xor3A_569] : memref<16xf32, #tpu.memory_space<vmem>>[vector<16xi32>], vector<16xf32>,
      %add3A_571 = arith.addf %add3A_564, %gather3A_570 : vector<16xf32>
      %lt3A_572 = arith.constant 2.048000e+03 : f32
      %lt3A_573 = vector.broadcast %lt3A_572 : f32 to vector<16xf32>
      %lt3A_574 = arith.cmpf olt, %add3A_571, %lt3A_573 : vector<16xf32>
      %select_n3A_575 = arith.select %lt3A_574, %or3A_534, %select_n3A_531 : vector<16xi1>, vector<16xi32>
      %or3A_576 = arith.constant 262144 : i32
      %or3A_577 = vector.broadcast %or3A_576 : i32 to vector<16xi32>
      %or3A_578 = arith.ori %select_n3A_575, %or3A_577 : vector<16xi32>
      %broadcast_in_dim3A_579 = arith.constant 0.000000e+00 : f32
      %broadcast_in_dim3A_580 = vector.broadcast %broadcast_in_dim3A_579 : f32 to vector<16xf32>
      %scan3A_581 = arith.constant 0 : i32
      %scan3A_582 = arith.constant 256 : i32
      %scan3A_583 = arith.addi %scan3A_581, %scan3A_582 : i32
      %scan3A_584 = arith.constant 1 : i32
      %scan3A_585 = scf.for %scan3A_1495 = %scan3A_581 to %scan3A_583 step %scan3A_584 iter_args(%scan3A_1496 = %broadcast_in_dim3A_580) -> (vector<16xf32>)  : i32 {
        %mul3A_1497 = arith.constant 16 : i32
        %mul3A_1498 = arith.muli %scan3A_1495, %mul3A_1497 : i32
        %get3A = arith.index_cast %mul3A_1498 : i32 to index
        %get3A_1499 = tpu.vector_load %arg5[%get3A] {strides = array<i32>} : memref<4096xi32, #tpu.memory_space<vmem>>, vector<16xi32>,
        %lt3A_1500 = arith.cmpi ult, %get3A_1499, %or3A_578 : vector<16xi32>
        %jit3A = arith.constant 1.000000e+00 : f32
        %jit3A_1501 = arith.constant 0.000000e+00 : f32
        %broadcast_in_dim3A_1502 = vector.broadcast %jit3A : f32 to vector<16xf32>
        %broadcast_in_dim3A_1503 = vector.broadcast %jit3A_1501 : f32 to vector<16xf32>
        %select_n3A_1504 = arith.select %lt3A_1500, %broadcast_in_dim3A_1502, %broadcast_in_dim3A_1503 : vector<16xi1>, vector<16xf32>
        %add3A_1505 = arith.addf %scan3A_1496, %select_n3A_1504 : vector<16xf32>
        scf.yield %add3A_1505 : vector<16xf32>
      }
      %scan3A_586 = arith.constant 256 : i32
      %iota3A_587 = tpu.iota {dimensions = array<i32: 0>} : vector<16xi32>
      %swap3A_588 = arith.constant 0 : index
      %swap3A_589 = tpu.vector_load %arg7[%swap3A_588] {strides = array<i32>} : memref<16xf32, #tpu.memory_space<vmem>>, vector<16xf32>,
      tpu.vector_store %arg7[%swap3A_588], %scan3A_585 {strides = array<i32>} : memref<16xf32, #tpu.memory_space<vmem>>, vector<16xf32>,
      %xor3A_590 = arith.constant 1 : i32
      %xor3A_591 = vector.broadcast %xor3A_590 : i32 to vector<16xi32>
      %xor3A_592 = arith.xori %iota3A_587, %xor3A_591 : vector<16xi32>
      %gather3A_593 = tpu.vector_load_idx %arg7[%xor3A_592] : memref<16xf32, #tpu.memory_space<vmem>>[vector<16xi32>], vector<16xf32>,
      %add3A_594 = arith.addf %scan3A_585, %gather3A_593 : vector<16xf32>
      %swap3A_595 = arith.constant 0 : index
      %swap3A_596 = tpu.vector_load %arg7[%swap3A_595] {strides = array<i32>} : memref<16xf32, #tpu.memory_space<vmem>>, vector<16xf32>,
      tpu.vector_store %arg7[%swap3A_595], %add3A_594 {strides = array<i32>} : memref<16xf32, #tpu.memory_space<vmem>>, vector<16xf32>,
      %xor3A_597 = arith.constant 2 : i32
      %xor3A_598 = vector.broadcast %xor3A_597 : i32 to vector<16xi32>
      %xor3A_599 = arith.xori %iota3A_587, %xor3A_598 : vector<16xi32>
      %gather3A_600 = tpu.vector_load_idx %arg7[%xor3A_599] : memref<16xf32, #tpu.memory_space<vmem>>[vector<16xi32>], vector<16xf32>,
      %add3A_601 = arith.addf %add3A_594, %gather3A_600 : vector<16xf32>
      %swap3A_602 = arith.constant 0 : index
      %swap3A_603 = tpu.vector_load %arg7[%swap3A_602] {strides = array<i32>} : memref<16xf32, #tpu.memory_space<vmem>>, vector<16xf32>,
      tpu.vector_store %arg7[%swap3A_602], %add3A_601 {strides = array<i32>} : memref<16xf32, #tpu.memory_space<vmem>>, vector<16xf32>,
      %xor3A_604 = arith.constant 4 : i32
      %xor3A_605 = vector.broadcast %xor3A_604 : i32 to vector<16xi32>
      %xor3A_606 = arith.xori %iota3A_587, %xor3A_605 : vector<16xi32>
      %gather3A_607 = tpu.vector_load_idx %arg7[%xor3A_606] : memref<16xf32, #tpu.memory_space<vmem>>[vector<16xi32>], vector<16xf32>,
      %add3A_608 = arith.addf %add3A_601, %gather3A_607 : vector<16xf32>
      %swap3A_609 = arith.constant 0 : index
      %swap3A_610 = tpu.vector_load %arg7[%swap3A_609] {strides = array<i32>} : memref<16xf32, #tpu.memory_space<vmem>>, vector<16xf32>,
      tpu.vector_store %arg7[%swap3A_609], %add3A_608 {strides = array<i32>} : memref<16xf32, #tpu.memory_space<vmem>>, vector<16xf32>,
      %xor3A_611 = arith.constant 8 : i32
      %xor3A_612 = vector.broadcast %xor3A_611 : i32 to vector<16xi32>
      %xor3A_613 = arith.xori %iota3A_587, %xor3A_612 : vector<16xi32>
      %gather3A_614 = tpu.vector_load_idx %arg7[%xor3A_613] : memref<16xf32, #tpu.memory_space<vmem>>[vector<16xi32>], vector<16xf32>,
      %add3A_615 = arith.addf %add3A_608, %gather3A_614 : vector<16xf32>
      %lt3A_616 = arith.constant 2.048000e+03 : f32
      %lt3A_617 = vector.broadcast %lt3A_616 : f32 to vector<16xf32>
      %lt3A_618 = arith.cmpf olt, %add3A_615, %lt3A_617 : vector<16xf32>
      %select_n3A_619 = arith.select %lt3A_618, %or3A_578, %select_n3A_575 : vector<16xi1>, vector<16xi32>
      %or3A_620 = arith.constant 131072 : i32
      %or3A_621 = vector.broadcast %or3A_620 : i32 to vector<16xi32>
      %or3A_622 = arith.ori %select_n3A_619, %or3A_621 : vector<16xi32>
      %broadcast_in_dim3A_623 = arith.constant 0.000000e+00 : f32
      %broadcast_in_dim3A_624 = vector.broadcast %broadcast_in_dim3A_623 : f32 to vector<16xf32>
      %scan3A_625 = arith.constant 0 : i32
      %scan3A_626 = arith.constant 256 : i32
      %scan3A_627 = arith.addi %scan3A_625, %scan3A_626 : i32
      %scan3A_628 = arith.constant 1 : i32
      %scan3A_629 = scf.for %scan3A_1495 = %scan3A_625 to %scan3A_627 step %scan3A_628 iter_args(%scan3A_1496 = %broadcast_in_dim3A_624) -> (vector<16xf32>)  : i32 {
        %mul3A_1497 = arith.constant 16 : i32
        %mul3A_1498 = arith.muli %scan3A_1495, %mul3A_1497 : i32
        %get3A = arith.index_cast %mul3A_1498 : i32 to index
        %get3A_1499 = tpu.vector_load %arg5[%get3A] {strides = array<i32>} : memref<4096xi32, #tpu.memory_space<vmem>>, vector<16xi32>,
        %lt3A_1500 = arith.cmpi ult, %get3A_1499, %or3A_622 : vector<16xi32>
        %jit3A = arith.constant 1.000000e+00 : f32
        %jit3A_1501 = arith.constant 0.000000e+00 : f32
        %broadcast_in_dim3A_1502 = vector.broadcast %jit3A : f32 to vector<16xf32>
        %broadcast_in_dim3A_1503 = vector.broadcast %jit3A_1501 : f32 to vector<16xf32>
        %select_n3A_1504 = arith.select %lt3A_1500, %broadcast_in_dim3A_1502, %broadcast_in_dim3A_1503 : vector<16xi1>, vector<16xf32>
        %add3A_1505 = arith.addf %scan3A_1496, %select_n3A_1504 : vector<16xf32>
        scf.yield %add3A_1505 : vector<16xf32>
      }
      %scan3A_630 = arith.constant 256 : i32
      %iota3A_631 = tpu.iota {dimensions = array<i32: 0>} : vector<16xi32>
      %swap3A_632 = arith.constant 0 : index
      %swap3A_633 = tpu.vector_load %arg7[%swap3A_632] {strides = array<i32>} : memref<16xf32, #tpu.memory_space<vmem>>, vector<16xf32>,
      tpu.vector_store %arg7[%swap3A_632], %scan3A_629 {strides = array<i32>} : memref<16xf32, #tpu.memory_space<vmem>>, vector<16xf32>,
      %xor3A_634 = arith.constant 1 : i32
      %xor3A_635 = vector.broadcast %xor3A_634 : i32 to vector<16xi32>
      %xor3A_636 = arith.xori %iota3A_631, %xor3A_635 : vector<16xi32>
      %gather3A_637 = tpu.vector_load_idx %arg7[%xor3A_636] : memref<16xf32, #tpu.memory_space<vmem>>[vector<16xi32>], vector<16xf32>,
      %add3A_638 = arith.addf %scan3A_629, %gather3A_637 : vector<16xf32>
      %swap3A_639 = arith.constant 0 : index
      %swap3A_640 = tpu.vector_load %arg7[%swap3A_639] {strides = array<i32>} : memref<16xf32, #tpu.memory_space<vmem>>, vector<16xf32>,
      tpu.vector_store %arg7[%swap3A_639], %add3A_638 {strides = array<i32>} : memref<16xf32, #tpu.memory_space<vmem>>, vector<16xf32>,
      %xor3A_641 = arith.constant 2 : i32
      %xor3A_642 = vector.broadcast %xor3A_641 : i32 to vector<16xi32>
      %xor3A_643 = arith.xori %iota3A_631, %xor3A_642 : vector<16xi32>
      %gather3A_644 = tpu.vector_load_idx %arg7[%xor3A_643] : memref<16xf32, #tpu.memory_space<vmem>>[vector<16xi32>], vector<16xf32>,
      %add3A_645 = arith.addf %add3A_638, %gather3A_644 : vector<16xf32>
      %swap3A_646 = arith.constant 0 : index
      %swap3A_647 = tpu.vector_load %arg7[%swap3A_646] {strides = array<i32>} : memref<16xf32, #tpu.memory_space<vmem>>, vector<16xf32>,
      tpu.vector_store %arg7[%swap3A_646], %add3A_645 {strides = array<i32>} : memref<16xf32, #tpu.memory_space<vmem>>, vector<16xf32>,
      %xor3A_648 = arith.constant 4 : i32
      %xor3A_649 = vector.broadcast %xor3A_648 : i32 to vector<16xi32>
      %xor3A_650 = arith.xori %iota3A_631, %xor3A_649 : vector<16xi32>
      %gather3A_651 = tpu.vector_load_idx %arg7[%xor3A_650] : memref<16xf32, #tpu.memory_space<vmem>>[vector<16xi32>], vector<16xf32>,
      %add3A_652 = arith.addf %add3A_645, %gather3A_651 : vector<16xf32>
      %swap3A_653 = arith.constant 0 : index
      %swap3A_654 = tpu.vector_load %arg7[%swap3A_653] {strides = array<i32>} : memref<16xf32, #tpu.memory_space<vmem>>, vector<16xf32>,
      tpu.vector_store %arg7[%swap3A_653], %add3A_652 {strides = array<i32>} : memref<16xf32, #tpu.memory_space<vmem>>, vector<16xf32>,
      %xor3A_655 = arith.constant 8 : i32
      %xor3A_656 = vector.broadcast %xor3A_655 : i32 to vector<16xi32>
      %xor3A_657 = arith.xori %iota3A_631, %xor3A_656 : vector<16xi32>
      %gather3A_658 = tpu.vector_load_idx %arg7[%xor3A_657] : memref<16xf32, #tpu.memory_space<vmem>>[vector<16xi32>], vector<16xf32>,
      %add3A_659 = arith.addf %add3A_652, %gather3A_658 : vector<16xf32>
      %lt3A_660 = arith.constant 2.048000e+03 : f32
      %lt3A_661 = vector.broadcast %lt3A_660 : f32 to vector<16xf32>
      %lt3A_662 = arith.cmpf olt, %add3A_659, %lt3A_661 : vector<16xf32>
      %select_n3A_663 = arith.select %lt3A_662, %or3A_622, %select_n3A_619 : vector<16xi1>, vector<16xi32>
      %or3A_664 = arith.constant 65536 : i32
      %or3A_665 = vector.broadcast %or3A_664 : i32 to vector<16xi32>
      %or3A_666 = arith.ori %select_n3A_663, %or3A_665 : vector<16xi32>
      %broadcast_in_dim3A_667 = arith.constant 0.000000e+00 : f32
      %broadcast_in_dim3A_668 = vector.broadcast %broadcast_in_dim3A_667 : f32 to vector<16xf32>
      %scan3A_669 = arith.constant 0 : i32
      %scan3A_670 = arith.constant 256 : i32
      %scan3A_671 = arith.addi %scan3A_669, %scan3A_670 : i32
      %scan3A_672 = arith.constant 1 : i32
      %scan3A_673 = scf.for %scan3A_1495 = %scan3A_669 to %scan3A_671 step %scan3A_672 iter_args(%scan3A_1496 = %broadcast_in_dim3A_668) -> (vector<16xf32>)  : i32 {
        %mul3A_1497 = arith.constant 16 : i32
        %mul3A_1498 = arith.muli %scan3A_1495, %mul3A_1497 : i32
        %get3A = arith.index_cast %mul3A_1498 : i32 to index
        %get3A_1499 = tpu.vector_load %arg5[%get3A] {strides = array<i32>} : memref<4096xi32, #tpu.memory_space<vmem>>, vector<16xi32>,
        %lt3A_1500 = arith.cmpi ult, %get3A_1499, %or3A_666 : vector<16xi32>
        %jit3A = arith.constant 1.000000e+00 : f32
        %jit3A_1501 = arith.constant 0.000000e+00 : f32
        %broadcast_in_dim3A_1502 = vector.broadcast %jit3A : f32 to vector<16xf32>
        %broadcast_in_dim3A_1503 = vector.broadcast %jit3A_1501 : f32 to vector<16xf32>
        %select_n3A_1504 = arith.select %lt3A_1500, %broadcast_in_dim3A_1502, %broadcast_in_dim3A_1503 : vector<16xi1>, vector<16xf32>
        %add3A_1505 = arith.addf %scan3A_1496, %select_n3A_1504 : vector<16xf32>
        scf.yield %add3A_1505 : vector<16xf32>
      }
      %scan3A_674 = arith.constant 256 : i32
      %iota3A_675 = tpu.iota {dimensions = array<i32: 0>} : vector<16xi32>
      %swap3A_676 = arith.constant 0 : index
      %swap3A_677 = tpu.vector_load %arg7[%swap3A_676] {strides = array<i32>} : memref<16xf32, #tpu.memory_space<vmem>>, vector<16xf32>,
      tpu.vector_store %arg7[%swap3A_676], %scan3A_673 {strides = array<i32>} : memref<16xf32, #tpu.memory_space<vmem>>, vector<16xf32>,
      %xor3A_678 = arith.constant 1 : i32
      %xor3A_679 = vector.broadcast %xor3A_678 : i32 to vector<16xi32>
      %xor3A_680 = arith.xori %iota3A_675, %xor3A_679 : vector<16xi32>
      %gather3A_681 = tpu.vector_load_idx %arg7[%xor3A_680] : memref<16xf32, #tpu.memory_space<vmem>>[vector<16xi32>], vector<16xf32>,
      %add3A_682 = arith.addf %scan3A_673, %gather3A_681 : vector<16xf32>
      %swap3A_683 = arith.constant 0 : index
      %swap3A_684 = tpu.vector_load %arg7[%swap3A_683] {strides = array<i32>} : memref<16xf32, #tpu.memory_space<vmem>>, vector<16xf32>,
      tpu.vector_store %arg7[%swap3A_683], %add3A_682 {strides = array<i32>} : memref<16xf32, #tpu.memory_space<vmem>>, vector<16xf32>,
      %xor3A_685 = arith.constant 2 : i32
      %xor3A_686 = vector.broadcast %xor3A_685 : i32 to vector<16xi32>
      %xor3A_687 = arith.xori %iota3A_675, %xor3A_686 : vector<16xi32>
      %gather3A_688 = tpu.vector_load_idx %arg7[%xor3A_687] : memref<16xf32, #tpu.memory_space<vmem>>[vector<16xi32>], vector<16xf32>,
      %add3A_689 = arith.addf %add3A_682, %gather3A_688 : vector<16xf32>
      %swap3A_690 = arith.constant 0 : index
      %swap3A_691 = tpu.vector_load %arg7[%swap3A_690] {strides = array<i32>} : memref<16xf32, #tpu.memory_space<vmem>>, vector<16xf32>,
      tpu.vector_store %arg7[%swap3A_690], %add3A_689 {strides = array<i32>} : memref<16xf32, #tpu.memory_space<vmem>>, vector<16xf32>,
      %xor3A_692 = arith.constant 4 : i32
      %xor3A_693 = vector.broadcast %xor3A_692 : i32 to vector<16xi32>
      %xor3A_694 = arith.xori %iota3A_675, %xor3A_693 : vector<16xi32>
      %gather3A_695 = tpu.vector_load_idx %arg7[%xor3A_694] : memref<16xf32, #tpu.memory_space<vmem>>[vector<16xi32>], vector<16xf32>,
      %add3A_696 = arith.addf %add3A_689, %gather3A_695 : vector<16xf32>
      %swap3A_697 = arith.constant 0 : index
      %swap3A_698 = tpu.vector_load %arg7[%swap3A_697] {strides = array<i32>} : memref<16xf32, #tpu.memory_space<vmem>>, vector<16xf32>,
      tpu.vector_store %arg7[%swap3A_697], %add3A_696 {strides = array<i32>} : memref<16xf32, #tpu.memory_space<vmem>>, vector<16xf32>,
      %xor3A_699 = arith.constant 8 : i32
      %xor3A_700 = vector.broadcast %xor3A_699 : i32 to vector<16xi32>
      %xor3A_701 = arith.xori %iota3A_675, %xor3A_700 : vector<16xi32>
      %gather3A_702 = tpu.vector_load_idx %arg7[%xor3A_701] : memref<16xf32, #tpu.memory_space<vmem>>[vector<16xi32>], vector<16xf32>,
      %add3A_703 = arith.addf %add3A_696, %gather3A_702 : vector<16xf32>
      %lt3A_704 = arith.constant 2.048000e+03 : f32
      %lt3A_705 = vector.broadcast %lt3A_704 : f32 to vector<16xf32>
      %lt3A_706 = arith.cmpf olt, %add3A_703, %lt3A_705 : vector<16xf32>
      %select_n3A_707 = arith.select %lt3A_706, %or3A_666, %select_n3A_663 : vector<16xi1>, vector<16xi32>
      %or3A_708 = arith.constant 32768 : i32
      %or3A_709 = vector.broadcast %or3A_708 : i32 to vector<16xi32>
      %or3A_710 = arith.ori %select_n3A_707, %or3A_709 : vector<16xi32>
      %broadcast_in_dim3A_711 = arith.constant 0.000000e+00 : f32
      %broadcast_in_dim3A_712 = vector.broadcast %broadcast_in_dim3A_711 : f32 to vector<16xf32>
      %scan3A_713 = arith.constant 0 : i32
      %scan3A_714 = arith.constant 256 : i32
      %scan3A_715 = arith.addi %scan3A_713, %scan3A_714 : i32
      %scan3A_716 = arith.constant 1 : i32
      %scan3A_717 = scf.for %scan3A_1495 = %scan3A_713 to %scan3A_715 step %scan3A_716 iter_args(%scan3A_1496 = %broadcast_in_dim3A_712) -> (vector<16xf32>)  : i32 {
        %mul3A_1497 = arith.constant 16 : i32
        %mul3A_1498 = arith.muli %scan3A_1495, %mul3A_1497 : i32
        %get3A = arith.index_cast %mul3A_1498 : i32 to index
        %get3A_1499 = tpu.vector_load %arg5[%get3A] {strides = array<i32>} : memref<4096xi32, #tpu.memory_space<vmem>>, vector<16xi32>,
        %lt3A_1500 = arith.cmpi ult, %get3A_1499, %or3A_710 : vector<16xi32>
        %jit3A = arith.constant 1.000000e+00 : f32
        %jit3A_1501 = arith.constant 0.000000e+00 : f32
        %broadcast_in_dim3A_1502 = vector.broadcast %jit3A : f32 to vector<16xf32>
        %broadcast_in_dim3A_1503 = vector.broadcast %jit3A_1501 : f32 to vector<16xf32>
        %select_n3A_1504 = arith.select %lt3A_1500, %broadcast_in_dim3A_1502, %broadcast_in_dim3A_1503 : vector<16xi1>, vector<16xf32>
        %add3A_1505 = arith.addf %scan3A_1496, %select_n3A_1504 : vector<16xf32>
        scf.yield %add3A_1505 : vector<16xf32>
      }
      %scan3A_718 = arith.constant 256 : i32
      %iota3A_719 = tpu.iota {dimensions = array<i32: 0>} : vector<16xi32>
      %swap3A_720 = arith.constant 0 : index
      %swap3A_721 = tpu.vector_load %arg7[%swap3A_720] {strides = array<i32>} : memref<16xf32, #tpu.memory_space<vmem>>, vector<16xf32>,
      tpu.vector_store %arg7[%swap3A_720], %scan3A_717 {strides = array<i32>} : memref<16xf32, #tpu.memory_space<vmem>>, vector<16xf32>,
      %xor3A_722 = arith.constant 1 : i32
      %xor3A_723 = vector.broadcast %xor3A_722 : i32 to vector<16xi32>
      %xor3A_724 = arith.xori %iota3A_719, %xor3A_723 : vector<16xi32>
      %gather3A_725 = tpu.vector_load_idx %arg7[%xor3A_724] : memref<16xf32, #tpu.memory_space<vmem>>[vector<16xi32>], vector<16xf32>,
      %add3A_726 = arith.addf %scan3A_717, %gather3A_725 : vector<16xf32>
      %swap3A_727 = arith.constant 0 : index
      %swap3A_728 = tpu.vector_load %arg7[%swap3A_727] {strides = array<i32>} : memref<16xf32, #tpu.memory_space<vmem>>, vector<16xf32>,
      tpu.vector_store %arg7[%swap3A_727], %add3A_726 {strides = array<i32>} : memref<16xf32, #tpu.memory_space<vmem>>, vector<16xf32>,
      %xor3A_729 = arith.constant 2 : i32
      %xor3A_730 = vector.broadcast %xor3A_729 : i32 to vector<16xi32>
      %xor3A_731 = arith.xori %iota3A_719, %xor3A_730 : vector<16xi32>
      %gather3A_732 = tpu.vector_load_idx %arg7[%xor3A_731] : memref<16xf32, #tpu.memory_space<vmem>>[vector<16xi32>], vector<16xf32>,
      %add3A_733 = arith.addf %add3A_726, %gather3A_732 : vector<16xf32>
      %swap3A_734 = arith.constant 0 : index
      %swap3A_735 = tpu.vector_load %arg7[%swap3A_734] {strides = array<i32>} : memref<16xf32, #tpu.memory_space<vmem>>, vector<16xf32>,
      tpu.vector_store %arg7[%swap3A_734], %add3A_733 {strides = array<i32>} : memref<16xf32, #tpu.memory_space<vmem>>, vector<16xf32>,
      %xor3A_736 = arith.constant 4 : i32
      %xor3A_737 = vector.broadcast %xor3A_736 : i32 to vector<16xi32>
      %xor3A_738 = arith.xori %iota3A_719, %xor3A_737 : vector<16xi32>
      %gather3A_739 = tpu.vector_load_idx %arg7[%xor3A_738] : memref<16xf32, #tpu.memory_space<vmem>>[vector<16xi32>], vector<16xf32>,
      %add3A_740 = arith.addf %add3A_733, %gather3A_739 : vector<16xf32>
      %swap3A_741 = arith.constant 0 : index
      %swap3A_742 = tpu.vector_load %arg7[%swap3A_741] {strides = array<i32>} : memref<16xf32, #tpu.memory_space<vmem>>, vector<16xf32>,
      tpu.vector_store %arg7[%swap3A_741], %add3A_740 {strides = array<i32>} : memref<16xf32, #tpu.memory_space<vmem>>, vector<16xf32>,
      %xor3A_743 = arith.constant 8 : i32
      %xor3A_744 = vector.broadcast %xor3A_743 : i32 to vector<16xi32>
      %xor3A_745 = arith.xori %iota3A_719, %xor3A_744 : vector<16xi32>
      %gather3A_746 = tpu.vector_load_idx %arg7[%xor3A_745] : memref<16xf32, #tpu.memory_space<vmem>>[vector<16xi32>], vector<16xf32>,
      %add3A_747 = arith.addf %add3A_740, %gather3A_746 : vector<16xf32>
      %lt3A_748 = arith.constant 2.048000e+03 : f32
      %lt3A_749 = vector.broadcast %lt3A_748 : f32 to vector<16xf32>
      %lt3A_750 = arith.cmpf olt, %add3A_747, %lt3A_749 : vector<16xf32>
      %select_n3A_751 = arith.select %lt3A_750, %or3A_710, %select_n3A_707 : vector<16xi1>, vector<16xi32>
      %or3A_752 = arith.constant 16384 : i32
      %or3A_753 = vector.broadcast %or3A_752 : i32 to vector<16xi32>
      %or3A_754 = arith.ori %select_n3A_751, %or3A_753 : vector<16xi32>
      %broadcast_in_dim3A_755 = arith.constant 0.000000e+00 : f32
      %broadcast_in_dim3A_756 = vector.broadcast %broadcast_in_dim3A_755 : f32 to vector<16xf32>
      %scan3A_757 = arith.constant 0 : i32
      %scan3A_758 = arith.constant 256 : i32
      %scan3A_759 = arith.addi %scan3A_757, %scan3A_758 : i32
      %scan3A_760 = arith.constant 1 : i32
      %scan3A_761 = scf.for %scan3A_1495 = %scan3A_757 to %scan3A_759 step %scan3A_760 iter_args(%scan3A_1496 = %broadcast_in_dim3A_756) -> (vector<16xf32>)  : i32 {
        %mul3A_1497 = arith.constant 16 : i32
        %mul3A_1498 = arith.muli %scan3A_1495, %mul3A_1497 : i32
        %get3A = arith.index_cast %mul3A_1498 : i32 to index
        %get3A_1499 = tpu.vector_load %arg5[%get3A] {strides = array<i32>} : memref<4096xi32, #tpu.memory_space<vmem>>, vector<16xi32>,
        %lt3A_1500 = arith.cmpi ult, %get3A_1499, %or3A_754 : vector<16xi32>
        %jit3A = arith.constant 1.000000e+00 : f32
        %jit3A_1501 = arith.constant 0.000000e+00 : f32
        %broadcast_in_dim3A_1502 = vector.broadcast %jit3A : f32 to vector<16xf32>
        %broadcast_in_dim3A_1503 = vector.broadcast %jit3A_1501 : f32 to vector<16xf32>
        %select_n3A_1504 = arith.select %lt3A_1500, %broadcast_in_dim3A_1502, %broadcast_in_dim3A_1503 : vector<16xi1>, vector<16xf32>
        %add3A_1505 = arith.addf %scan3A_1496, %select_n3A_1504 : vector<16xf32>
        scf.yield %add3A_1505 : vector<16xf32>
      }
      %scan3A_762 = arith.constant 256 : i32
      %iota3A_763 = tpu.iota {dimensions = array<i32: 0>} : vector<16xi32>
      %swap3A_764 = arith.constant 0 : index
      %swap3A_765 = tpu.vector_load %arg7[%swap3A_764] {strides = array<i32>} : memref<16xf32, #tpu.memory_space<vmem>>, vector<16xf32>,
      tpu.vector_store %arg7[%swap3A_764], %scan3A_761 {strides = array<i32>} : memref<16xf32, #tpu.memory_space<vmem>>, vector<16xf32>,
      %xor3A_766 = arith.constant 1 : i32
      %xor3A_767 = vector.broadcast %xor3A_766 : i32 to vector<16xi32>
      %xor3A_768 = arith.xori %iota3A_763, %xor3A_767 : vector<16xi32>
      %gather3A_769 = tpu.vector_load_idx %arg7[%xor3A_768] : memref<16xf32, #tpu.memory_space<vmem>>[vector<16xi32>], vector<16xf32>,
      %add3A_770 = arith.addf %scan3A_761, %gather3A_769 : vector<16xf32>
      %swap3A_771 = arith.constant 0 : index
      %swap3A_772 = tpu.vector_load %arg7[%swap3A_771] {strides = array<i32>} : memref<16xf32, #tpu.memory_space<vmem>>, vector<16xf32>,
      tpu.vector_store %arg7[%swap3A_771], %add3A_770 {strides = array<i32>} : memref<16xf32, #tpu.memory_space<vmem>>, vector<16xf32>,
      %xor3A_773 = arith.constant 2 : i32
      %xor3A_774 = vector.broadcast %xor3A_773 : i32 to vector<16xi32>
      %xor3A_775 = arith.xori %iota3A_763, %xor3A_774 : vector<16xi32>
      %gather3A_776 = tpu.vector_load_idx %arg7[%xor3A_775] : memref<16xf32, #tpu.memory_space<vmem>>[vector<16xi32>], vector<16xf32>,
      %add3A_777 = arith.addf %add3A_770, %gather3A_776 : vector<16xf32>
      %swap3A_778 = arith.constant 0 : index
      %swap3A_779 = tpu.vector_load %arg7[%swap3A_778] {strides = array<i32>} : memref<16xf32, #tpu.memory_space<vmem>>, vector<16xf32>,
      tpu.vector_store %arg7[%swap3A_778], %add3A_777 {strides = array<i32>} : memref<16xf32, #tpu.memory_space<vmem>>, vector<16xf32>,
      %xor3A_780 = arith.constant 4 : i32
      %xor3A_781 = vector.broadcast %xor3A_780 : i32 to vector<16xi32>
      %xor3A_782 = arith.xori %iota3A_763, %xor3A_781 : vector<16xi32>
      %gather3A_783 = tpu.vector_load_idx %arg7[%xor3A_782] : memref<16xf32, #tpu.memory_space<vmem>>[vector<16xi32>], vector<16xf32>,
      %add3A_784 = arith.addf %add3A_777, %gather3A_783 : vector<16xf32>
      %swap3A_785 = arith.constant 0 : index
      %swap3A_786 = tpu.vector_load %arg7[%swap3A_785] {strides = array<i32>} : memref<16xf32, #tpu.memory_space<vmem>>, vector<16xf32>,
      tpu.vector_store %arg7[%swap3A_785], %add3A_784 {strides = array<i32>} : memref<16xf32, #tpu.memory_space<vmem>>, vector<16xf32>,
      %xor3A_787 = arith.constant 8 : i32
      %xor3A_788 = vector.broadcast %xor3A_787 : i32 to vector<16xi32>
      %xor3A_789 = arith.xori %iota3A_763, %xor3A_788 : vector<16xi32>
      %gather3A_790 = tpu.vector_load_idx %arg7[%xor3A_789] : memref<16xf32, #tpu.memory_space<vmem>>[vector<16xi32>], vector<16xf32>,
      %add3A_791 = arith.addf %add3A_784, %gather3A_790 : vector<16xf32>
      %lt3A_792 = arith.constant 2.048000e+03 : f32
      %lt3A_793 = vector.broadcast %lt3A_792 : f32 to vector<16xf32>
      %lt3A_794 = arith.cmpf olt, %add3A_791, %lt3A_793 : vector<16xf32>
      %select_n3A_795 = arith.select %lt3A_794, %or3A_754, %select_n3A_751 : vector<16xi1>, vector<16xi32>
      %or3A_796 = arith.constant 8192 : i32
      %or3A_797 = vector.broadcast %or3A_796 : i32 to vector<16xi32>
      %or3A_798 = arith.ori %select_n3A_795, %or3A_797 : vector<16xi32>
      %broadcast_in_dim3A_799 = arith.constant 0.000000e+00 : f32
      %broadcast_in_dim3A_800 = vector.broadcast %broadcast_in_dim3A_799 : f32 to vector<16xf32>
      %scan3A_801 = arith.constant 0 : i32
      %scan3A_802 = arith.constant 256 : i32
      %scan3A_803 = arith.addi %scan3A_801, %scan3A_802 : i32
      %scan3A_804 = arith.constant 1 : i32
      %scan3A_805 = scf.for %scan3A_1495 = %scan3A_801 to %scan3A_803 step %scan3A_804 iter_args(%scan3A_1496 = %broadcast_in_dim3A_800) -> (vector<16xf32>)  : i32 {
        %mul3A_1497 = arith.constant 16 : i32
        %mul3A_1498 = arith.muli %scan3A_1495, %mul3A_1497 : i32
        %get3A = arith.index_cast %mul3A_1498 : i32 to index
        %get3A_1499 = tpu.vector_load %arg5[%get3A] {strides = array<i32>} : memref<4096xi32, #tpu.memory_space<vmem>>, vector<16xi32>,
        %lt3A_1500 = arith.cmpi ult, %get3A_1499, %or3A_798 : vector<16xi32>
        %jit3A = arith.constant 1.000000e+00 : f32
        %jit3A_1501 = arith.constant 0.000000e+00 : f32
        %broadcast_in_dim3A_1502 = vector.broadcast %jit3A : f32 to vector<16xf32>
        %broadcast_in_dim3A_1503 = vector.broadcast %jit3A_1501 : f32 to vector<16xf32>
        %select_n3A_1504 = arith.select %lt3A_1500, %broadcast_in_dim3A_1502, %broadcast_in_dim3A_1503 : vector<16xi1>, vector<16xf32>
        %add3A_1505 = arith.addf %scan3A_1496, %select_n3A_1504 : vector<16xf32>
        scf.yield %add3A_1505 : vector<16xf32>
      }
      %scan3A_806 = arith.constant 256 : i32
      %iota3A_807 = tpu.iota {dimensions = array<i32: 0>} : vector<16xi32>
      %swap3A_808 = arith.constant 0 : index
      %swap3A_809 = tpu.vector_load %arg7[%swap3A_808] {strides = array<i32>} : memref<16xf32, #tpu.memory_space<vmem>>, vector<16xf32>,
      tpu.vector_store %arg7[%swap3A_808], %scan3A_805 {strides = array<i32>} : memref<16xf32, #tpu.memory_space<vmem>>, vector<16xf32>,
      %xor3A_810 = arith.constant 1 : i32
      %xor3A_811 = vector.broadcast %xor3A_810 : i32 to vector<16xi32>
      %xor3A_812 = arith.xori %iota3A_807, %xor3A_811 : vector<16xi32>
      %gather3A_813 = tpu.vector_load_idx %arg7[%xor3A_812] : memref<16xf32, #tpu.memory_space<vmem>>[vector<16xi32>], vector<16xf32>,
      %add3A_814 = arith.addf %scan3A_805, %gather3A_813 : vector<16xf32>
      %swap3A_815 = arith.constant 0 : index
      %swap3A_816 = tpu.vector_load %arg7[%swap3A_815] {strides = array<i32>} : memref<16xf32, #tpu.memory_space<vmem>>, vector<16xf32>,
      tpu.vector_store %arg7[%swap3A_815], %add3A_814 {strides = array<i32>} : memref<16xf32, #tpu.memory_space<vmem>>, vector<16xf32>,
      %xor3A_817 = arith.constant 2 : i32
      %xor3A_818 = vector.broadcast %xor3A_817 : i32 to vector<16xi32>
      %xor3A_819 = arith.xori %iota3A_807, %xor3A_818 : vector<16xi32>
      %gather3A_820 = tpu.vector_load_idx %arg7[%xor3A_819] : memref<16xf32, #tpu.memory_space<vmem>>[vector<16xi32>], vector<16xf32>,
      %add3A_821 = arith.addf %add3A_814, %gather3A_820 : vector<16xf32>
      %swap3A_822 = arith.constant 0 : index
      %swap3A_823 = tpu.vector_load %arg7[%swap3A_822] {strides = array<i32>} : memref<16xf32, #tpu.memory_space<vmem>>, vector<16xf32>,
      tpu.vector_store %arg7[%swap3A_822], %add3A_821 {strides = array<i32>} : memref<16xf32, #tpu.memory_space<vmem>>, vector<16xf32>,
      %xor3A_824 = arith.constant 4 : i32
      %xor3A_825 = vector.broadcast %xor3A_824 : i32 to vector<16xi32>
      %xor3A_826 = arith.xori %iota3A_807, %xor3A_825 : vector<16xi32>
      %gather3A_827 = tpu.vector_load_idx %arg7[%xor3A_826] : memref<16xf32, #tpu.memory_space<vmem>>[vector<16xi32>], vector<16xf32>,
      %add3A_828 = arith.addf %add3A_821, %gather3A_827 : vector<16xf32>
      %swap3A_829 = arith.constant 0 : index
      %swap3A_830 = tpu.vector_load %arg7[%swap3A_829] {strides = array<i32>} : memref<16xf32, #tpu.memory_space<vmem>>, vector<16xf32>,
      tpu.vector_store %arg7[%swap3A_829], %add3A_828 {strides = array<i32>} : memref<16xf32, #tpu.memory_space<vmem>>, vector<16xf32>,
      %xor3A_831 = arith.constant 8 : i32
      %xor3A_832 = vector.broadcast %xor3A_831 : i32 to vector<16xi32>
      %xor3A_833 = arith.xori %iota3A_807, %xor3A_832 : vector<16xi32>
      %gather3A_834 = tpu.vector_load_idx %arg7[%xor3A_833] : memref<16xf32, #tpu.memory_space<vmem>>[vector<16xi32>], vector<16xf32>,
      %add3A_835 = arith.addf %add3A_828, %gather3A_834 : vector<16xf32>
      %lt3A_836 = arith.constant 2.048000e+03 : f32
      %lt3A_837 = vector.broadcast %lt3A_836 : f32 to vector<16xf32>
      %lt3A_838 = arith.cmpf olt, %add3A_835, %lt3A_837 : vector<16xf32>
      %select_n3A_839 = arith.select %lt3A_838, %or3A_798, %select_n3A_795 : vector<16xi1>, vector<16xi32>
      %or3A_840 = arith.constant 4096 : i32
      %or3A_841 = vector.broadcast %or3A_840 : i32 to vector<16xi32>
      %or3A_842 = arith.ori %select_n3A_839, %or3A_841 : vector<16xi32>
      %broadcast_in_dim3A_843 = arith.constant 0.000000e+00 : f32
      %broadcast_in_dim3A_844 = vector.broadcast %broadcast_in_dim3A_843 : f32 to vector<16xf32>
      %scan3A_845 = arith.constant 0 : i32
      %scan3A_846 = arith.constant 256 : i32
      %scan3A_847 = arith.addi %scan3A_845, %scan3A_846 : i32
      %scan3A_848 = arith.constant 1 : i32
      %scan3A_849 = scf.for %scan3A_1495 = %scan3A_845 to %scan3A_847 step %scan3A_848 iter_args(%scan3A_1496 = %broadcast_in_dim3A_844) -> (vector<16xf32>)  : i32 {
        %mul3A_1497 = arith.constant 16 : i32
        %mul3A_1498 = arith.muli %scan3A_1495, %mul3A_1497 : i32
        %get3A = arith.index_cast %mul3A_1498 : i32 to index
        %get3A_1499 = tpu.vector_load %arg5[%get3A] {strides = array<i32>} : memref<4096xi32, #tpu.memory_space<vmem>>, vector<16xi32>,
        %lt3A_1500 = arith.cmpi ult, %get3A_1499, %or3A_842 : vector<16xi32>
        %jit3A = arith.constant 1.000000e+00 : f32
        %jit3A_1501 = arith.constant 0.000000e+00 : f32
        %broadcast_in_dim3A_1502 = vector.broadcast %jit3A : f32 to vector<16xf32>
        %broadcast_in_dim3A_1503 = vector.broadcast %jit3A_1501 : f32 to vector<16xf32>
        %select_n3A_1504 = arith.select %lt3A_1500, %broadcast_in_dim3A_1502, %broadcast_in_dim3A_1503 : vector<16xi1>, vector<16xf32>
        %add3A_1505 = arith.addf %scan3A_1496, %select_n3A_1504 : vector<16xf32>
        scf.yield %add3A_1505 : vector<16xf32>
      }
      %scan3A_850 = arith.constant 256 : i32
      %iota3A_851 = tpu.iota {dimensions = array<i32: 0>} : vector<16xi32>
      %swap3A_852 = arith.constant 0 : index
      %swap3A_853 = tpu.vector_load %arg7[%swap3A_852] {strides = array<i32>} : memref<16xf32, #tpu.memory_space<vmem>>, vector<16xf32>,
      tpu.vector_store %arg7[%swap3A_852], %scan3A_849 {strides = array<i32>} : memref<16xf32, #tpu.memory_space<vmem>>, vector<16xf32>,
      %xor3A_854 = arith.constant 1 : i32
      %xor3A_855 = vector.broadcast %xor3A_854 : i32 to vector<16xi32>
      %xor3A_856 = arith.xori %iota3A_851, %xor3A_855 : vector<16xi32>
      %gather3A_857 = tpu.vector_load_idx %arg7[%xor3A_856] : memref<16xf32, #tpu.memory_space<vmem>>[vector<16xi32>], vector<16xf32>,
      %add3A_858 = arith.addf %scan3A_849, %gather3A_857 : vector<16xf32>
      %swap3A_859 = arith.constant 0 : index
      %swap3A_860 = tpu.vector_load %arg7[%swap3A_859] {strides = array<i32>} : memref<16xf32, #tpu.memory_space<vmem>>, vector<16xf32>,
      tpu.vector_store %arg7[%swap3A_859], %add3A_858 {strides = array<i32>} : memref<16xf32, #tpu.memory_space<vmem>>, vector<16xf32>,
      %xor3A_861 = arith.constant 2 : i32
      %xor3A_862 = vector.broadcast %xor3A_861 : i32 to vector<16xi32>
      %xor3A_863 = arith.xori %iota3A_851, %xor3A_862 : vector<16xi32>
      %gather3A_864 = tpu.vector_load_idx %arg7[%xor3A_863] : memref<16xf32, #tpu.memory_space<vmem>>[vector<16xi32>], vector<16xf32>,
      %add3A_865 = arith.addf %add3A_858, %gather3A_864 : vector<16xf32>
      %swap3A_866 = arith.constant 0 : index
      %swap3A_867 = tpu.vector_load %arg7[%swap3A_866] {strides = array<i32>} : memref<16xf32, #tpu.memory_space<vmem>>, vector<16xf32>,
      tpu.vector_store %arg7[%swap3A_866], %add3A_865 {strides = array<i32>} : memref<16xf32, #tpu.memory_space<vmem>>, vector<16xf32>,
      %xor3A_868 = arith.constant 4 : i32
      %xor3A_869 = vector.broadcast %xor3A_868 : i32 to vector<16xi32>
      %xor3A_870 = arith.xori %iota3A_851, %xor3A_869 : vector<16xi32>
      %gather3A_871 = tpu.vector_load_idx %arg7[%xor3A_870] : memref<16xf32, #tpu.memory_space<vmem>>[vector<16xi32>], vector<16xf32>,
      %add3A_872 = arith.addf %add3A_865, %gather3A_871 : vector<16xf32>
      %swap3A_873 = arith.constant 0 : index
      %swap3A_874 = tpu.vector_load %arg7[%swap3A_873] {strides = array<i32>} : memref<16xf32, #tpu.memory_space<vmem>>, vector<16xf32>,
      tpu.vector_store %arg7[%swap3A_873], %add3A_872 {strides = array<i32>} : memref<16xf32, #tpu.memory_space<vmem>>, vector<16xf32>,
      %xor3A_875 = arith.constant 8 : i32
      %xor3A_876 = vector.broadcast %xor3A_875 : i32 to vector<16xi32>
      %xor3A_877 = arith.xori %iota3A_851, %xor3A_876 : vector<16xi32>
      %gather3A_878 = tpu.vector_load_idx %arg7[%xor3A_877] : memref<16xf32, #tpu.memory_space<vmem>>[vector<16xi32>], vector<16xf32>,
      %add3A_879 = arith.addf %add3A_872, %gather3A_878 : vector<16xf32>
      %lt3A_880 = arith.constant 2.048000e+03 : f32
      %lt3A_881 = vector.broadcast %lt3A_880 : f32 to vector<16xf32>
      %lt3A_882 = arith.cmpf olt, %add3A_879, %lt3A_881 : vector<16xf32>
      %select_n3A_883 = arith.select %lt3A_882, %or3A_842, %select_n3A_839 : vector<16xi1>, vector<16xi32>
      %or3A_884 = arith.constant 2048 : i32
      %or3A_885 = vector.broadcast %or3A_884 : i32 to vector<16xi32>
      %or3A_886 = arith.ori %select_n3A_883, %or3A_885 : vector<16xi32>
      %broadcast_in_dim3A_887 = arith.constant 0.000000e+00 : f32
      %broadcast_in_dim3A_888 = vector.broadcast %broadcast_in_dim3A_887 : f32 to vector<16xf32>
      %scan3A_889 = arith.constant 0 : i32
      %scan3A_890 = arith.constant 256 : i32
      %scan3A_891 = arith.addi %scan3A_889, %scan3A_890 : i32
      %scan3A_892 = arith.constant 1 : i32
      %scan3A_893 = scf.for %scan3A_1495 = %scan3A_889 to %scan3A_891 step %scan3A_892 iter_args(%scan3A_1496 = %broadcast_in_dim3A_888) -> (vector<16xf32>)  : i32 {
        %mul3A_1497 = arith.constant 16 : i32
        %mul3A_1498 = arith.muli %scan3A_1495, %mul3A_1497 : i32
        %get3A = arith.index_cast %mul3A_1498 : i32 to index
        %get3A_1499 = tpu.vector_load %arg5[%get3A] {strides = array<i32>} : memref<4096xi32, #tpu.memory_space<vmem>>, vector<16xi32>,
        %lt3A_1500 = arith.cmpi ult, %get3A_1499, %or3A_886 : vector<16xi32>
        %jit3A = arith.constant 1.000000e+00 : f32
        %jit3A_1501 = arith.constant 0.000000e+00 : f32
        %broadcast_in_dim3A_1502 = vector.broadcast %jit3A : f32 to vector<16xf32>
        %broadcast_in_dim3A_1503 = vector.broadcast %jit3A_1501 : f32 to vector<16xf32>
        %select_n3A_1504 = arith.select %lt3A_1500, %broadcast_in_dim3A_1502, %broadcast_in_dim3A_1503 : vector<16xi1>, vector<16xf32>
        %add3A_1505 = arith.addf %scan3A_1496, %select_n3A_1504 : vector<16xf32>
        scf.yield %add3A_1505 : vector<16xf32>
      }
      %scan3A_894 = arith.constant 256 : i32
      %iota3A_895 = tpu.iota {dimensions = array<i32: 0>} : vector<16xi32>
      %swap3A_896 = arith.constant 0 : index
      %swap3A_897 = tpu.vector_load %arg7[%swap3A_896] {strides = array<i32>} : memref<16xf32, #tpu.memory_space<vmem>>, vector<16xf32>,
      tpu.vector_store %arg7[%swap3A_896], %scan3A_893 {strides = array<i32>} : memref<16xf32, #tpu.memory_space<vmem>>, vector<16xf32>,
      %xor3A_898 = arith.constant 1 : i32
      %xor3A_899 = vector.broadcast %xor3A_898 : i32 to vector<16xi32>
      %xor3A_900 = arith.xori %iota3A_895, %xor3A_899 : vector<16xi32>
      %gather3A_901 = tpu.vector_load_idx %arg7[%xor3A_900] : memref<16xf32, #tpu.memory_space<vmem>>[vector<16xi32>], vector<16xf32>,
      %add3A_902 = arith.addf %scan3A_893, %gather3A_901 : vector<16xf32>
      %swap3A_903 = arith.constant 0 : index
      %swap3A_904 = tpu.vector_load %arg7[%swap3A_903] {strides = array<i32>} : memref<16xf32, #tpu.memory_space<vmem>>, vector<16xf32>,
      tpu.vector_store %arg7[%swap3A_903], %add3A_902 {strides = array<i32>} : memref<16xf32, #tpu.memory_space<vmem>>, vector<16xf32>,
      %xor3A_905 = arith.constant 2 : i32
      %xor3A_906 = vector.broadcast %xor3A_905 : i32 to vector<16xi32>
      %xor3A_907 = arith.xori %iota3A_895, %xor3A_906 : vector<16xi32>
      %gather3A_908 = tpu.vector_load_idx %arg7[%xor3A_907] : memref<16xf32, #tpu.memory_space<vmem>>[vector<16xi32>], vector<16xf32>,
      %add3A_909 = arith.addf %add3A_902, %gather3A_908 : vector<16xf32>
      %swap3A_910 = arith.constant 0 : index
      %swap3A_911 = tpu.vector_load %arg7[%swap3A_910] {strides = array<i32>} : memref<16xf32, #tpu.memory_space<vmem>>, vector<16xf32>,
      tpu.vector_store %arg7[%swap3A_910], %add3A_909 {strides = array<i32>} : memref<16xf32, #tpu.memory_space<vmem>>, vector<16xf32>,
      %xor3A_912 = arith.constant 4 : i32
      %xor3A_913 = vector.broadcast %xor3A_912 : i32 to vector<16xi32>
      %xor3A_914 = arith.xori %iota3A_895, %xor3A_913 : vector<16xi32>
      %gather3A_915 = tpu.vector_load_idx %arg7[%xor3A_914] : memref<16xf32, #tpu.memory_space<vmem>>[vector<16xi32>], vector<16xf32>,
      %add3A_916 = arith.addf %add3A_909, %gather3A_915 : vector<16xf32>
      %swap3A_917 = arith.constant 0 : index
      %swap3A_918 = tpu.vector_load %arg7[%swap3A_917] {strides = array<i32>} : memref<16xf32, #tpu.memory_space<vmem>>, vector<16xf32>,
      tpu.vector_store %arg7[%swap3A_917], %add3A_916 {strides = array<i32>} : memref<16xf32, #tpu.memory_space<vmem>>, vector<16xf32>,
      %xor3A_919 = arith.constant 8 : i32
      %xor3A_920 = vector.broadcast %xor3A_919 : i32 to vector<16xi32>
      %xor3A_921 = arith.xori %iota3A_895, %xor3A_920 : vector<16xi32>
      %gather3A_922 = tpu.vector_load_idx %arg7[%xor3A_921] : memref<16xf32, #tpu.memory_space<vmem>>[vector<16xi32>], vector<16xf32>,
      %add3A_923 = arith.addf %add3A_916, %gather3A_922 : vector<16xf32>
      %lt3A_924 = arith.constant 2.048000e+03 : f32
      %lt3A_925 = vector.broadcast %lt3A_924 : f32 to vector<16xf32>
      %lt3A_926 = arith.cmpf olt, %add3A_923, %lt3A_925 : vector<16xf32>
      %select_n3A_927 = arith.select %lt3A_926, %or3A_886, %select_n3A_883 : vector<16xi1>, vector<16xi32>
      %or3A_928 = arith.constant 1024 : i32
      %or3A_929 = vector.broadcast %or3A_928 : i32 to vector<16xi32>
      %or3A_930 = arith.ori %select_n3A_927, %or3A_929 : vector<16xi32>
      %broadcast_in_dim3A_931 = arith.constant 0.000000e+00 : f32
      %broadcast_in_dim3A_932 = vector.broadcast %broadcast_in_dim3A_931 : f32 to vector<16xf32>
      %scan3A_933 = arith.constant 0 : i32
      %scan3A_934 = arith.constant 256 : i32
      %scan3A_935 = arith.addi %scan3A_933, %scan3A_934 : i32
      %scan3A_936 = arith.constant 1 : i32
      %scan3A_937 = scf.for %scan3A_1495 = %scan3A_933 to %scan3A_935 step %scan3A_936 iter_args(%scan3A_1496 = %broadcast_in_dim3A_932) -> (vector<16xf32>)  : i32 {
        %mul3A_1497 = arith.constant 16 : i32
        %mul3A_1498 = arith.muli %scan3A_1495, %mul3A_1497 : i32
        %get3A = arith.index_cast %mul3A_1498 : i32 to index
        %get3A_1499 = tpu.vector_load %arg5[%get3A] {strides = array<i32>} : memref<4096xi32, #tpu.memory_space<vmem>>, vector<16xi32>,
        %lt3A_1500 = arith.cmpi ult, %get3A_1499, %or3A_930 : vector<16xi32>
        %jit3A = arith.constant 1.000000e+00 : f32
        %jit3A_1501 = arith.constant 0.000000e+00 : f32
        %broadcast_in_dim3A_1502 = vector.broadcast %jit3A : f32 to vector<16xf32>
        %broadcast_in_dim3A_1503 = vector.broadcast %jit3A_1501 : f32 to vector<16xf32>
        %select_n3A_1504 = arith.select %lt3A_1500, %broadcast_in_dim3A_1502, %broadcast_in_dim3A_1503 : vector<16xi1>, vector<16xf32>
        %add3A_1505 = arith.addf %scan3A_1496, %select_n3A_1504 : vector<16xf32>
        scf.yield %add3A_1505 : vector<16xf32>
      }
      %scan3A_938 = arith.constant 256 : i32
      %iota3A_939 = tpu.iota {dimensions = array<i32: 0>} : vector<16xi32>
      %swap3A_940 = arith.constant 0 : index
      %swap3A_941 = tpu.vector_load %arg7[%swap3A_940] {strides = array<i32>} : memref<16xf32, #tpu.memory_space<vmem>>, vector<16xf32>,
      tpu.vector_store %arg7[%swap3A_940], %scan3A_937 {strides = array<i32>} : memref<16xf32, #tpu.memory_space<vmem>>, vector<16xf32>,
      %xor3A_942 = arith.constant 1 : i32
      %xor3A_943 = vector.broadcast %xor3A_942 : i32 to vector<16xi32>
      %xor3A_944 = arith.xori %iota3A_939, %xor3A_943 : vector<16xi32>
      %gather3A_945 = tpu.vector_load_idx %arg7[%xor3A_944] : memref<16xf32, #tpu.memory_space<vmem>>[vector<16xi32>], vector<16xf32>,
      %add3A_946 = arith.addf %scan3A_937, %gather3A_945 : vector<16xf32>
      %swap3A_947 = arith.constant 0 : index
      %swap3A_948 = tpu.vector_load %arg7[%swap3A_947] {strides = array<i32>} : memref<16xf32, #tpu.memory_space<vmem>>, vector<16xf32>,
      tpu.vector_store %arg7[%swap3A_947], %add3A_946 {strides = array<i32>} : memref<16xf32, #tpu.memory_space<vmem>>, vector<16xf32>,
      %xor3A_949 = arith.constant 2 : i32
      %xor3A_950 = vector.broadcast %xor3A_949 : i32 to vector<16xi32>
      %xor3A_951 = arith.xori %iota3A_939, %xor3A_950 : vector<16xi32>
      %gather3A_952 = tpu.vector_load_idx %arg7[%xor3A_951] : memref<16xf32, #tpu.memory_space<vmem>>[vector<16xi32>], vector<16xf32>,
      %add3A_953 = arith.addf %add3A_946, %gather3A_952 : vector<16xf32>
      %swap3A_954 = arith.constant 0 : index
      %swap3A_955 = tpu.vector_load %arg7[%swap3A_954] {strides = array<i32>} : memref<16xf32, #tpu.memory_space<vmem>>, vector<16xf32>,
      tpu.vector_store %arg7[%swap3A_954], %add3A_953 {strides = array<i32>} : memref<16xf32, #tpu.memory_space<vmem>>, vector<16xf32>,
      %xor3A_956 = arith.constant 4 : i32
      %xor3A_957 = vector.broadcast %xor3A_956 : i32 to vector<16xi32>
      %xor3A_958 = arith.xori %iota3A_939, %xor3A_957 : vector<16xi32>
      %gather3A_959 = tpu.vector_load_idx %arg7[%xor3A_958] : memref<16xf32, #tpu.memory_space<vmem>>[vector<16xi32>], vector<16xf32>,
      %add3A_960 = arith.addf %add3A_953, %gather3A_959 : vector<16xf32>
      %swap3A_961 = arith.constant 0 : index
      %swap3A_962 = tpu.vector_load %arg7[%swap3A_961] {strides = array<i32>} : memref<16xf32, #tpu.memory_space<vmem>>, vector<16xf32>,
      tpu.vector_store %arg7[%swap3A_961], %add3A_960 {strides = array<i32>} : memref<16xf32, #tpu.memory_space<vmem>>, vector<16xf32>,
      %xor3A_963 = arith.constant 8 : i32
      %xor3A_964 = vector.broadcast %xor3A_963 : i32 to vector<16xi32>
      %xor3A_965 = arith.xori %iota3A_939, %xor3A_964 : vector<16xi32>
      %gather3A_966 = tpu.vector_load_idx %arg7[%xor3A_965] : memref<16xf32, #tpu.memory_space<vmem>>[vector<16xi32>], vector<16xf32>,
      %add3A_967 = arith.addf %add3A_960, %gather3A_966 : vector<16xf32>
      %lt3A_968 = arith.constant 2.048000e+03 : f32
      %lt3A_969 = vector.broadcast %lt3A_968 : f32 to vector<16xf32>
      %lt3A_970 = arith.cmpf olt, %add3A_967, %lt3A_969 : vector<16xf32>
      %select_n3A_971 = arith.select %lt3A_970, %or3A_930, %select_n3A_927 : vector<16xi1>, vector<16xi32>
      %or3A_972 = arith.constant 512 : i32
      %or3A_973 = vector.broadcast %or3A_972 : i32 to vector<16xi32>
      %or3A_974 = arith.ori %select_n3A_971, %or3A_973 : vector<16xi32>
      %broadcast_in_dim3A_975 = arith.constant 0.000000e+00 : f32
      %broadcast_in_dim3A_976 = vector.broadcast %broadcast_in_dim3A_975 : f32 to vector<16xf32>
      %scan3A_977 = arith.constant 0 : i32
      %scan3A_978 = arith.constant 256 : i32
      %scan3A_979 = arith.addi %scan3A_977, %scan3A_978 : i32
      %scan3A_980 = arith.constant 1 : i32
      %scan3A_981 = scf.for %scan3A_1495 = %scan3A_977 to %scan3A_979 step %scan3A_980 iter_args(%scan3A_1496 = %broadcast_in_dim3A_976) -> (vector<16xf32>)  : i32 {
        %mul3A_1497 = arith.constant 16 : i32
        %mul3A_1498 = arith.muli %scan3A_1495, %mul3A_1497 : i32
        %get3A = arith.index_cast %mul3A_1498 : i32 to index
        %get3A_1499 = tpu.vector_load %arg5[%get3A] {strides = array<i32>} : memref<4096xi32, #tpu.memory_space<vmem>>, vector<16xi32>,
        %lt3A_1500 = arith.cmpi ult, %get3A_1499, %or3A_974 : vector<16xi32>
        %jit3A = arith.constant 1.000000e+00 : f32
        %jit3A_1501 = arith.constant 0.000000e+00 : f32
        %broadcast_in_dim3A_1502 = vector.broadcast %jit3A : f32 to vector<16xf32>
        %broadcast_in_dim3A_1503 = vector.broadcast %jit3A_1501 : f32 to vector<16xf32>
        %select_n3A_1504 = arith.select %lt3A_1500, %broadcast_in_dim3A_1502, %broadcast_in_dim3A_1503 : vector<16xi1>, vector<16xf32>
        %add3A_1505 = arith.addf %scan3A_1496, %select_n3A_1504 : vector<16xf32>
        scf.yield %add3A_1505 : vector<16xf32>
      }
      %scan3A_982 = arith.constant 256 : i32
      %iota3A_983 = tpu.iota {dimensions = array<i32: 0>} : vector<16xi32>
      %swap3A_984 = arith.constant 0 : index
      %swap3A_985 = tpu.vector_load %arg7[%swap3A_984] {strides = array<i32>} : memref<16xf32, #tpu.memory_space<vmem>>, vector<16xf32>,
      tpu.vector_store %arg7[%swap3A_984], %scan3A_981 {strides = array<i32>} : memref<16xf32, #tpu.memory_space<vmem>>, vector<16xf32>,
      %xor3A_986 = arith.constant 1 : i32
      %xor3A_987 = vector.broadcast %xor3A_986 : i32 to vector<16xi32>
      %xor3A_988 = arith.xori %iota3A_983, %xor3A_987 : vector<16xi32>
      %gather3A_989 = tpu.vector_load_idx %arg7[%xor3A_988] : memref<16xf32, #tpu.memory_space<vmem>>[vector<16xi32>], vector<16xf32>,
      %add3A_990 = arith.addf %scan3A_981, %gather3A_989 : vector<16xf32>
      %swap3A_991 = arith.constant 0 : index
      %swap3A_992 = tpu.vector_load %arg7[%swap3A_991] {strides = array<i32>} : memref<16xf32, #tpu.memory_space<vmem>>, vector<16xf32>,
      tpu.vector_store %arg7[%swap3A_991], %add3A_990 {strides = array<i32>} : memref<16xf32, #tpu.memory_space<vmem>>, vector<16xf32>,
      %xor3A_993 = arith.constant 2 : i32
      %xor3A_994 = vector.broadcast %xor3A_993 : i32 to vector<16xi32>
      %xor3A_995 = arith.xori %iota3A_983, %xor3A_994 : vector<16xi32>
      %gather3A_996 = tpu.vector_load_idx %arg7[%xor3A_995] : memref<16xf32, #tpu.memory_space<vmem>>[vector<16xi32>], vector<16xf32>,
      %add3A_997 = arith.addf %add3A_990, %gather3A_996 : vector<16xf32>
      %swap3A_998 = arith.constant 0 : index
      %swap3A_999 = tpu.vector_load %arg7[%swap3A_998] {strides = array<i32>} : memref<16xf32, #tpu.memory_space<vmem>>, vector<16xf32>,
      tpu.vector_store %arg7[%swap3A_998], %add3A_997 {strides = array<i32>} : memref<16xf32, #tpu.memory_space<vmem>>, vector<16xf32>,
      %xor3A_1000 = arith.constant 4 : i32
      %xor3A_1001 = vector.broadcast %xor3A_1000 : i32 to vector<16xi32>
      %xor3A_1002 = arith.xori %iota3A_983, %xor3A_1001 : vector<16xi32>
      %gather3A_1003 = tpu.vector_load_idx %arg7[%xor3A_1002] : memref<16xf32, #tpu.memory_space<vmem>>[vector<16xi32>], vector<16xf32>,
      %add3A_1004 = arith.addf %add3A_997, %gather3A_1003 : vector<16xf32>
      %swap3A_1005 = arith.constant 0 : index
      %swap3A_1006 = tpu.vector_load %arg7[%swap3A_1005] {strides = array<i32>} : memref<16xf32, #tpu.memory_space<vmem>>, vector<16xf32>,
      tpu.vector_store %arg7[%swap3A_1005], %add3A_1004 {strides = array<i32>} : memref<16xf32, #tpu.memory_space<vmem>>, vector<16xf32>,
      %xor3A_1007 = arith.constant 8 : i32
      %xor3A_1008 = vector.broadcast %xor3A_1007 : i32 to vector<16xi32>
      %xor3A_1009 = arith.xori %iota3A_983, %xor3A_1008 : vector<16xi32>
      %gather3A_1010 = tpu.vector_load_idx %arg7[%xor3A_1009] : memref<16xf32, #tpu.memory_space<vmem>>[vector<16xi32>], vector<16xf32>,
      %add3A_1011 = arith.addf %add3A_1004, %gather3A_1010 : vector<16xf32>
      %lt3A_1012 = arith.constant 2.048000e+03 : f32
      %lt3A_1013 = vector.broadcast %lt3A_1012 : f32 to vector<16xf32>
      %lt3A_1014 = arith.cmpf olt, %add3A_1011, %lt3A_1013 : vector<16xf32>
      %select_n3A_1015 = arith.select %lt3A_1014, %or3A_974, %select_n3A_971 : vector<16xi1>, vector<16xi32>
      %or3A_1016 = arith.constant 256 : i32
      %or3A_1017 = vector.broadcast %or3A_1016 : i32 to vector<16xi32>
      %or3A_1018 = arith.ori %select_n3A_1015, %or3A_1017 : vector<16xi32>
      %broadcast_in_dim3A_1019 = arith.constant 0.000000e+00 : f32
      %broadcast_in_dim3A_1020 = vector.broadcast %broadcast_in_dim3A_1019 : f32 to vector<16xf32>
      %scan3A_1021 = arith.constant 0 : i32
      %scan3A_1022 = arith.constant 256 : i32
      %scan3A_1023 = arith.addi %scan3A_1021, %scan3A_1022 : i32
      %scan3A_1024 = arith.constant 1 : i32
      %scan3A_1025 = scf.for %scan3A_1495 = %scan3A_1021 to %scan3A_1023 step %scan3A_1024 iter_args(%scan3A_1496 = %broadcast_in_dim3A_1020) -> (vector<16xf32>)  : i32 {
        %mul3A_1497 = arith.constant 16 : i32
        %mul3A_1498 = arith.muli %scan3A_1495, %mul3A_1497 : i32
        %get3A = arith.index_cast %mul3A_1498 : i32 to index
        %get3A_1499 = tpu.vector_load %arg5[%get3A] {strides = array<i32>} : memref<4096xi32, #tpu.memory_space<vmem>>, vector<16xi32>,
        %lt3A_1500 = arith.cmpi ult, %get3A_1499, %or3A_1018 : vector<16xi32>
        %jit3A = arith.constant 1.000000e+00 : f32
        %jit3A_1501 = arith.constant 0.000000e+00 : f32
        %broadcast_in_dim3A_1502 = vector.broadcast %jit3A : f32 to vector<16xf32>
        %broadcast_in_dim3A_1503 = vector.broadcast %jit3A_1501 : f32 to vector<16xf32>
        %select_n3A_1504 = arith.select %lt3A_1500, %broadcast_in_dim3A_1502, %broadcast_in_dim3A_1503 : vector<16xi1>, vector<16xf32>
        %add3A_1505 = arith.addf %scan3A_1496, %select_n3A_1504 : vector<16xf32>
        scf.yield %add3A_1505 : vector<16xf32>
      }
      %scan3A_1026 = arith.constant 256 : i32
      %iota3A_1027 = tpu.iota {dimensions = array<i32: 0>} : vector<16xi32>
      %swap3A_1028 = arith.constant 0 : index
      %swap3A_1029 = tpu.vector_load %arg7[%swap3A_1028] {strides = array<i32>} : memref<16xf32, #tpu.memory_space<vmem>>, vector<16xf32>,
      tpu.vector_store %arg7[%swap3A_1028], %scan3A_1025 {strides = array<i32>} : memref<16xf32, #tpu.memory_space<vmem>>, vector<16xf32>,
      %xor3A_1030 = arith.constant 1 : i32
      %xor3A_1031 = vector.broadcast %xor3A_1030 : i32 to vector<16xi32>
      %xor3A_1032 = arith.xori %iota3A_1027, %xor3A_1031 : vector<16xi32>
      %gather3A_1033 = tpu.vector_load_idx %arg7[%xor3A_1032] : memref<16xf32, #tpu.memory_space<vmem>>[vector<16xi32>], vector<16xf32>,
      %add3A_1034 = arith.addf %scan3A_1025, %gather3A_1033 : vector<16xf32>
      %swap3A_1035 = arith.constant 0 : index
      %swap3A_1036 = tpu.vector_load %arg7[%swap3A_1035] {strides = array<i32>} : memref<16xf32, #tpu.memory_space<vmem>>, vector<16xf32>,
      tpu.vector_store %arg7[%swap3A_1035], %add3A_1034 {strides = array<i32>} : memref<16xf32, #tpu.memory_space<vmem>>, vector<16xf32>,
      %xor3A_1037 = arith.constant 2 : i32
      %xor3A_1038 = vector.broadcast %xor3A_1037 : i32 to vector<16xi32>
      %xor3A_1039 = arith.xori %iota3A_1027, %xor3A_1038 : vector<16xi32>
      %gather3A_1040 = tpu.vector_load_idx %arg7[%xor3A_1039] : memref<16xf32, #tpu.memory_space<vmem>>[vector<16xi32>], vector<16xf32>,
      %add3A_1041 = arith.addf %add3A_1034, %gather3A_1040 : vector<16xf32>
      %swap3A_1042 = arith.constant 0 : index
      %swap3A_1043 = tpu.vector_load %arg7[%swap3A_1042] {strides = array<i32>} : memref<16xf32, #tpu.memory_space<vmem>>, vector<16xf32>,
      tpu.vector_store %arg7[%swap3A_1042], %add3A_1041 {strides = array<i32>} : memref<16xf32, #tpu.memory_space<vmem>>, vector<16xf32>,
      %xor3A_1044 = arith.constant 4 : i32
      %xor3A_1045 = vector.broadcast %xor3A_1044 : i32 to vector<16xi32>
      %xor3A_1046 = arith.xori %iota3A_1027, %xor3A_1045 : vector<16xi32>
      %gather3A_1047 = tpu.vector_load_idx %arg7[%xor3A_1046] : memref<16xf32, #tpu.memory_space<vmem>>[vector<16xi32>], vector<16xf32>,
      %add3A_1048 = arith.addf %add3A_1041, %gather3A_1047 : vector<16xf32>
      %swap3A_1049 = arith.constant 0 : index
      %swap3A_1050 = tpu.vector_load %arg7[%swap3A_1049] {strides = array<i32>} : memref<16xf32, #tpu.memory_space<vmem>>, vector<16xf32>,
      tpu.vector_store %arg7[%swap3A_1049], %add3A_1048 {strides = array<i32>} : memref<16xf32, #tpu.memory_space<vmem>>, vector<16xf32>,
      %xor3A_1051 = arith.constant 8 : i32
      %xor3A_1052 = vector.broadcast %xor3A_1051 : i32 to vector<16xi32>
      %xor3A_1053 = arith.xori %iota3A_1027, %xor3A_1052 : vector<16xi32>
      %gather3A_1054 = tpu.vector_load_idx %arg7[%xor3A_1053] : memref<16xf32, #tpu.memory_space<vmem>>[vector<16xi32>], vector<16xf32>,
      %add3A_1055 = arith.addf %add3A_1048, %gather3A_1054 : vector<16xf32>
      %lt3A_1056 = arith.constant 2.048000e+03 : f32
      %lt3A_1057 = vector.broadcast %lt3A_1056 : f32 to vector<16xf32>
      %lt3A_1058 = arith.cmpf olt, %add3A_1055, %lt3A_1057 : vector<16xf32>
      %select_n3A_1059 = arith.select %lt3A_1058, %or3A_1018, %select_n3A_1015 : vector<16xi1>, vector<16xi32>
      %or3A_1060 = arith.constant 128 : i32
      %or3A_1061 = vector.broadcast %or3A_1060 : i32 to vector<16xi32>
      %or3A_1062 = arith.ori %select_n3A_1059, %or3A_1061 : vector<16xi32>
      %broadcast_in_dim3A_1063 = arith.constant 0.000000e+00 : f32
      %broadcast_in_dim3A_1064 = vector.broadcast %broadcast_in_dim3A_1063 : f32 to vector<16xf32>
      %scan3A_1065 = arith.constant 0 : i32
      %scan3A_1066 = arith.constant 256 : i32
      %scan3A_1067 = arith.addi %scan3A_1065, %scan3A_1066 : i32
      %scan3A_1068 = arith.constant 1 : i32
      %scan3A_1069 = scf.for %scan3A_1495 = %scan3A_1065 to %scan3A_1067 step %scan3A_1068 iter_args(%scan3A_1496 = %broadcast_in_dim3A_1064) -> (vector<16xf32>)  : i32 {
        %mul3A_1497 = arith.constant 16 : i32
        %mul3A_1498 = arith.muli %scan3A_1495, %mul3A_1497 : i32
        %get3A = arith.index_cast %mul3A_1498 : i32 to index
        %get3A_1499 = tpu.vector_load %arg5[%get3A] {strides = array<i32>} : memref<4096xi32, #tpu.memory_space<vmem>>, vector<16xi32>,
        %lt3A_1500 = arith.cmpi ult, %get3A_1499, %or3A_1062 : vector<16xi32>
        %jit3A = arith.constant 1.000000e+00 : f32
        %jit3A_1501 = arith.constant 0.000000e+00 : f32
        %broadcast_in_dim3A_1502 = vector.broadcast %jit3A : f32 to vector<16xf32>
        %broadcast_in_dim3A_1503 = vector.broadcast %jit3A_1501 : f32 to vector<16xf32>
        %select_n3A_1504 = arith.select %lt3A_1500, %broadcast_in_dim3A_1502, %broadcast_in_dim3A_1503 : vector<16xi1>, vector<16xf32>
        %add3A_1505 = arith.addf %scan3A_1496, %select_n3A_1504 : vector<16xf32>
        scf.yield %add3A_1505 : vector<16xf32>
      }
      %scan3A_1070 = arith.constant 256 : i32
      %iota3A_1071 = tpu.iota {dimensions = array<i32: 0>} : vector<16xi32>
      %swap3A_1072 = arith.constant 0 : index
      %swap3A_1073 = tpu.vector_load %arg7[%swap3A_1072] {strides = array<i32>} : memref<16xf32, #tpu.memory_space<vmem>>, vector<16xf32>,
      tpu.vector_store %arg7[%swap3A_1072], %scan3A_1069 {strides = array<i32>} : memref<16xf32, #tpu.memory_space<vmem>>, vector<16xf32>,
      %xor3A_1074 = arith.constant 1 : i32
      %xor3A_1075 = vector.broadcast %xor3A_1074 : i32 to vector<16xi32>
      %xor3A_1076 = arith.xori %iota3A_1071, %xor3A_1075 : vector<16xi32>
      %gather3A_1077 = tpu.vector_load_idx %arg7[%xor3A_1076] : memref<16xf32, #tpu.memory_space<vmem>>[vector<16xi32>], vector<16xf32>,
      %add3A_1078 = arith.addf %scan3A_1069, %gather3A_1077 : vector<16xf32>
      %swap3A_1079 = arith.constant 0 : index
      %swap3A_1080 = tpu.vector_load %arg7[%swap3A_1079] {strides = array<i32>} : memref<16xf32, #tpu.memory_space<vmem>>, vector<16xf32>,
      tpu.vector_store %arg7[%swap3A_1079], %add3A_1078 {strides = array<i32>} : memref<16xf32, #tpu.memory_space<vmem>>, vector<16xf32>,
      %xor3A_1081 = arith.constant 2 : i32
      %xor3A_1082 = vector.broadcast %xor3A_1081 : i32 to vector<16xi32>
      %xor3A_1083 = arith.xori %iota3A_1071, %xor3A_1082 : vector<16xi32>
      %gather3A_1084 = tpu.vector_load_idx %arg7[%xor3A_1083] : memref<16xf32, #tpu.memory_space<vmem>>[vector<16xi32>], vector<16xf32>,
      %add3A_1085 = arith.addf %add3A_1078, %gather3A_1084 : vector<16xf32>
      %swap3A_1086 = arith.constant 0 : index
      %swap3A_1087 = tpu.vector_load %arg7[%swap3A_1086] {strides = array<i32>} : memref<16xf32, #tpu.memory_space<vmem>>, vector<16xf32>,
      tpu.vector_store %arg7[%swap3A_1086], %add3A_1085 {strides = array<i32>} : memref<16xf32, #tpu.memory_space<vmem>>, vector<16xf32>,
      %xor3A_1088 = arith.constant 4 : i32
      %xor3A_1089 = vector.broadcast %xor3A_1088 : i32 to vector<16xi32>
      %xor3A_1090 = arith.xori %iota3A_1071, %xor3A_1089 : vector<16xi32>
      %gather3A_1091 = tpu.vector_load_idx %arg7[%xor3A_1090] : memref<16xf32, #tpu.memory_space<vmem>>[vector<16xi32>], vector<16xf32>,
      %add3A_1092 = arith.addf %add3A_1085, %gather3A_1091 : vector<16xf32>
      %swap3A_1093 = arith.constant 0 : index
      %swap3A_1094 = tpu.vector_load %arg7[%swap3A_1093] {strides = array<i32>} : memref<16xf32, #tpu.memory_space<vmem>>, vector<16xf32>,
      tpu.vector_store %arg7[%swap3A_1093], %add3A_1092 {strides = array<i32>} : memref<16xf32, #tpu.memory_space<vmem>>, vector<16xf32>,
      %xor3A_1095 = arith.constant 8 : i32
      %xor3A_1096 = vector.broadcast %xor3A_1095 : i32 to vector<16xi32>
      %xor3A_1097 = arith.xori %iota3A_1071, %xor3A_1096 : vector<16xi32>
      %gather3A_1098 = tpu.vector_load_idx %arg7[%xor3A_1097] : memref<16xf32, #tpu.memory_space<vmem>>[vector<16xi32>], vector<16xf32>,
      %add3A_1099 = arith.addf %add3A_1092, %gather3A_1098 : vector<16xf32>
      %lt3A_1100 = arith.constant 2.048000e+03 : f32
      %lt3A_1101 = vector.broadcast %lt3A_1100 : f32 to vector<16xf32>
      %lt3A_1102 = arith.cmpf olt, %add3A_1099, %lt3A_1101 : vector<16xf32>
      %select_n3A_1103 = arith.select %lt3A_1102, %or3A_1062, %select_n3A_1059 : vector<16xi1>, vector<16xi32>
      %or3A_1104 = arith.constant 64 : i32
      %or3A_1105 = vector.broadcast %or3A_1104 : i32 to vector<16xi32>
      %or3A_1106 = arith.ori %select_n3A_1103, %or3A_1105 : vector<16xi32>
      %broadcast_in_dim3A_1107 = arith.constant 0.000000e+00 : f32
      %broadcast_in_dim3A_1108 = vector.broadcast %broadcast_in_dim3A_1107 : f32 to vector<16xf32>
      %scan3A_1109 = arith.constant 0 : i32
      %scan3A_1110 = arith.constant 256 : i32
      %scan3A_1111 = arith.addi %scan3A_1109, %scan3A_1110 : i32
      %scan3A_1112 = arith.constant 1 : i32
      %scan3A_1113 = scf.for %scan3A_1495 = %scan3A_1109 to %scan3A_1111 step %scan3A_1112 iter_args(%scan3A_1496 = %broadcast_in_dim3A_1108) -> (vector<16xf32>)  : i32 {
        %mul3A_1497 = arith.constant 16 : i32
        %mul3A_1498 = arith.muli %scan3A_1495, %mul3A_1497 : i32
        %get3A = arith.index_cast %mul3A_1498 : i32 to index
        %get3A_1499 = tpu.vector_load %arg5[%get3A] {strides = array<i32>} : memref<4096xi32, #tpu.memory_space<vmem>>, vector<16xi32>,
        %lt3A_1500 = arith.cmpi ult, %get3A_1499, %or3A_1106 : vector<16xi32>
        %jit3A = arith.constant 1.000000e+00 : f32
        %jit3A_1501 = arith.constant 0.000000e+00 : f32
        %broadcast_in_dim3A_1502 = vector.broadcast %jit3A : f32 to vector<16xf32>
        %broadcast_in_dim3A_1503 = vector.broadcast %jit3A_1501 : f32 to vector<16xf32>
        %select_n3A_1504 = arith.select %lt3A_1500, %broadcast_in_dim3A_1502, %broadcast_in_dim3A_1503 : vector<16xi1>, vector<16xf32>
        %add3A_1505 = arith.addf %scan3A_1496, %select_n3A_1504 : vector<16xf32>
        scf.yield %add3A_1505 : vector<16xf32>
      }
      %scan3A_1114 = arith.constant 256 : i32
      %iota3A_1115 = tpu.iota {dimensions = array<i32: 0>} : vector<16xi32>
      %swap3A_1116 = arith.constant 0 : index
      %swap3A_1117 = tpu.vector_load %arg7[%swap3A_1116] {strides = array<i32>} : memref<16xf32, #tpu.memory_space<vmem>>, vector<16xf32>,
      tpu.vector_store %arg7[%swap3A_1116], %scan3A_1113 {strides = array<i32>} : memref<16xf32, #tpu.memory_space<vmem>>, vector<16xf32>,
      %xor3A_1118 = arith.constant 1 : i32
      %xor3A_1119 = vector.broadcast %xor3A_1118 : i32 to vector<16xi32>
      %xor3A_1120 = arith.xori %iota3A_1115, %xor3A_1119 : vector<16xi32>
      %gather3A_1121 = tpu.vector_load_idx %arg7[%xor3A_1120] : memref<16xf32, #tpu.memory_space<vmem>>[vector<16xi32>], vector<16xf32>,
      %add3A_1122 = arith.addf %scan3A_1113, %gather3A_1121 : vector<16xf32>
      %swap3A_1123 = arith.constant 0 : index
      %swap3A_1124 = tpu.vector_load %arg7[%swap3A_1123] {strides = array<i32>} : memref<16xf32, #tpu.memory_space<vmem>>, vector<16xf32>,
      tpu.vector_store %arg7[%swap3A_1123], %add3A_1122 {strides = array<i32>} : memref<16xf32, #tpu.memory_space<vmem>>, vector<16xf32>,
      %xor3A_1125 = arith.constant 2 : i32
      %xor3A_1126 = vector.broadcast %xor3A_1125 : i32 to vector<16xi32>
      %xor3A_1127 = arith.xori %iota3A_1115, %xor3A_1126 : vector<16xi32>
      %gather3A_1128 = tpu.vector_load_idx %arg7[%xor3A_1127] : memref<16xf32, #tpu.memory_space<vmem>>[vector<16xi32>], vector<16xf32>,
      %add3A_1129 = arith.addf %add3A_1122, %gather3A_1128 : vector<16xf32>
      %swap3A_1130 = arith.constant 0 : index
      %swap3A_1131 = tpu.vector_load %arg7[%swap3A_1130] {strides = array<i32>} : memref<16xf32, #tpu.memory_space<vmem>>, vector<16xf32>,
      tpu.vector_store %arg7[%swap3A_1130], %add3A_1129 {strides = array<i32>} : memref<16xf32, #tpu.memory_space<vmem>>, vector<16xf32>,
      %xor3A_1132 = arith.constant 4 : i32
      %xor3A_1133 = vector.broadcast %xor3A_1132 : i32 to vector<16xi32>
      %xor3A_1134 = arith.xori %iota3A_1115, %xor3A_1133 : vector<16xi32>
      %gather3A_1135 = tpu.vector_load_idx %arg7[%xor3A_1134] : memref<16xf32, #tpu.memory_space<vmem>>[vector<16xi32>], vector<16xf32>,
      %add3A_1136 = arith.addf %add3A_1129, %gather3A_1135 : vector<16xf32>
      %swap3A_1137 = arith.constant 0 : index
      %swap3A_1138 = tpu.vector_load %arg7[%swap3A_1137] {strides = array<i32>} : memref<16xf32, #tpu.memory_space<vmem>>, vector<16xf32>,
      tpu.vector_store %arg7[%swap3A_1137], %add3A_1136 {strides = array<i32>} : memref<16xf32, #tpu.memory_space<vmem>>, vector<16xf32>,
      %xor3A_1139 = arith.constant 8 : i32
      %xor3A_1140 = vector.broadcast %xor3A_1139 : i32 to vector<16xi32>
      %xor3A_1141 = arith.xori %iota3A_1115, %xor3A_1140 : vector<16xi32>
      %gather3A_1142 = tpu.vector_load_idx %arg7[%xor3A_1141] : memref<16xf32, #tpu.memory_space<vmem>>[vector<16xi32>], vector<16xf32>,
      %add3A_1143 = arith.addf %add3A_1136, %gather3A_1142 : vector<16xf32>
      %lt3A_1144 = arith.constant 2.048000e+03 : f32
      %lt3A_1145 = vector.broadcast %lt3A_1144 : f32 to vector<16xf32>
      %lt3A_1146 = arith.cmpf olt, %add3A_1143, %lt3A_1145 : vector<16xf32>
      %select_n3A_1147 = arith.select %lt3A_1146, %or3A_1106, %select_n3A_1103 : vector<16xi1>, vector<16xi32>
      %or3A_1148 = arith.constant 32 : i32
      %or3A_1149 = vector.broadcast %or3A_1148 : i32 to vector<16xi32>
      %or3A_1150 = arith.ori %select_n3A_1147, %or3A_1149 : vector<16xi32>
      %broadcast_in_dim3A_1151 = arith.constant 0.000000e+00 : f32
      %broadcast_in_dim3A_1152 = vector.broadcast %broadcast_in_dim3A_1151 : f32 to vector<16xf32>
      %scan3A_1153 = arith.constant 0 : i32
      %scan3A_1154 = arith.constant 256 : i32
      %scan3A_1155 = arith.addi %scan3A_1153, %scan3A_1154 : i32
      %scan3A_1156 = arith.constant 1 : i32
      %scan3A_1157 = scf.for %scan3A_1495 = %scan3A_1153 to %scan3A_1155 step %scan3A_1156 iter_args(%scan3A_1496 = %broadcast_in_dim3A_1152) -> (vector<16xf32>)  : i32 {
        %mul3A_1497 = arith.constant 16 : i32
        %mul3A_1498 = arith.muli %scan3A_1495, %mul3A_1497 : i32
        %get3A = arith.index_cast %mul3A_1498 : i32 to index
        %get3A_1499 = tpu.vector_load %arg5[%get3A] {strides = array<i32>} : memref<4096xi32, #tpu.memory_space<vmem>>, vector<16xi32>,
        %lt3A_1500 = arith.cmpi ult, %get3A_1499, %or3A_1150 : vector<16xi32>
        %jit3A = arith.constant 1.000000e+00 : f32
        %jit3A_1501 = arith.constant 0.000000e+00 : f32
        %broadcast_in_dim3A_1502 = vector.broadcast %jit3A : f32 to vector<16xf32>
        %broadcast_in_dim3A_1503 = vector.broadcast %jit3A_1501 : f32 to vector<16xf32>
        %select_n3A_1504 = arith.select %lt3A_1500, %broadcast_in_dim3A_1502, %broadcast_in_dim3A_1503 : vector<16xi1>, vector<16xf32>
        %add3A_1505 = arith.addf %scan3A_1496, %select_n3A_1504 : vector<16xf32>
        scf.yield %add3A_1505 : vector<16xf32>
      }
      %scan3A_1158 = arith.constant 256 : i32
      %iota3A_1159 = tpu.iota {dimensions = array<i32: 0>} : vector<16xi32>
      %swap3A_1160 = arith.constant 0 : index
      %swap3A_1161 = tpu.vector_load %arg7[%swap3A_1160] {strides = array<i32>} : memref<16xf32, #tpu.memory_space<vmem>>, vector<16xf32>,
      tpu.vector_store %arg7[%swap3A_1160], %scan3A_1157 {strides = array<i32>} : memref<16xf32, #tpu.memory_space<vmem>>, vector<16xf32>,
      %xor3A_1162 = arith.constant 1 : i32
      %xor3A_1163 = vector.broadcast %xor3A_1162 : i32 to vector<16xi32>
      %xor3A_1164 = arith.xori %iota3A_1159, %xor3A_1163 : vector<16xi32>
      %gather3A_1165 = tpu.vector_load_idx %arg7[%xor3A_1164] : memref<16xf32, #tpu.memory_space<vmem>>[vector<16xi32>], vector<16xf32>,
      %add3A_1166 = arith.addf %scan3A_1157, %gather3A_1165 : vector<16xf32>
      %swap3A_1167 = arith.constant 0 : index
      %swap3A_1168 = tpu.vector_load %arg7[%swap3A_1167] {strides = array<i32>} : memref<16xf32, #tpu.memory_space<vmem>>, vector<16xf32>,
      tpu.vector_store %arg7[%swap3A_1167], %add3A_1166 {strides = array<i32>} : memref<16xf32, #tpu.memory_space<vmem>>, vector<16xf32>,
      %xor3A_1169 = arith.constant 2 : i32
      %xor3A_1170 = vector.broadcast %xor3A_1169 : i32 to vector<16xi32>
      %xor3A_1171 = arith.xori %iota3A_1159, %xor3A_1170 : vector<16xi32>
      %gather3A_1172 = tpu.vector_load_idx %arg7[%xor3A_1171] : memref<16xf32, #tpu.memory_space<vmem>>[vector<16xi32>], vector<16xf32>,
      %add3A_1173 = arith.addf %add3A_1166, %gather3A_1172 : vector<16xf32>
      %swap3A_1174 = arith.constant 0 : index
      %swap3A_1175 = tpu.vector_load %arg7[%swap3A_1174] {strides = array<i32>} : memref<16xf32, #tpu.memory_space<vmem>>, vector<16xf32>,
      tpu.vector_store %arg7[%swap3A_1174], %add3A_1173 {strides = array<i32>} : memref<16xf32, #tpu.memory_space<vmem>>, vector<16xf32>,
      %xor3A_1176 = arith.constant 4 : i32
      %xor3A_1177 = vector.broadcast %xor3A_1176 : i32 to vector<16xi32>
      %xor3A_1178 = arith.xori %iota3A_1159, %xor3A_1177 : vector<16xi32>
      %gather3A_1179 = tpu.vector_load_idx %arg7[%xor3A_1178] : memref<16xf32, #tpu.memory_space<vmem>>[vector<16xi32>], vector<16xf32>,
      %add3A_1180 = arith.addf %add3A_1173, %gather3A_1179 : vector<16xf32>
      %swap3A_1181 = arith.constant 0 : index
      %swap3A_1182 = tpu.vector_load %arg7[%swap3A_1181] {strides = array<i32>} : memref<16xf32, #tpu.memory_space<vmem>>, vector<16xf32>,
      tpu.vector_store %arg7[%swap3A_1181], %add3A_1180 {strides = array<i32>} : memref<16xf32, #tpu.memory_space<vmem>>, vector<16xf32>,
      %xor3A_1183 = arith.constant 8 : i32
      %xor3A_1184 = vector.broadcast %xor3A_1183 : i32 to vector<16xi32>
      %xor3A_1185 = arith.xori %iota3A_1159, %xor3A_1184 : vector<16xi32>
      %gather3A_1186 = tpu.vector_load_idx %arg7[%xor3A_1185] : memref<16xf32, #tpu.memory_space<vmem>>[vector<16xi32>], vector<16xf32>,
      %add3A_1187 = arith.addf %add3A_1180, %gather3A_1186 : vector<16xf32>
      %lt3A_1188 = arith.constant 2.048000e+03 : f32
      %lt3A_1189 = vector.broadcast %lt3A_1188 : f32 to vector<16xf32>
      %lt3A_1190 = arith.cmpf olt, %add3A_1187, %lt3A_1189 : vector<16xf32>
      %select_n3A_1191 = arith.select %lt3A_1190, %or3A_1150, %select_n3A_1147 : vector<16xi1>, vector<16xi32>
      %or3A_1192 = arith.constant 16 : i32
      %or3A_1193 = vector.broadcast %or3A_1192 : i32 to vector<16xi32>
      %or3A_1194 = arith.ori %select_n3A_1191, %or3A_1193 : vector<16xi32>
      %broadcast_in_dim3A_1195 = arith.constant 0.000000e+00 : f32
      %broadcast_in_dim3A_1196 = vector.broadcast %broadcast_in_dim3A_1195 : f32 to vector<16xf32>
      %scan3A_1197 = arith.constant 0 : i32
      %scan3A_1198 = arith.constant 256 : i32
      %scan3A_1199 = arith.addi %scan3A_1197, %scan3A_1198 : i32
      %scan3A_1200 = arith.constant 1 : i32
      %scan3A_1201 = scf.for %scan3A_1495 = %scan3A_1197 to %scan3A_1199 step %scan3A_1200 iter_args(%scan3A_1496 = %broadcast_in_dim3A_1196) -> (vector<16xf32>)  : i32 {
        %mul3A_1497 = arith.constant 16 : i32
        %mul3A_1498 = arith.muli %scan3A_1495, %mul3A_1497 : i32
        %get3A = arith.index_cast %mul3A_1498 : i32 to index
        %get3A_1499 = tpu.vector_load %arg5[%get3A] {strides = array<i32>} : memref<4096xi32, #tpu.memory_space<vmem>>, vector<16xi32>,
        %lt3A_1500 = arith.cmpi ult, %get3A_1499, %or3A_1194 : vector<16xi32>
        %jit3A = arith.constant 1.000000e+00 : f32
        %jit3A_1501 = arith.constant 0.000000e+00 : f32
        %broadcast_in_dim3A_1502 = vector.broadcast %jit3A : f32 to vector<16xf32>
        %broadcast_in_dim3A_1503 = vector.broadcast %jit3A_1501 : f32 to vector<16xf32>
        %select_n3A_1504 = arith.select %lt3A_1500, %broadcast_in_dim3A_1502, %broadcast_in_dim3A_1503 : vector<16xi1>, vector<16xf32>
        %add3A_1505 = arith.addf %scan3A_1496, %select_n3A_1504 : vector<16xf32>
        scf.yield %add3A_1505 : vector<16xf32>
      }
      %scan3A_1202 = arith.constant 256 : i32
      %iota3A_1203 = tpu.iota {dimensions = array<i32: 0>} : vector<16xi32>
      %swap3A_1204 = arith.constant 0 : index
      %swap3A_1205 = tpu.vector_load %arg7[%swap3A_1204] {strides = array<i32>} : memref<16xf32, #tpu.memory_space<vmem>>, vector<16xf32>,
      tpu.vector_store %arg7[%swap3A_1204], %scan3A_1201 {strides = array<i32>} : memref<16xf32, #tpu.memory_space<vmem>>, vector<16xf32>,
      %xor3A_1206 = arith.constant 1 : i32
      %xor3A_1207 = vector.broadcast %xor3A_1206 : i32 to vector<16xi32>
      %xor3A_1208 = arith.xori %iota3A_1203, %xor3A_1207 : vector<16xi32>
      %gather3A_1209 = tpu.vector_load_idx %arg7[%xor3A_1208] : memref<16xf32, #tpu.memory_space<vmem>>[vector<16xi32>], vector<16xf32>,
      %add3A_1210 = arith.addf %scan3A_1201, %gather3A_1209 : vector<16xf32>
      %swap3A_1211 = arith.constant 0 : index
      %swap3A_1212 = tpu.vector_load %arg7[%swap3A_1211] {strides = array<i32>} : memref<16xf32, #tpu.memory_space<vmem>>, vector<16xf32>,
      tpu.vector_store %arg7[%swap3A_1211], %add3A_1210 {strides = array<i32>} : memref<16xf32, #tpu.memory_space<vmem>>, vector<16xf32>,
      %xor3A_1213 = arith.constant 2 : i32
      %xor3A_1214 = vector.broadcast %xor3A_1213 : i32 to vector<16xi32>
      %xor3A_1215 = arith.xori %iota3A_1203, %xor3A_1214 : vector<16xi32>
      %gather3A_1216 = tpu.vector_load_idx %arg7[%xor3A_1215] : memref<16xf32, #tpu.memory_space<vmem>>[vector<16xi32>], vector<16xf32>,
      %add3A_1217 = arith.addf %add3A_1210, %gather3A_1216 : vector<16xf32>
      %swap3A_1218 = arith.constant 0 : index
      %swap3A_1219 = tpu.vector_load %arg7[%swap3A_1218] {strides = array<i32>} : memref<16xf32, #tpu.memory_space<vmem>>, vector<16xf32>,
      tpu.vector_store %arg7[%swap3A_1218], %add3A_1217 {strides = array<i32>} : memref<16xf32, #tpu.memory_space<vmem>>, vector<16xf32>,
      %xor3A_1220 = arith.constant 4 : i32
      %xor3A_1221 = vector.broadcast %xor3A_1220 : i32 to vector<16xi32>
      %xor3A_1222 = arith.xori %iota3A_1203, %xor3A_1221 : vector<16xi32>
      %gather3A_1223 = tpu.vector_load_idx %arg7[%xor3A_1222] : memref<16xf32, #tpu.memory_space<vmem>>[vector<16xi32>], vector<16xf32>,
      %add3A_1224 = arith.addf %add3A_1217, %gather3A_1223 : vector<16xf32>
      %swap3A_1225 = arith.constant 0 : index
      %swap3A_1226 = tpu.vector_load %arg7[%swap3A_1225] {strides = array<i32>} : memref<16xf32, #tpu.memory_space<vmem>>, vector<16xf32>,
      tpu.vector_store %arg7[%swap3A_1225], %add3A_1224 {strides = array<i32>} : memref<16xf32, #tpu.memory_space<vmem>>, vector<16xf32>,
      %xor3A_1227 = arith.constant 8 : i32
      %xor3A_1228 = vector.broadcast %xor3A_1227 : i32 to vector<16xi32>
      %xor3A_1229 = arith.xori %iota3A_1203, %xor3A_1228 : vector<16xi32>
      %gather3A_1230 = tpu.vector_load_idx %arg7[%xor3A_1229] : memref<16xf32, #tpu.memory_space<vmem>>[vector<16xi32>], vector<16xf32>,
      %add3A_1231 = arith.addf %add3A_1224, %gather3A_1230 : vector<16xf32>
      %lt3A_1232 = arith.constant 2.048000e+03 : f32
      %lt3A_1233 = vector.broadcast %lt3A_1232 : f32 to vector<16xf32>
      %lt3A_1234 = arith.cmpf olt, %add3A_1231, %lt3A_1233 : vector<16xf32>
      %select_n3A_1235 = arith.select %lt3A_1234, %or3A_1194, %select_n3A_1191 : vector<16xi1>, vector<16xi32>
      %or3A_1236 = arith.constant 8 : i32
      %or3A_1237 = vector.broadcast %or3A_1236 : i32 to vector<16xi32>
      %or3A_1238 = arith.ori %select_n3A_1235, %or3A_1237 : vector<16xi32>
      %broadcast_in_dim3A_1239 = arith.constant 0.000000e+00 : f32
      %broadcast_in_dim3A_1240 = vector.broadcast %broadcast_in_dim3A_1239 : f32 to vector<16xf32>
      %scan3A_1241 = arith.constant 0 : i32
      %scan3A_1242 = arith.constant 256 : i32
      %scan3A_1243 = arith.addi %scan3A_1241, %scan3A_1242 : i32
      %scan3A_1244 = arith.constant 1 : i32
      %scan3A_1245 = scf.for %scan3A_1495 = %scan3A_1241 to %scan3A_1243 step %scan3A_1244 iter_args(%scan3A_1496 = %broadcast_in_dim3A_1240) -> (vector<16xf32>)  : i32 {
        %mul3A_1497 = arith.constant 16 : i32
        %mul3A_1498 = arith.muli %scan3A_1495, %mul3A_1497 : i32
        %get3A = arith.index_cast %mul3A_1498 : i32 to index
        %get3A_1499 = tpu.vector_load %arg5[%get3A] {strides = array<i32>} : memref<4096xi32, #tpu.memory_space<vmem>>, vector<16xi32>,
        %lt3A_1500 = arith.cmpi ult, %get3A_1499, %or3A_1238 : vector<16xi32>
        %jit3A = arith.constant 1.000000e+00 : f32
        %jit3A_1501 = arith.constant 0.000000e+00 : f32
        %broadcast_in_dim3A_1502 = vector.broadcast %jit3A : f32 to vector<16xf32>
        %broadcast_in_dim3A_1503 = vector.broadcast %jit3A_1501 : f32 to vector<16xf32>
        %select_n3A_1504 = arith.select %lt3A_1500, %broadcast_in_dim3A_1502, %broadcast_in_dim3A_1503 : vector<16xi1>, vector<16xf32>
        %add3A_1505 = arith.addf %scan3A_1496, %select_n3A_1504 : vector<16xf32>
        scf.yield %add3A_1505 : vector<16xf32>
      }
      %scan3A_1246 = arith.constant 256 : i32
      %iota3A_1247 = tpu.iota {dimensions = array<i32: 0>} : vector<16xi32>
      %swap3A_1248 = arith.constant 0 : index
      %swap3A_1249 = tpu.vector_load %arg7[%swap3A_1248] {strides = array<i32>} : memref<16xf32, #tpu.memory_space<vmem>>, vector<16xf32>,
      tpu.vector_store %arg7[%swap3A_1248], %scan3A_1245 {strides = array<i32>} : memref<16xf32, #tpu.memory_space<vmem>>, vector<16xf32>,
      %xor3A_1250 = arith.constant 1 : i32
      %xor3A_1251 = vector.broadcast %xor3A_1250 : i32 to vector<16xi32>
      %xor3A_1252 = arith.xori %iota3A_1247, %xor3A_1251 : vector<16xi32>
      %gather3A_1253 = tpu.vector_load_idx %arg7[%xor3A_1252] : memref<16xf32, #tpu.memory_space<vmem>>[vector<16xi32>], vector<16xf32>,
      %add3A_1254 = arith.addf %scan3A_1245, %gather3A_1253 : vector<16xf32>
      %swap3A_1255 = arith.constant 0 : index
      %swap3A_1256 = tpu.vector_load %arg7[%swap3A_1255] {strides = array<i32>} : memref<16xf32, #tpu.memory_space<vmem>>, vector<16xf32>,
      tpu.vector_store %arg7[%swap3A_1255], %add3A_1254 {strides = array<i32>} : memref<16xf32, #tpu.memory_space<vmem>>, vector<16xf32>,
      %xor3A_1257 = arith.constant 2 : i32
      %xor3A_1258 = vector.broadcast %xor3A_1257 : i32 to vector<16xi32>
      %xor3A_1259 = arith.xori %iota3A_1247, %xor3A_1258 : vector<16xi32>
      %gather3A_1260 = tpu.vector_load_idx %arg7[%xor3A_1259] : memref<16xf32, #tpu.memory_space<vmem>>[vector<16xi32>], vector<16xf32>,
      %add3A_1261 = arith.addf %add3A_1254, %gather3A_1260 : vector<16xf32>
      %swap3A_1262 = arith.constant 0 : index
      %swap3A_1263 = tpu.vector_load %arg7[%swap3A_1262] {strides = array<i32>} : memref<16xf32, #tpu.memory_space<vmem>>, vector<16xf32>,
      tpu.vector_store %arg7[%swap3A_1262], %add3A_1261 {strides = array<i32>} : memref<16xf32, #tpu.memory_space<vmem>>, vector<16xf32>,
      %xor3A_1264 = arith.constant 4 : i32
      %xor3A_1265 = vector.broadcast %xor3A_1264 : i32 to vector<16xi32>
      %xor3A_1266 = arith.xori %iota3A_1247, %xor3A_1265 : vector<16xi32>
      %gather3A_1267 = tpu.vector_load_idx %arg7[%xor3A_1266] : memref<16xf32, #tpu.memory_space<vmem>>[vector<16xi32>], vector<16xf32>,
      %add3A_1268 = arith.addf %add3A_1261, %gather3A_1267 : vector<16xf32>
      %swap3A_1269 = arith.constant 0 : index
      %swap3A_1270 = tpu.vector_load %arg7[%swap3A_1269] {strides = array<i32>} : memref<16xf32, #tpu.memory_space<vmem>>, vector<16xf32>,
      tpu.vector_store %arg7[%swap3A_1269], %add3A_1268 {strides = array<i32>} : memref<16xf32, #tpu.memory_space<vmem>>, vector<16xf32>,
      %xor3A_1271 = arith.constant 8 : i32
      %xor3A_1272 = vector.broadcast %xor3A_1271 : i32 to vector<16xi32>
      %xor3A_1273 = arith.xori %iota3A_1247, %xor3A_1272 : vector<16xi32>
      %gather3A_1274 = tpu.vector_load_idx %arg7[%xor3A_1273] : memref<16xf32, #tpu.memory_space<vmem>>[vector<16xi32>], vector<16xf32>,
      %add3A_1275 = arith.addf %add3A_1268, %gather3A_1274 : vector<16xf32>
      %lt3A_1276 = arith.constant 2.048000e+03 : f32
      %lt3A_1277 = vector.broadcast %lt3A_1276 : f32 to vector<16xf32>
      %lt3A_1278 = arith.cmpf olt, %add3A_1275, %lt3A_1277 : vector<16xf32>
      %select_n3A_1279 = arith.select %lt3A_1278, %or3A_1238, %select_n3A_1235 : vector<16xi1>, vector<16xi32>
      %or3A_1280 = arith.constant 4 : i32
      %or3A_1281 = vector.broadcast %or3A_1280 : i32 to vector<16xi32>
      %or3A_1282 = arith.ori %select_n3A_1279, %or3A_1281 : vector<16xi32>
      %broadcast_in_dim3A_1283 = arith.constant 0.000000e+00 : f32
      %broadcast_in_dim3A_1284 = vector.broadcast %broadcast_in_dim3A_1283 : f32 to vector<16xf32>
      %scan3A_1285 = arith.constant 0 : i32
      %scan3A_1286 = arith.constant 256 : i32
      %scan3A_1287 = arith.addi %scan3A_1285, %scan3A_1286 : i32
      %scan3A_1288 = arith.constant 1 : i32
      %scan3A_1289 = scf.for %scan3A_1495 = %scan3A_1285 to %scan3A_1287 step %scan3A_1288 iter_args(%scan3A_1496 = %broadcast_in_dim3A_1284) -> (vector<16xf32>)  : i32 {
        %mul3A_1497 = arith.constant 16 : i32
        %mul3A_1498 = arith.muli %scan3A_1495, %mul3A_1497 : i32
        %get3A = arith.index_cast %mul3A_1498 : i32 to index
        %get3A_1499 = tpu.vector_load %arg5[%get3A] {strides = array<i32>} : memref<4096xi32, #tpu.memory_space<vmem>>, vector<16xi32>,
        %lt3A_1500 = arith.cmpi ult, %get3A_1499, %or3A_1282 : vector<16xi32>
        %jit3A = arith.constant 1.000000e+00 : f32
        %jit3A_1501 = arith.constant 0.000000e+00 : f32
        %broadcast_in_dim3A_1502 = vector.broadcast %jit3A : f32 to vector<16xf32>
        %broadcast_in_dim3A_1503 = vector.broadcast %jit3A_1501 : f32 to vector<16xf32>
        %select_n3A_1504 = arith.select %lt3A_1500, %broadcast_in_dim3A_1502, %broadcast_in_dim3A_1503 : vector<16xi1>, vector<16xf32>
        %add3A_1505 = arith.addf %scan3A_1496, %select_n3A_1504 : vector<16xf32>
        scf.yield %add3A_1505 : vector<16xf32>
      }
      %scan3A_1290 = arith.constant 256 : i32
      %iota3A_1291 = tpu.iota {dimensions = array<i32: 0>} : vector<16xi32>
      %swap3A_1292 = arith.constant 0 : index
      %swap3A_1293 = tpu.vector_load %arg7[%swap3A_1292] {strides = array<i32>} : memref<16xf32, #tpu.memory_space<vmem>>, vector<16xf32>,
      tpu.vector_store %arg7[%swap3A_1292], %scan3A_1289 {strides = array<i32>} : memref<16xf32, #tpu.memory_space<vmem>>, vector<16xf32>,
      %xor3A_1294 = arith.constant 1 : i32
      %xor3A_1295 = vector.broadcast %xor3A_1294 : i32 to vector<16xi32>
      %xor3A_1296 = arith.xori %iota3A_1291, %xor3A_1295 : vector<16xi32>
      %gather3A_1297 = tpu.vector_load_idx %arg7[%xor3A_1296] : memref<16xf32, #tpu.memory_space<vmem>>[vector<16xi32>], vector<16xf32>,
      %add3A_1298 = arith.addf %scan3A_1289, %gather3A_1297 : vector<16xf32>
      %swap3A_1299 = arith.constant 0 : index
      %swap3A_1300 = tpu.vector_load %arg7[%swap3A_1299] {strides = array<i32>} : memref<16xf32, #tpu.memory_space<vmem>>, vector<16xf32>,
      tpu.vector_store %arg7[%swap3A_1299], %add3A_1298 {strides = array<i32>} : memref<16xf32, #tpu.memory_space<vmem>>, vector<16xf32>,
      %xor3A_1301 = arith.constant 2 : i32
      %xor3A_1302 = vector.broadcast %xor3A_1301 : i32 to vector<16xi32>
      %xor3A_1303 = arith.xori %iota3A_1291, %xor3A_1302 : vector<16xi32>
      %gather3A_1304 = tpu.vector_load_idx %arg7[%xor3A_1303] : memref<16xf32, #tpu.memory_space<vmem>>[vector<16xi32>], vector<16xf32>,
      %add3A_1305 = arith.addf %add3A_1298, %gather3A_1304 : vector<16xf32>
      %swap3A_1306 = arith.constant 0 : index
      %swap3A_1307 = tpu.vector_load %arg7[%swap3A_1306] {strides = array<i32>} : memref<16xf32, #tpu.memory_space<vmem>>, vector<16xf32>,
      tpu.vector_store %arg7[%swap3A_1306], %add3A_1305 {strides = array<i32>} : memref<16xf32, #tpu.memory_space<vmem>>, vector<16xf32>,
      %xor3A_1308 = arith.constant 4 : i32
      %xor3A_1309 = vector.broadcast %xor3A_1308 : i32 to vector<16xi32>
      %xor3A_1310 = arith.xori %iota3A_1291, %xor3A_1309 : vector<16xi32>
      %gather3A_1311 = tpu.vector_load_idx %arg7[%xor3A_1310] : memref<16xf32, #tpu.memory_space<vmem>>[vector<16xi32>], vector<16xf32>,
      %add3A_1312 = arith.addf %add3A_1305, %gather3A_1311 : vector<16xf32>
      %swap3A_1313 = arith.constant 0 : index
      %swap3A_1314 = tpu.vector_load %arg7[%swap3A_1313] {strides = array<i32>} : memref<16xf32, #tpu.memory_space<vmem>>, vector<16xf32>,
      tpu.vector_store %arg7[%swap3A_1313], %add3A_1312 {strides = array<i32>} : memref<16xf32, #tpu.memory_space<vmem>>, vector<16xf32>,
      %xor3A_1315 = arith.constant 8 : i32
      %xor3A_1316 = vector.broadcast %xor3A_1315 : i32 to vector<16xi32>
      %xor3A_1317 = arith.xori %iota3A_1291, %xor3A_1316 : vector<16xi32>
      %gather3A_1318 = tpu.vector_load_idx %arg7[%xor3A_1317] : memref<16xf32, #tpu.memory_space<vmem>>[vector<16xi32>], vector<16xf32>,
      %add3A_1319 = arith.addf %add3A_1312, %gather3A_1318 : vector<16xf32>
      %lt3A_1320 = arith.constant 2.048000e+03 : f32
      %lt3A_1321 = vector.broadcast %lt3A_1320 : f32 to vector<16xf32>
      %lt3A_1322 = arith.cmpf olt, %add3A_1319, %lt3A_1321 : vector<16xf32>
      %select_n3A_1323 = arith.select %lt3A_1322, %or3A_1282, %select_n3A_1279 : vector<16xi1>, vector<16xi32>
      %or3A_1324 = arith.constant 2 : i32
      %or3A_1325 = vector.broadcast %or3A_1324 : i32 to vector<16xi32>
      %or3A_1326 = arith.ori %select_n3A_1323, %or3A_1325 : vector<16xi32>
      %broadcast_in_dim3A_1327 = arith.constant 0.000000e+00 : f32
      %broadcast_in_dim3A_1328 = vector.broadcast %broadcast_in_dim3A_1327 : f32 to vector<16xf32>
      %scan3A_1329 = arith.constant 0 : i32
      %scan3A_1330 = arith.constant 256 : i32
      %scan3A_1331 = arith.addi %scan3A_1329, %scan3A_1330 : i32
      %scan3A_1332 = arith.constant 1 : i32
      %scan3A_1333 = scf.for %scan3A_1495 = %scan3A_1329 to %scan3A_1331 step %scan3A_1332 iter_args(%scan3A_1496 = %broadcast_in_dim3A_1328) -> (vector<16xf32>)  : i32 {
        %mul3A_1497 = arith.constant 16 : i32
        %mul3A_1498 = arith.muli %scan3A_1495, %mul3A_1497 : i32
        %get3A = arith.index_cast %mul3A_1498 : i32 to index
        %get3A_1499 = tpu.vector_load %arg5[%get3A] {strides = array<i32>} : memref<4096xi32, #tpu.memory_space<vmem>>, vector<16xi32>,
        %lt3A_1500 = arith.cmpi ult, %get3A_1499, %or3A_1326 : vector<16xi32>
        %jit3A = arith.constant 1.000000e+00 : f32
        %jit3A_1501 = arith.constant 0.000000e+00 : f32
        %broadcast_in_dim3A_1502 = vector.broadcast %jit3A : f32 to vector<16xf32>
        %broadcast_in_dim3A_1503 = vector.broadcast %jit3A_1501 : f32 to vector<16xf32>
        %select_n3A_1504 = arith.select %lt3A_1500, %broadcast_in_dim3A_1502, %broadcast_in_dim3A_1503 : vector<16xi1>, vector<16xf32>
        %add3A_1505 = arith.addf %scan3A_1496, %select_n3A_1504 : vector<16xf32>
        scf.yield %add3A_1505 : vector<16xf32>
      }
      %scan3A_1334 = arith.constant 256 : i32
      %iota3A_1335 = tpu.iota {dimensions = array<i32: 0>} : vector<16xi32>
      %swap3A_1336 = arith.constant 0 : index
      %swap3A_1337 = tpu.vector_load %arg7[%swap3A_1336] {strides = array<i32>} : memref<16xf32, #tpu.memory_space<vmem>>, vector<16xf32>,
      tpu.vector_store %arg7[%swap3A_1336], %scan3A_1333 {strides = array<i32>} : memref<16xf32, #tpu.memory_space<vmem>>, vector<16xf32>,
      %xor3A_1338 = arith.constant 1 : i32
      %xor3A_1339 = vector.broadcast %xor3A_1338 : i32 to vector<16xi32>
      %xor3A_1340 = arith.xori %iota3A_1335, %xor3A_1339 : vector<16xi32>
      %gather3A_1341 = tpu.vector_load_idx %arg7[%xor3A_1340] : memref<16xf32, #tpu.memory_space<vmem>>[vector<16xi32>], vector<16xf32>,
      %add3A_1342 = arith.addf %scan3A_1333, %gather3A_1341 : vector<16xf32>
      %swap3A_1343 = arith.constant 0 : index
      %swap3A_1344 = tpu.vector_load %arg7[%swap3A_1343] {strides = array<i32>} : memref<16xf32, #tpu.memory_space<vmem>>, vector<16xf32>,
      tpu.vector_store %arg7[%swap3A_1343], %add3A_1342 {strides = array<i32>} : memref<16xf32, #tpu.memory_space<vmem>>, vector<16xf32>,
      %xor3A_1345 = arith.constant 2 : i32
      %xor3A_1346 = vector.broadcast %xor3A_1345 : i32 to vector<16xi32>
      %xor3A_1347 = arith.xori %iota3A_1335, %xor3A_1346 : vector<16xi32>
      %gather3A_1348 = tpu.vector_load_idx %arg7[%xor3A_1347] : memref<16xf32, #tpu.memory_space<vmem>>[vector<16xi32>], vector<16xf32>,
      %add3A_1349 = arith.addf %add3A_1342, %gather3A_1348 : vector<16xf32>
      %swap3A_1350 = arith.constant 0 : index
      %swap3A_1351 = tpu.vector_load %arg7[%swap3A_1350] {strides = array<i32>} : memref<16xf32, #tpu.memory_space<vmem>>, vector<16xf32>,
      tpu.vector_store %arg7[%swap3A_1350], %add3A_1349 {strides = array<i32>} : memref<16xf32, #tpu.memory_space<vmem>>, vector<16xf32>,
      %xor3A_1352 = arith.constant 4 : i32
      %xor3A_1353 = vector.broadcast %xor3A_1352 : i32 to vector<16xi32>
      %xor3A_1354 = arith.xori %iota3A_1335, %xor3A_1353 : vector<16xi32>
      %gather3A_1355 = tpu.vector_load_idx %arg7[%xor3A_1354] : memref<16xf32, #tpu.memory_space<vmem>>[vector<16xi32>], vector<16xf32>,
      %add3A_1356 = arith.addf %add3A_1349, %gather3A_1355 : vector<16xf32>
      %swap3A_1357 = arith.constant 0 : index
      %swap3A_1358 = tpu.vector_load %arg7[%swap3A_1357] {strides = array<i32>} : memref<16xf32, #tpu.memory_space<vmem>>, vector<16xf32>,
      tpu.vector_store %arg7[%swap3A_1357], %add3A_1356 {strides = array<i32>} : memref<16xf32, #tpu.memory_space<vmem>>, vector<16xf32>,
      %xor3A_1359 = arith.constant 8 : i32
      %xor3A_1360 = vector.broadcast %xor3A_1359 : i32 to vector<16xi32>
      %xor3A_1361 = arith.xori %iota3A_1335, %xor3A_1360 : vector<16xi32>
      %gather3A_1362 = tpu.vector_load_idx %arg7[%xor3A_1361] : memref<16xf32, #tpu.memory_space<vmem>>[vector<16xi32>], vector<16xf32>,
      %add3A_1363 = arith.addf %add3A_1356, %gather3A_1362 : vector<16xf32>
      %lt3A_1364 = arith.constant 2.048000e+03 : f32
      %lt3A_1365 = vector.broadcast %lt3A_1364 : f32 to vector<16xf32>
      %lt3A_1366 = arith.cmpf olt, %add3A_1363, %lt3A_1365 : vector<16xf32>
      %select_n3A_1367 = arith.select %lt3A_1366, %or3A_1326, %select_n3A_1323 : vector<16xi1>, vector<16xi32>
      %or3A_1368 = arith.constant 1 : i32
      %or3A_1369 = vector.broadcast %or3A_1368 : i32 to vector<16xi32>
      %or3A_1370 = arith.ori %select_n3A_1367, %or3A_1369 : vector<16xi32>
      %broadcast_in_dim3A_1371 = arith.constant 0.000000e+00 : f32
      %broadcast_in_dim3A_1372 = vector.broadcast %broadcast_in_dim3A_1371 : f32 to vector<16xf32>
      %scan3A_1373 = arith.constant 0 : i32
      %scan3A_1374 = arith.constant 256 : i32
      %scan3A_1375 = arith.addi %scan3A_1373, %scan3A_1374 : i32
      %scan3A_1376 = arith.constant 1 : i32
      %scan3A_1377 = scf.for %scan3A_1495 = %scan3A_1373 to %scan3A_1375 step %scan3A_1376 iter_args(%scan3A_1496 = %broadcast_in_dim3A_1372) -> (vector<16xf32>)  : i32 {
        %mul3A_1497 = arith.constant 16 : i32
        %mul3A_1498 = arith.muli %scan3A_1495, %mul3A_1497 : i32
        %get3A = arith.index_cast %mul3A_1498 : i32 to index
        %get3A_1499 = tpu.vector_load %arg5[%get3A] {strides = array<i32>} : memref<4096xi32, #tpu.memory_space<vmem>>, vector<16xi32>,
        %lt3A_1500 = arith.cmpi ult, %get3A_1499, %or3A_1370 : vector<16xi32>
        %jit3A = arith.constant 1.000000e+00 : f32
        %jit3A_1501 = arith.constant 0.000000e+00 : f32
        %broadcast_in_dim3A_1502 = vector.broadcast %jit3A : f32 to vector<16xf32>
        %broadcast_in_dim3A_1503 = vector.broadcast %jit3A_1501 : f32 to vector<16xf32>
        %select_n3A_1504 = arith.select %lt3A_1500, %broadcast_in_dim3A_1502, %broadcast_in_dim3A_1503 : vector<16xi1>, vector<16xf32>
        %add3A_1505 = arith.addf %scan3A_1496, %select_n3A_1504 : vector<16xf32>
        scf.yield %add3A_1505 : vector<16xf32>
      }
      %scan3A_1378 = arith.constant 256 : i32
      %iota3A_1379 = tpu.iota {dimensions = array<i32: 0>} : vector<16xi32>
      %swap3A_1380 = arith.constant 0 : index
      %swap3A_1381 = tpu.vector_load %arg7[%swap3A_1380] {strides = array<i32>} : memref<16xf32, #tpu.memory_space<vmem>>, vector<16xf32>,
      tpu.vector_store %arg7[%swap3A_1380], %scan3A_1377 {strides = array<i32>} : memref<16xf32, #tpu.memory_space<vmem>>, vector<16xf32>,
      %xor3A_1382 = arith.constant 1 : i32
      %xor3A_1383 = vector.broadcast %xor3A_1382 : i32 to vector<16xi32>
      %xor3A_1384 = arith.xori %iota3A_1379, %xor3A_1383 : vector<16xi32>
      %gather3A_1385 = tpu.vector_load_idx %arg7[%xor3A_1384] : memref<16xf32, #tpu.memory_space<vmem>>[vector<16xi32>], vector<16xf32>,
      %add3A_1386 = arith.addf %scan3A_1377, %gather3A_1385 : vector<16xf32>
      %swap3A_1387 = arith.constant 0 : index
      %swap3A_1388 = tpu.vector_load %arg7[%swap3A_1387] {strides = array<i32>} : memref<16xf32, #tpu.memory_space<vmem>>, vector<16xf32>,
      tpu.vector_store %arg7[%swap3A_1387], %add3A_1386 {strides = array<i32>} : memref<16xf32, #tpu.memory_space<vmem>>, vector<16xf32>,
      %xor3A_1389 = arith.constant 2 : i32
      %xor3A_1390 = vector.broadcast %xor3A_1389 : i32 to vector<16xi32>
      %xor3A_1391 = arith.xori %iota3A_1379, %xor3A_1390 : vector<16xi32>
      %gather3A_1392 = tpu.vector_load_idx %arg7[%xor3A_1391] : memref<16xf32, #tpu.memory_space<vmem>>[vector<16xi32>], vector<16xf32>,
      %add3A_1393 = arith.addf %add3A_1386, %gather3A_1392 : vector<16xf32>
      %swap3A_1394 = arith.constant 0 : index
      %swap3A_1395 = tpu.vector_load %arg7[%swap3A_1394] {strides = array<i32>} : memref<16xf32, #tpu.memory_space<vmem>>, vector<16xf32>,
      tpu.vector_store %arg7[%swap3A_1394], %add3A_1393 {strides = array<i32>} : memref<16xf32, #tpu.memory_space<vmem>>, vector<16xf32>,
      %xor3A_1396 = arith.constant 4 : i32
      %xor3A_1397 = vector.broadcast %xor3A_1396 : i32 to vector<16xi32>
      %xor3A_1398 = arith.xori %iota3A_1379, %xor3A_1397 : vector<16xi32>
      %gather3A_1399 = tpu.vector_load_idx %arg7[%xor3A_1398] : memref<16xf32, #tpu.memory_space<vmem>>[vector<16xi32>], vector<16xf32>,
      %add3A_1400 = arith.addf %add3A_1393, %gather3A_1399 : vector<16xf32>
      %swap3A_1401 = arith.constant 0 : index
      %swap3A_1402 = tpu.vector_load %arg7[%swap3A_1401] {strides = array<i32>} : memref<16xf32, #tpu.memory_space<vmem>>, vector<16xf32>,
      tpu.vector_store %arg7[%swap3A_1401], %add3A_1400 {strides = array<i32>} : memref<16xf32, #tpu.memory_space<vmem>>, vector<16xf32>,
      %xor3A_1403 = arith.constant 8 : i32
      %xor3A_1404 = vector.broadcast %xor3A_1403 : i32 to vector<16xi32>
      %xor3A_1405 = arith.xori %iota3A_1379, %xor3A_1404 : vector<16xi32>
      %gather3A_1406 = tpu.vector_load_idx %arg7[%xor3A_1405] : memref<16xf32, #tpu.memory_space<vmem>>[vector<16xi32>], vector<16xf32>,
      %add3A_1407 = arith.addf %add3A_1400, %gather3A_1406 : vector<16xf32>
      %lt3A_1408 = arith.constant 2.048000e+03 : f32
      %lt3A_1409 = vector.broadcast %lt3A_1408 : f32 to vector<16xf32>
      %lt3A_1410 = arith.cmpf olt, %add3A_1407, %lt3A_1409 : vector<16xf32>
      %select_n3A_1411 = arith.select %lt3A_1410, %or3A_1370, %select_n3A_1367 : vector<16xi1>, vector<16xi32>
      %broadcast_in_dim3A_1412 = arith.constant 0.000000e+00 : f32
      %broadcast_in_dim3A_1413 = vector.broadcast %broadcast_in_dim3A_1412 : f32 to vector<16xf32>
      %broadcast_in_dim3A_1414 = arith.constant 0.000000e+00 : f32
      %broadcast_in_dim3A_1415 = vector.broadcast %broadcast_in_dim3A_1414 : f32 to vector<16xf32>
      %scan3A_1416 = arith.constant 0 : i32
      %scan3A_1417 = arith.constant 256 : i32
      %scan3A_1418 = arith.addi %scan3A_1416, %scan3A_1417 : i32
      %scan3A_1419 = arith.constant 1 : i32
      %scan3A_1420:2 = scf.for %scan3A_1495 = %scan3A_1416 to %scan3A_1418 step %scan3A_1419 iter_args(%scan3A_1496 = %broadcast_in_dim3A_1413, %scan3A_1497 = %broadcast_in_dim3A_1415) -> (vector<16xf32>, vector<16xf32>)  : i32 {
        %mul3A_1498 = arith.constant 16 : i32
        %mul3A_1499 = arith.muli %scan3A_1495, %mul3A_1498 : i32
        %get3A = arith.index_cast %mul3A_1499 : i32 to index
        %get3A_1500 = tpu.vector_load %arg5[%get3A] {strides = array<i32>} : memref<4096xi32, #tpu.memory_space<vmem>>, vector<16xi32>,
        %lt3A_1501 = arith.cmpi ult, %get3A_1500, %select_n3A_1411 : vector<16xi32>
        %jit3A = arith.constant 1.000000e+00 : f32
        %jit3A_1502 = arith.constant 0.000000e+00 : f32
        %broadcast_in_dim3A_1503 = vector.broadcast %jit3A : f32 to vector<16xf32>
        %broadcast_in_dim3A_1504 = vector.broadcast %jit3A_1502 : f32 to vector<16xf32>
        %select_n3A_1505 = arith.select %lt3A_1501, %broadcast_in_dim3A_1503, %broadcast_in_dim3A_1504 : vector<16xi1>, vector<16xf32>
        %add3A_1506 = arith.addf %scan3A_1496, %select_n3A_1505 : vector<16xf32>
        %mul3A_1507 = arith.constant 16 : i32
        %mul3A_1508 = arith.muli %scan3A_1495, %mul3A_1507 : i32
        %get3A_1509 = arith.index_cast %mul3A_1508 : i32 to index
        %get3A_1510 = tpu.vector_load %arg4[%get3A_1509] {strides = array<i32>} : memref<4096xf32, #tpu.memory_space<vmem>>, vector<16xf32>,
        %jit3A_1511 = arith.constant 0.000000e+00 : f32
        %broadcast_in_dim3A_1512 = vector.broadcast %jit3A_1511 : f32 to vector<16xf32>
        %select_n3A_1513 = arith.select %lt3A_1501, %get3A_1510, %broadcast_in_dim3A_1512 : vector<16xi1>, vector<16xf32>
        %add3A_1514 = arith.addf %scan3A_1497, %select_n3A_1513 : vector<16xf32>
        scf.yield %add3A_1506, %add3A_1514 : vector<16xf32>, vector<16xf32>
      }
      %scan3A_1421 = arith.constant 256 : i32
      %iota3A_1422 = tpu.iota {dimensions = array<i32: 0>} : vector<16xi32>
      %swap3A_1423 = arith.constant 0 : index
      %swap3A_1424 = tpu.vector_load %arg7[%swap3A_1423] {strides = array<i32>} : memref<16xf32, #tpu.memory_space<vmem>>, vector<16xf32>,
      tpu.vector_store %arg7[%swap3A_1423], %scan3A_1420#0 {strides = array<i32>} : memref<16xf32, #tpu.memory_space<vmem>>, vector<16xf32>,
      %xor3A_1425 = arith.constant 1 : i32
      %xor3A_1426 = vector.broadcast %xor3A_1425 : i32 to vector<16xi32>
      %xor3A_1427 = arith.xori %iota3A_1422, %xor3A_1426 : vector<16xi32>
      %gather3A_1428 = tpu.vector_load_idx %arg7[%xor3A_1427] : memref<16xf32, #tpu.memory_space<vmem>>[vector<16xi32>], vector<16xf32>,
      %add3A_1429 = arith.addf %scan3A_1420#0, %gather3A_1428 : vector<16xf32>
      %swap3A_1430 = arith.constant 0 : index
      %swap3A_1431 = tpu.vector_load %arg7[%swap3A_1430] {strides = array<i32>} : memref<16xf32, #tpu.memory_space<vmem>>, vector<16xf32>,
      tpu.vector_store %arg7[%swap3A_1430], %add3A_1429 {strides = array<i32>} : memref<16xf32, #tpu.memory_space<vmem>>, vector<16xf32>,
      %xor3A_1432 = arith.constant 2 : i32
      %xor3A_1433 = vector.broadcast %xor3A_1432 : i32 to vector<16xi32>
      %xor3A_1434 = arith.xori %iota3A_1422, %xor3A_1433 : vector<16xi32>
      %gather3A_1435 = tpu.vector_load_idx %arg7[%xor3A_1434] : memref<16xf32, #tpu.memory_space<vmem>>[vector<16xi32>], vector<16xf32>,
      %add3A_1436 = arith.addf %add3A_1429, %gather3A_1435 : vector<16xf32>
      %swap3A_1437 = arith.constant 0 : index
      %swap3A_1438 = tpu.vector_load %arg7[%swap3A_1437] {strides = array<i32>} : memref<16xf32, #tpu.memory_space<vmem>>, vector<16xf32>,
      tpu.vector_store %arg7[%swap3A_1437], %add3A_1436 {strides = array<i32>} : memref<16xf32, #tpu.memory_space<vmem>>, vector<16xf32>,
      %xor3A_1439 = arith.constant 4 : i32
      %xor3A_1440 = vector.broadcast %xor3A_1439 : i32 to vector<16xi32>
      %xor3A_1441 = arith.xori %iota3A_1422, %xor3A_1440 : vector<16xi32>
      %gather3A_1442 = tpu.vector_load_idx %arg7[%xor3A_1441] : memref<16xf32, #tpu.memory_space<vmem>>[vector<16xi32>], vector<16xf32>,
      %add3A_1443 = arith.addf %add3A_1436, %gather3A_1442 : vector<16xf32>
      %swap3A_1444 = arith.constant 0 : index
      %swap3A_1445 = tpu.vector_load %arg7[%swap3A_1444] {strides = array<i32>} : memref<16xf32, #tpu.memory_space<vmem>>, vector<16xf32>,
      tpu.vector_store %arg7[%swap3A_1444], %add3A_1443 {strides = array<i32>} : memref<16xf32, #tpu.memory_space<vmem>>, vector<16xf32>,
      %xor3A_1446 = arith.constant 8 : i32
      %xor3A_1447 = vector.broadcast %xor3A_1446 : i32 to vector<16xi32>
      %xor3A_1448 = arith.xori %iota3A_1422, %xor3A_1447 : vector<16xi32>
      %gather3A_1449 = tpu.vector_load_idx %arg7[%xor3A_1448] : memref<16xf32, #tpu.memory_space<vmem>>[vector<16xi32>], vector<16xf32>,
      %add3A_1450 = arith.addf %add3A_1443, %gather3A_1449 : vector<16xf32>
      %iota3A_1451 = tpu.iota {dimensions = array<i32: 0>} : vector<16xi32>
      %swap3A_1452 = arith.constant 0 : index
      %swap3A_1453 = tpu.vector_load %arg7[%swap3A_1452] {strides = array<i32>} : memref<16xf32, #tpu.memory_space<vmem>>, vector<16xf32>,
      tpu.vector_store %arg7[%swap3A_1452], %scan3A_1420#1 {strides = array<i32>} : memref<16xf32, #tpu.memory_space<vmem>>, vector<16xf32>,
      %xor3A_1454 = arith.constant 1 : i32
      %xor3A_1455 = vector.broadcast %xor3A_1454 : i32 to vector<16xi32>
      %xor3A_1456 = arith.xori %iota3A_1451, %xor3A_1455 : vector<16xi32>
      %gather3A_1457 = tpu.vector_load_idx %arg7[%xor3A_1456] : memref<16xf32, #tpu.memory_space<vmem>>[vector<16xi32>], vector<16xf32>,
      %add3A_1458 = arith.addf %scan3A_1420#1, %gather3A_1457 : vector<16xf32>
      %swap3A_1459 = arith.constant 0 : index
      %swap3A_1460 = tpu.vector_load %arg7[%swap3A_1459] {strides = array<i32>} : memref<16xf32, #tpu.memory_space<vmem>>, vector<16xf32>,
      tpu.vector_store %arg7[%swap3A_1459], %add3A_1458 {strides = array<i32>} : memref<16xf32, #tpu.memory_space<vmem>>, vector<16xf32>,
      %xor3A_1461 = arith.constant 2 : i32
      %xor3A_1462 = vector.broadcast %xor3A_1461 : i32 to vector<16xi32>
      %xor3A_1463 = arith.xori %iota3A_1451, %xor3A_1462 : vector<16xi32>
      %gather3A_1464 = tpu.vector_load_idx %arg7[%xor3A_1463] : memref<16xf32, #tpu.memory_space<vmem>>[vector<16xi32>], vector<16xf32>,
      %add3A_1465 = arith.addf %add3A_1458, %gather3A_1464 : vector<16xf32>
      %swap3A_1466 = arith.constant 0 : index
      %swap3A_1467 = tpu.vector_load %arg7[%swap3A_1466] {strides = array<i32>} : memref<16xf32, #tpu.memory_space<vmem>>, vector<16xf32>,
      tpu.vector_store %arg7[%swap3A_1466], %add3A_1465 {strides = array<i32>} : memref<16xf32, #tpu.memory_space<vmem>>, vector<16xf32>,
      %xor3A_1468 = arith.constant 4 : i32
      %xor3A_1469 = vector.broadcast %xor3A_1468 : i32 to vector<16xi32>
      %xor3A_1470 = arith.xori %iota3A_1451, %xor3A_1469 : vector<16xi32>
      %gather3A_1471 = tpu.vector_load_idx %arg7[%xor3A_1470] : memref<16xf32, #tpu.memory_space<vmem>>[vector<16xi32>], vector<16xf32>,
      %add3A_1472 = arith.addf %add3A_1465, %gather3A_1471 : vector<16xf32>
      %swap3A_1473 = arith.constant 0 : index
      %swap3A_1474 = tpu.vector_load %arg7[%swap3A_1473] {strides = array<i32>} : memref<16xf32, #tpu.memory_space<vmem>>, vector<16xf32>,
      tpu.vector_store %arg7[%swap3A_1473], %add3A_1472 {strides = array<i32>} : memref<16xf32, #tpu.memory_space<vmem>>, vector<16xf32>,
      %xor3A_1475 = arith.constant 8 : i32
      %xor3A_1476 = vector.broadcast %xor3A_1475 : i32 to vector<16xi32>
      %xor3A_1477 = arith.xori %iota3A_1451, %xor3A_1476 : vector<16xi32>
      %gather3A_1478 = tpu.vector_load_idx %arg7[%xor3A_1477] : memref<16xf32, #tpu.memory_space<vmem>>[vector<16xi32>], vector<16xf32>,
      %add3A_1479 = arith.addf %add3A_1472, %gather3A_1478 : vector<16xf32>
      %ge3A = arith.constant -2147483648 : i32
      %ge3A_1480 = vector.broadcast %ge3A : i32 to vector<16xi32>
      %ge3A_1481 = arith.cmpi uge, %select_n3A_1411, %ge3A_1480 : vector<16xi32>
      %and3A = arith.constant 2147483647 : i32
      %and3A_1482 = vector.broadcast %and3A : i32 to vector<16xi32>
      %and3A_1483 = arith.andi %select_n3A_1411, %and3A_1482 : vector<16xi32>
      %not3A = arith.constant dense<-1> : vector<16xi32>
      %not3A_1484 = arith.xori %select_n3A_1411, %not3A : vector<16xi32>
      %select_n3A_1485 = arith.select %ge3A_1481, %and3A_1483, %not3A_1484 : vector<16xi1>, vector<16xi32>
      %bitcast_convert_type3A = tpu.bitcast %select_n3A_1485 : vector<16xi32> -> vector<16xf32>
      %sub3A = arith.constant 2.048000e+03 : f32
      %sub3A_1486 = vector.broadcast %sub3A : f32 to vector<16xf32>
      %sub3A_1487 = arith.subf %sub3A_1486, %add3A_1450 : vector<16xf32>
      %mul3A_1488 = arith.mulf %sub3A_1487, %bitcast_convert_type3A : vector<16xf32>
      %add3A_1489 = arith.addf %add3A_1479, %mul3A_1488 : vector<16xf32>
      %mul3A_1490 = arith.constant 9.765625E-4 : f32
      %mul3A_1491 = vector.broadcast %mul3A_1490 : f32 to vector<16xf32>
      %mul3A_1492 = arith.mulf %add3A_1489, %mul3A_1491 : vector<16xf32>
      %swap3A_1493 = arith.constant 0 : index
      %swap3A_1494 = tpu.vector_load %arg6[%swap3A_1493] {strides = array<i32>} : memref<16xf32, #tpu.memory_space<vmem>>, vector<16xf32>,
      tpu.vector_store %arg6[%swap3A_1493], %mul3A_1492 {strides = array<i32>} : memref<16xf32, #tpu.memory_space<vmem>>, vector<16xf32>,
      "tpu.region"() ({
        %run_scoped3A = tpu.sem_alloc : memref<!tpu.dma_semaphore, #tpu.memory_space<semaphore_mem>>
        %dma_start3A = arith.constant 0 : i32
        %dma_start3A_1495 = tpu.memref_slice %arg3[%add3A, %dma_start3A] : memref<4x16xf32, #tpu.memory_space<hbm>> -> memref<1x16xf32, #tpu.memory_space<hbm>>
        %dma_start3A_1496 = tpu.memref_squeeze %dma_start3A_1495 : memref<1x16xf32, #tpu.memory_space<hbm>> -> memref<16xf32, #tpu.memory_space<hbm>>
        %dma_start3A_1497 = arith.constant 0 : i32
        %dma_start3A_1498 = tpu.memref_slice %arg3[%add3A, %dma_start3A_1497] : memref<4x16xf32, #tpu.memory_space<hbm>> -> memref<1x16xf32, #tpu.memory_space<hbm>>
        %dma_start3A_1499 = tpu.memref_squeeze %dma_start3A_1498 : memref<1x16xf32, #tpu.memory_space<hbm>> -> memref<16xf32, #tpu.memory_space<hbm>>
        tpu.enqueue_dma source(%arg6 : memref<16xf32, #tpu.memory_space<vmem>>) target(%dma_start3A_1499 : memref<16xf32, #tpu.memory_space<hbm>>) target_semaphore(%run_scoped3A : memref<!tpu.dma_semaphore, #tpu.memory_space<semaphore_mem>>)
        %dma_wait3A = arith.constant 0 : i32
        %dma_wait3A_1500 = tpu.memref_slice %arg3[%add3A, %dma_wait3A] : memref<4x16xf32, #tpu.memory_space<hbm>> -> memref<1x16xf32, #tpu.memory_space<hbm>>
        %dma_wait3A_1501 = tpu.memref_squeeze %dma_wait3A_1500 : memref<1x16xf32, #tpu.memory_space<hbm>> -> memref<16xf32, #tpu.memory_space<hbm>>
        %dma_wait3A_1502 = arith.constant 0 : i32
        %dma_wait3A_1503 = tpu.memref_slice %arg3[%add3A, %dma_wait3A_1502] : memref<4x16xf32, #tpu.memory_space<hbm>> -> memref<1x16xf32, #tpu.memory_space<hbm>>
        %dma_wait3A_1504 = tpu.memref_squeeze %dma_wait3A_1503 : memref<1x16xf32, #tpu.memory_space<hbm>> -> memref<16xf32, #tpu.memory_space<hbm>>
        tpu.wait_dma2 semaphore(%run_scoped3A : memref<!tpu.dma_semaphore, #tpu.memory_space<semaphore_mem>>) src(%arg6 : memref<16xf32, #tpu.memory_space<vmem>>) dst(%dma_wait3A_1504 : memref<16xf32, #tpu.memory_space<hbm>>)
        tpu.yield
      }) : () -> ()
    } else {
    }
    return
  }
}

module attributes {stable_mosaic.version = 14 : i64} {
  func.func @_prep_body(%arg0: i32, %arg1: memref<2x4096xf32, #tpu.memory_space<vmem>>, %arg2: memref<1x1x20xf32, #tpu.memory_space<smem>>, %arg3: memref<1x3x4xbf16, #tpu.memory_space<vmem>>, %arg4: memref<1x1x4096xf32, #tpu.memory_space<vmem>>, %arg5: memref<1x3x4096xf32, #tpu.memory_space<vmem>>, %arg6: memref<1x8x4096xbf16, #tpu.memory_space<vmem>>, %arg7: memref<1x8x4096xbf16, #tpu.memory_space<vmem>>, %arg8: memref<1x1x4096xf32, #tpu.memory_space<vmem>>) attributes {dimension_semantics = [#tpu.dimension_semantics<arbitrary>], iteration_bounds = array<i64: 4>, scalar_prefetch = 0 : i64, scratch_operands = 0 : i64, tpu.core_type = #tpu.core_type<tc>, window_params = [{pipeline_mode = #tpu.pipeline_mode<synchronous>, transform_indices = @transform_0, window_bounds = array<i64: 2, 4096>}, {transform_indices = @transform_1, window_bounds = array<i64: 1, 1, 20>}, {transform_indices = @transform_2, window_bounds = array<i64: 1, 3, 4>}, {transform_indices = @transform_3, window_bounds = array<i64: 1, 1, 4096>}, {transform_indices = @transform_4, window_bounds = array<i64: 1, 3, 4096>}, {transform_indices = @transform_5, window_bounds = array<i64: 1, 8, 4096>}, {transform_indices = @transform_6, window_bounds = array<i64: 1, 8, 4096>}, {transform_indices = @transform_7, window_bounds = array<i64: 1, 1, 4096>}]} {
    %get3A = arith.constant 0 : index
    %get3A_0 = arith.constant 0 : index
    %get3A_1 = arith.constant 0 : index
    %get3A_2 = memref.load %arg2[%get3A, %get3A_0, %get3A_1] : memref<1x1x20xf32, #tpu.memory_space<smem>>
    %get3A_3 = arith.constant 0 : index
    %get3A_4 = arith.constant 0 : index
    %get3A_5 = arith.constant 1 : index
    %get3A_6 = memref.load %arg2[%get3A_3, %get3A_4, %get3A_5] : memref<1x1x20xf32, #tpu.memory_space<smem>>
    %get3A_7 = arith.constant 0 : index
    %get3A_8 = arith.constant 0 : index
    %get3A_9 = arith.constant 2 : index
    %get3A_10 = memref.load %arg2[%get3A_7, %get3A_8, %get3A_9] : memref<1x1x20xf32, #tpu.memory_space<smem>>
    %get3A_11 = arith.constant 0 : index
    %get3A_12 = arith.constant 0 : index
    %get3A_13 = arith.constant 3 : index
    %get3A_14 = memref.load %arg2[%get3A_11, %get3A_12, %get3A_13] : memref<1x1x20xf32, #tpu.memory_space<smem>>
    %get3A_15 = arith.constant 0 : index
    %get3A_16 = arith.constant 0 : index
    %get3A_17 = arith.constant 4 : index
    %get3A_18 = memref.load %arg2[%get3A_15, %get3A_16, %get3A_17] : memref<1x1x20xf32, #tpu.memory_space<smem>>
    %get3A_19 = arith.constant 0 : index
    %get3A_20 = arith.constant 0 : index
    %get3A_21 = vector.load %arg1[%get3A_19, %get3A_20] : memref<2x4096xf32, #tpu.memory_space<vmem>>, vector<1x4096xf32>
    %get3A_22 = vector.shape_cast %get3A_21 : vector<1x4096xf32> to vector<4096xf32>
    %get3A_23 = arith.constant 1 : index
    %get3A_24 = arith.constant 0 : index
    %get3A_25 = vector.load %arg1[%get3A_23, %get3A_24] : memref<2x4096xf32, #tpu.memory_space<vmem>>, vector<1x4096xf32>
    %get3A_26 = vector.shape_cast %get3A_25 : vector<1x4096xf32> to vector<4096xf32>
    %sub3A = vector.broadcast %get3A_10 : f32 to vector<4096xf32>
    %sub3A_27 = arith.subf %get3A_22, %sub3A : vector<4096xf32>
    %mul3A = arith.mulf %get3A_14, %get3A_18 : f32
    %div3A = arith.divf %mul3A, %get3A_6 : f32
    %add3A = vector.broadcast %div3A : f32 to vector<4096xf32>
    %add3A_28 = arith.addf %sub3A_27, %add3A : vector<4096xf32>
    %mul3A_29 = vector.broadcast %get3A_18 : f32 to vector<4096xf32>
    %mul3A_30 = arith.mulf %mul3A_29, %get3A_26 : vector<4096xf32>
    %div3A_31 = vector.broadcast %get3A_6 : f32 to vector<4096xf32>
    %div3A_32 = arith.divf %mul3A_30, %div3A_31 : vector<4096xf32>
    %sub3A_33 = arith.subf %add3A_28, %div3A_32 : vector<4096xf32>
    %div3A_34 = vector.broadcast %get3A_2 : f32 to vector<4096xf32>
    %div3A_35 = arith.divf %sub3A_33, %div3A_34 : vector<4096xf32>
    %sub3A_36 = vector.broadcast %get3A_14 : f32 to vector<4096xf32>
    %sub3A_37 = arith.subf %get3A_26, %sub3A_36 : vector<4096xf32>
    %div3A_38 = vector.broadcast %get3A_6 : f32 to vector<4096xf32>
    %div3A_39 = arith.divf %sub3A_37, %div3A_38 : vector<4096xf32>
    %broadcast_in_dim3A = arith.constant 1.000000e+00 : f32
    %broadcast_in_dim3A_40 = vector.broadcast %broadcast_in_dim3A : f32 to vector<4096xf32>
    %broadcast_in_dim3A_41 = vector.shape_cast %div3A_35 : vector<4096xf32> to vector<1x4096xf32>
    %broadcast_in_dim3A_42 = vector.shape_cast %div3A_39 : vector<4096xf32> to vector<1x4096xf32>
    %broadcast_in_dim3A_43 = vector.shape_cast %broadcast_in_dim3A_40 : vector<4096xf32> to vector<1x4096xf32>
    %broadcast_in_dim3A_44 = vector.shape_cast %broadcast_in_dim3A_40 : vector<4096xf32> to vector<1x4096xf32>
    %concatenate3A = tpu.concatenate %broadcast_in_dim3A_41, %broadcast_in_dim3A_42, %broadcast_in_dim3A_43, %broadcast_in_dim3A_44 in 0 : vector<1x4096xf32>, vector<1x4096xf32>, vector<1x4096xf32>, vector<1x4096xf32> -> vector<4x4096xf32>
    %convert_element_type3A = arith.truncf %concatenate3A : vector<4x4096xf32> to vector<4x4096xbf16>
    %get3A_45 = arith.constant 0 : index
    %get3A_46 = arith.constant 0 : index
    %get3A_47 = arith.constant 0 : index
    %get3A_48 = vector.load %arg3[%get3A_45, %get3A_46, %get3A_47] : memref<1x3x4xbf16, #tpu.memory_space<vmem>>, vector<1x3x4xbf16>
    %get3A_49 = vector.shape_cast %get3A_48 : vector<1x3x4xbf16> to vector<3x4xbf16>
    %dot_general3A = arith.constant dense<0.000000e+00> : vector<3x4096xf32>
    %dot_general3A_50 = tpu.matmul %get3A_49, %convert_element_type3A, %dot_general3A {dimension_numbers = #tpu.dot_dimension_numbers<[1], [0], [0], [1], [0, 0, 1, 1], [], []>, transpose_lhs_hint = false} : vector<3x4xbf16>, vector<4x4096xbf16>, vector<3x4096xf32> -> vector<3x4096xf32>
    %get3A_51 = arith.constant 0 : index
    %get3A_52 = arith.constant 0 : index
    %get3A_53 = arith.constant 0 : index
    %get3A_54 = vector.load %arg4[%get3A_51, %get3A_52, %get3A_53] : memref<1x1x4096xf32, #tpu.memory_space<vmem>>, vector<1x1x4096xf32>
    %get3A_55 = vector.shape_cast %get3A_54 : vector<1x1x4096xf32> to vector<4096xf32>
    %slice3A = vector.extract_strided_slice %dot_general3A_50 {offsets = [0, 0], sizes = [1, 4096], strides = [1, 1]} : vector<3x4096xf32> to vector<1x4096xf32>
    %squeeze3A = vector.shape_cast %slice3A : vector<1x4096xf32> to vector<4096xf32>
    %get3A_56 = arith.constant 0 : index
    %get3A_57 = arith.constant 0 : index
    %get3A_58 = arith.constant 17 : index
    %get3A_59 = memref.load %arg2[%get3A_56, %get3A_57, %get3A_58] : memref<1x1x20xf32, #tpu.memory_space<smem>>
    %sub3A_60 = vector.broadcast %get3A_59 : f32 to vector<4096xf32>
    %sub3A_61 = arith.subf %squeeze3A, %sub3A_60 : vector<4096xf32>
    %slice3A_62 = vector.extract_strided_slice %dot_general3A_50 {offsets = [1, 0], sizes = [1, 4096], strides = [1, 1]} : vector<3x4096xf32> to vector<1x4096xf32>
    %squeeze3A_63 = vector.shape_cast %slice3A_62 : vector<1x4096xf32> to vector<4096xf32>
    %get3A_64 = arith.constant 0 : index
    %get3A_65 = arith.constant 0 : index
    %get3A_66 = arith.constant 18 : index
    %get3A_67 = memref.load %arg2[%get3A_64, %get3A_65, %get3A_66] : memref<1x1x20xf32, #tpu.memory_space<smem>>
    %sub3A_68 = vector.broadcast %get3A_67 : f32 to vector<4096xf32>
    %sub3A_69 = arith.subf %squeeze3A_63, %sub3A_68 : vector<4096xf32>
    %slice3A_70 = vector.extract_strided_slice %dot_general3A_50 {offsets = [2, 0], sizes = [1, 4096], strides = [1, 1]} : vector<3x4096xf32> to vector<1x4096xf32>
    %squeeze3A_71 = vector.shape_cast %slice3A_70 : vector<1x4096xf32> to vector<4096xf32>
    %get3A_72 = arith.constant 0 : index
    %get3A_73 = arith.constant 0 : index
    %get3A_74 = arith.constant 19 : index
    %get3A_75 = memref.load %arg2[%get3A_72, %get3A_73, %get3A_74] : memref<1x1x20xf32, #tpu.memory_space<smem>>
    %sub3A_76 = vector.broadcast %get3A_75 : f32 to vector<4096xf32>
    %sub3A_77 = arith.subf %squeeze3A_71, %sub3A_76 : vector<4096xf32>
    %mul3A_78 = arith.mulf %sub3A_61, %sub3A_61 : vector<4096xf32>
    %mul3A_79 = arith.mulf %sub3A_69, %sub3A_69 : vector<4096xf32>
    %add3A_80 = arith.addf %mul3A_78, %mul3A_79 : vector<4096xf32>
    %mul3A_81 = arith.mulf %sub3A_77, %sub3A_77 : vector<4096xf32>
    %add3A_82 = arith.addf %add3A_80, %mul3A_81 : vector<4096xf32>
    %sqrt3A = math.sqrt %add3A_82 : vector<4096xf32>
    %div3A_83 = arith.divf %sub3A_61, %sqrt3A : vector<4096xf32>
    %mul3A_84 = arith.mulf %get3A_55, %div3A_83 : vector<4096xf32>
    %get3A_85 = arith.constant 0 : index
    %get3A_86 = arith.constant 0 : index
    %get3A_87 = arith.constant 17 : index
    %get3A_88 = memref.load %arg2[%get3A_85, %get3A_86, %get3A_87] : memref<1x1x20xf32, #tpu.memory_space<smem>>
    %add3A_89 = vector.broadcast %get3A_88 : f32 to vector<4096xf32>
    %add3A_90 = arith.addf %mul3A_84, %add3A_89 : vector<4096xf32>
    %div3A_91 = arith.divf %sub3A_69, %sqrt3A : vector<4096xf32>
    %mul3A_92 = arith.mulf %get3A_55, %div3A_91 : vector<4096xf32>
    %get3A_93 = arith.constant 0 : index
    %get3A_94 = arith.constant 0 : index
    %get3A_95 = arith.constant 18 : index
    %get3A_96 = memref.load %arg2[%get3A_93, %get3A_94, %get3A_95] : memref<1x1x20xf32, #tpu.memory_space<smem>>
    %add3A_97 = vector.broadcast %get3A_96 : f32 to vector<4096xf32>
    %add3A_98 = arith.addf %mul3A_92, %add3A_97 : vector<4096xf32>
    %div3A_99 = arith.divf %sub3A_77, %sqrt3A : vector<4096xf32>
    %mul3A_100 = arith.mulf %get3A_55, %div3A_99 : vector<4096xf32>
    %get3A_101 = arith.constant 0 : index
    %get3A_102 = arith.constant 0 : index
    %get3A_103 = arith.constant 19 : index
    %get3A_104 = memref.load %arg2[%get3A_101, %get3A_102, %get3A_103] : memref<1x1x20xf32, #tpu.memory_space<smem>>
    %add3A_105 = vector.broadcast %get3A_104 : f32 to vector<4096xf32>
    %add3A_106 = arith.addf %mul3A_100, %add3A_105 : vector<4096xf32>
    %mul3A_107 = arith.mulf %add3A_90, %add3A_90 : vector<4096xf32>
    %mul3A_108 = arith.mulf %add3A_98, %add3A_98 : vector<4096xf32>
    %add3A_109 = arith.addf %mul3A_107, %mul3A_108 : vector<4096xf32>
    %mul3A_110 = arith.mulf %add3A_106, %add3A_106 : vector<4096xf32>
    %add3A_111 = arith.addf %add3A_109, %mul3A_110 : vector<4096xf32>
    %swap3A = arith.constant 0 : index
    %swap3A_112 = arith.constant 0 : index
    %swap3A_113 = arith.constant 0 : index
    %swap3A_114 = vector.load %arg8[%swap3A, %swap3A_112, %swap3A_113] : memref<1x1x4096xf32, #tpu.memory_space<vmem>>, vector<1x1x4096xf32>
    %swap3A_115 = vector.shape_cast %swap3A_114 : vector<1x1x4096xf32> to vector<4096xf32>
    %swap3A_116 = vector.shape_cast %add3A_111 : vector<4096xf32> to vector<1x1x4096xf32>
    tpu.vector_store %arg8[%swap3A, %swap3A_112, %swap3A_113], %swap3A_116 {strides = array<i32>} : memref<1x1x4096xf32, #tpu.memory_space<vmem>>, vector<1x1x4096xf32>,
    %broadcast_in_dim3A_117 = arith.constant 1.000000e+00 : f32
    %broadcast_in_dim3A_118 = vector.broadcast %broadcast_in_dim3A_117 : f32 to vector<4096xf32>
    %broadcast_in_dim3A_119 = arith.constant 0.000000e+00 : f32
    %broadcast_in_dim3A_120 = vector.broadcast %broadcast_in_dim3A_119 : f32 to vector<4096xf32>
    %mul3A_121 = arith.constant -2.000000e+00 : f32
    %mul3A_122 = vector.broadcast %mul3A_121 : f32 to vector<4096xf32>
    %mul3A_123 = arith.mulf %mul3A_122, %add3A_90 : vector<4096xf32>
    %broadcast_in_dim3A_124 = vector.shape_cast %mul3A_123 : vector<4096xf32> to vector<1x4096xf32>
    %mul3A_125 = arith.constant -2.000000e+00 : f32
    %mul3A_126 = vector.broadcast %mul3A_125 : f32 to vector<4096xf32>
    %mul3A_127 = arith.mulf %mul3A_126, %add3A_98 : vector<4096xf32>
    %broadcast_in_dim3A_128 = vector.shape_cast %mul3A_127 : vector<4096xf32> to vector<1x4096xf32>
    %mul3A_129 = arith.constant -2.000000e+00 : f32
    %mul3A_130 = vector.broadcast %mul3A_129 : f32 to vector<4096xf32>
    %mul3A_131 = arith.mulf %mul3A_130, %add3A_106 : vector<4096xf32>
    %broadcast_in_dim3A_132 = vector.shape_cast %mul3A_131 : vector<4096xf32> to vector<1x4096xf32>
    %broadcast_in_dim3A_133 = vector.shape_cast %broadcast_in_dim3A_118 : vector<4096xf32> to vector<1x4096xf32>
    %broadcast_in_dim3A_134 = vector.shape_cast %broadcast_in_dim3A_118 : vector<4096xf32> to vector<1x4096xf32>
    %broadcast_in_dim3A_135 = vector.shape_cast %broadcast_in_dim3A_118 : vector<4096xf32> to vector<1x4096xf32>
    %broadcast_in_dim3A_136 = vector.shape_cast %broadcast_in_dim3A_120 : vector<4096xf32> to vector<1x4096xf32>
    %broadcast_in_dim3A_137 = vector.shape_cast %broadcast_in_dim3A_120 : vector<4096xf32> to vector<1x4096xf32>
    %concatenate3A_138 = tpu.concatenate %broadcast_in_dim3A_124, %broadcast_in_dim3A_128, %broadcast_in_dim3A_132, %broadcast_in_dim3A_133, %broadcast_in_dim3A_134, %broadcast_in_dim3A_135, %broadcast_in_dim3A_136, %broadcast_in_dim3A_137 in 0 : vector<1x4096xf32>, vector<1x4096xf32>, vector<1x4096xf32>, vector<1x4096xf32>, vector<1x4096xf32>, vector<1x4096xf32>, vector<1x4096xf32>, vector<1x4096xf32> -> vector<8x4096xf32>
    %convert_element_type3A_139 = arith.truncf %concatenate3A_138 : vector<8x4096xf32> to vector<8x4096xbf16>
    %swap3A_140 = arith.constant 0 : index
    %swap3A_141 = arith.constant 0 : index
    %swap3A_142 = arith.constant 0 : index
    %swap3A_143 = vector.load %arg6[%swap3A_140, %swap3A_141, %swap3A_142] : memref<1x8x4096xbf16, #tpu.memory_space<vmem>>, vector<1x8x4096xbf16>
    %swap3A_144 = vector.shape_cast %swap3A_143 : vector<1x8x4096xbf16> to vector<8x4096xbf16>
    %swap3A_145 = vector.shape_cast %convert_element_type3A_139 : vector<8x4096xbf16> to vector<1x8x4096xbf16>
    tpu.vector_store %arg6[%swap3A_140, %swap3A_141, %swap3A_142], %swap3A_145 {strides = array<i32>} : memref<1x8x4096xbf16, #tpu.memory_space<vmem>>, vector<1x8x4096xbf16>,
    %get3A_146 = arith.constant 0 : index
    %get3A_147 = arith.constant 0 : index
    %get3A_148 = arith.constant 0 : index
    %get3A_149 = vector.load %arg5[%get3A_146, %get3A_147, %get3A_148] : memref<1x3x4096xf32, #tpu.memory_space<vmem>>, vector<1x1x4096xf32>
    %get3A_150 = vector.shape_cast %get3A_149 : vector<1x1x4096xf32> to vector<4096xf32>
    %get3A_151 = arith.constant 0 : index
    %get3A_152 = arith.constant 1 : index
    %get3A_153 = arith.constant 0 : index
    %get3A_154 = vector.load %arg5[%get3A_151, %get3A_152, %get3A_153] : memref<1x3x4096xf32, #tpu.memory_space<vmem>>, vector<1x1x4096xf32>
    %get3A_155 = vector.shape_cast %get3A_154 : vector<1x1x4096xf32> to vector<4096xf32>
    %get3A_156 = arith.constant 0 : index
    %get3A_157 = arith.constant 2 : index
    %get3A_158 = arith.constant 0 : index
    %get3A_159 = vector.load %arg5[%get3A_156, %get3A_157, %get3A_158] : memref<1x3x4096xf32, #tpu.memory_space<vmem>>, vector<1x1x4096xf32>
    %get3A_160 = vector.shape_cast %get3A_159 : vector<1x1x4096xf32> to vector<4096xf32>
    %mul3A_161 = arith.mulf %get3A_150, %get3A_150 : vector<4096xf32>
    %mul3A_162 = arith.mulf %get3A_155, %get3A_155 : vector<4096xf32>
    %add3A_163 = arith.addf %mul3A_161, %mul3A_162 : vector<4096xf32>
    %mul3A_164 = arith.mulf %get3A_160, %get3A_160 : vector<4096xf32>
    %add3A_165 = arith.addf %add3A_163, %mul3A_164 : vector<4096xf32>
    %convert_element_type3A_166 = arith.truncf %add3A_165 : vector<4096xf32> to vector<4096xbf16>
    %convert_element_type3A_167 = arith.extf %convert_element_type3A_166 : vector<4096xbf16> to vector<4096xf32>
    %sub3A_168 = arith.subf %add3A_165, %convert_element_type3A_167 : vector<4096xf32>
    %convert_element_type3A_169 = arith.truncf %sub3A_168 : vector<4096xf32> to vector<4096xbf16>
    %convert_element_type3A_170 = arith.extf %convert_element_type3A_169 : vector<4096xbf16> to vector<4096xf32>
    %sub3A_171 = arith.subf %sub3A_168, %convert_element_type3A_170 : vector<4096xf32>
    %broadcast_in_dim3A_172 = arith.constant 0.000000e+00 : f32
    %broadcast_in_dim3A_173 = vector.broadcast %broadcast_in_dim3A_172 : f32 to vector<4096xf32>
    %broadcast_in_dim3A_174 = vector.shape_cast %get3A_150 : vector<4096xf32> to vector<1x4096xf32>
    %broadcast_in_dim3A_175 = vector.shape_cast %get3A_155 : vector<4096xf32> to vector<1x4096xf32>
    %broadcast_in_dim3A_176 = vector.shape_cast %get3A_160 : vector<4096xf32> to vector<1x4096xf32>
    %broadcast_in_dim3A_177 = vector.shape_cast %add3A_165 : vector<4096xf32> to vector<1x4096xf32>
    %broadcast_in_dim3A_178 = vector.shape_cast %sub3A_168 : vector<4096xf32> to vector<1x4096xf32>
    %broadcast_in_dim3A_179 = vector.shape_cast %sub3A_171 : vector<4096xf32> to vector<1x4096xf32>
    %broadcast_in_dim3A_180 = vector.shape_cast %broadcast_in_dim3A_173 : vector<4096xf32> to vector<1x4096xf32>
    %broadcast_in_dim3A_181 = vector.shape_cast %broadcast_in_dim3A_173 : vector<4096xf32> to vector<1x4096xf32>
    %concatenate3A_182 = tpu.concatenate %broadcast_in_dim3A_174, %broadcast_in_dim3A_175, %broadcast_in_dim3A_176, %broadcast_in_dim3A_177, %broadcast_in_dim3A_178, %broadcast_in_dim3A_179, %broadcast_in_dim3A_180, %broadcast_in_dim3A_181 in 0 : vector<1x4096xf32>, vector<1x4096xf32>, vector<1x4096xf32>, vector<1x4096xf32>, vector<1x4096xf32>, vector<1x4096xf32>, vector<1x4096xf32>, vector<1x4096xf32> -> vector<8x4096xf32>
    %convert_element_type3A_183 = arith.truncf %concatenate3A_182 : vector<8x4096xf32> to vector<8x4096xbf16>
    %swap3A_184 = arith.constant 0 : index
    %swap3A_185 = arith.constant 0 : index
    %swap3A_186 = arith.constant 0 : index
    %swap3A_187 = vector.load %arg7[%swap3A_184, %swap3A_185, %swap3A_186] : memref<1x8x4096xbf16, #tpu.memory_space<vmem>>, vector<1x8x4096xbf16>
    %swap3A_188 = vector.shape_cast %swap3A_187 : vector<1x8x4096xbf16> to vector<8x4096xbf16>
    %swap3A_189 = vector.shape_cast %convert_element_type3A_183 : vector<8x4096xbf16> to vector<1x8x4096xbf16>
    tpu.vector_store %arg7[%swap3A_184, %swap3A_185, %swap3A_186], %swap3A_189 {strides = array<i32>} : memref<1x8x4096xbf16, #tpu.memory_space<vmem>>, vector<1x8x4096xbf16>,
    return
  }
  func.func @transform_0(%arg0: i32) -> (i32, i32) {
    %c0_i32 = arith.constant 0 : i32
    %c0_i32_0 = arith.constant 0 : i32
    %c0_i32_1 = arith.constant 0 : i32
    return %c0_i32, %c0_i32_0 : i32, i32
  }
  func.func @transform_1(%arg0: i32) -> (i32, i32, i32) {
    %c0_i32 = arith.constant 0 : i32
    %c0_i32_0 = arith.constant 0 : i32
    %c0_i32_1 = arith.constant 0 : i32
    return %arg0, %c0_i32, %c0_i32_0 : i32, i32, i32
  }
  func.func @transform_2(%arg0: i32) -> (i32, i32, i32) {
    %c0_i32 = arith.constant 0 : i32
    %c0_i32_0 = arith.constant 0 : i32
    %c0_i32_1 = arith.constant 0 : i32
    return %arg0, %c0_i32, %c0_i32_0 : i32, i32, i32
  }
  func.func @transform_3(%arg0: i32) -> (i32, i32, i32) {
    %c0_i32 = arith.constant 0 : i32
    %c0_i32_0 = arith.constant 0 : i32
    %c0_i32_1 = arith.constant 0 : i32
    return %arg0, %c0_i32, %c0_i32_0 : i32, i32, i32
  }
  func.func @transform_4(%arg0: i32) -> (i32, i32, i32) {
    %c0_i32 = arith.constant 0 : i32
    %c0_i32_0 = arith.constant 0 : i32
    %c0_i32_1 = arith.constant 0 : i32
    return %arg0, %c0_i32, %c0_i32_0 : i32, i32, i32
  }
  func.func @transform_5(%arg0: i32) -> (i32, i32, i32) {
    %c0_i32 = arith.constant 0 : i32
    %c0_i32_0 = arith.constant 0 : i32
    %c0_i32_1 = arith.constant 0 : i32
    return %arg0, %c0_i32, %c0_i32_0 : i32, i32, i32
  }
  func.func @transform_6(%arg0: i32) -> (i32, i32, i32) {
    %c0_i32 = arith.constant 0 : i32
    %c0_i32_0 = arith.constant 0 : i32
    %c0_i32_1 = arith.constant 0 : i32
    return %arg0, %c0_i32, %c0_i32_0 : i32, i32, i32
  }
  func.func @transform_7(%arg0: i32) -> (i32, i32, i32) {
    %c0_i32 = arith.constant 0 : i32
    %c0_i32_0 = arith.constant 0 : i32
    %c0_i32_1 = arith.constant 0 : i32
    return %arg0, %c0_i32, %c0_i32_0 : i32, i32, i32
  }
}

module attributes {stable_mosaic.version = 14 : i64} {
  func.func @_dist_body(%arg0: i32, %arg1: i32, %arg2: memref<1x8x512xbf16, #tpu.memory_space<vmem>>, %arg3: memref<1x8x4096xbf16, #tpu.memory_space<vmem>>, %arg4: memref<1x1x1x512xf32, #tpu.memory_space<vmem>>, %arg5: memref<1x1x1x512xf32, #tpu.memory_space<vmem>>) attributes {dimension_semantics = [#tpu.dimension_semantics<arbitrary>, #tpu.dimension_semantics<arbitrary>], iteration_bounds = array<i64: 4, 8>, scalar_prefetch = 0 : i64, scratch_operands = 0 : i64, tpu.core_type = #tpu.core_type<tc>, window_params = [{transform_indices = @transform_0, window_bounds = array<i64: 1, 8, 512>}, {transform_indices = @transform_1, window_bounds = array<i64: 1, 8, 4096>}, {transform_indices = @transform_2, window_bounds = array<i64: 1, 1, 1, 512>}, {transform_indices = @transform_3, window_bounds = array<i64: 1, 1, 1, 512>}]} {
    %get3A = arith.constant 0 : index
    %get3A_0 = arith.constant 0 : index
    %get3A_1 = arith.constant 0 : index
    %get3A_2 = vector.load %arg2[%get3A, %get3A_0, %get3A_1] : memref<1x8x512xbf16, #tpu.memory_space<vmem>>, vector<1x8x512xbf16>
    %get3A_3 = vector.shape_cast %get3A_2 : vector<1x8x512xbf16> to vector<8x512xbf16>
    %get3A_4 = arith.constant 0 : index
    %get3A_5 = arith.constant 0 : index
    %get3A_6 = arith.constant 0 : index
    %get3A_7 = vector.load %arg3[%get3A_4, %get3A_5, %get3A_6] : memref<1x8x4096xbf16, #tpu.memory_space<vmem>>, vector<1x8x4096xbf16>
    %get3A_8 = vector.shape_cast %get3A_7 : vector<1x8x4096xbf16> to vector<8x4096xbf16>
    %dot_general3A = arith.constant dense<0.000000e+00> : vector<4096x512xf32>
    %dot_general3A_9 = tpu.matmul %get3A_8, %get3A_3, %dot_general3A {dimension_numbers = #tpu.dot_dimension_numbers<[0], [0], [1], [1], [0, 1, 1, 1], [], []>, transpose_lhs_hint = false} : vector<8x4096xbf16>, vector<8x512xbf16>, vector<4096x512xf32> -> vector<4096x512xf32>
    %reduce_min3A = arith.constant dense<0x7F800000> : vector<512xf32>
    %reduce_min3A_10 = vector.multi_reduction <minimumf>, %dot_general3A_9, %reduce_min3A [0] : vector<4096x512xf32> to vector<512xf32>
    %get3A_11 = arith.constant 0 : index
    %get3A_12 = arith.constant 0 : index
    %get3A_13 = arith.constant 0 : index
    %get3A_14 = arith.constant 0 : index
    %get3A_15 = vector.load %arg4[%get3A_11, %get3A_12, %get3A_13, %get3A_14] : memref<1x1x1x512xf32, #tpu.memory_space<vmem>>, vector<1x1x1x512xf32>
    %get3A_16 = vector.shape_cast %get3A_15 : vector<1x1x1x512xf32> to vector<512xf32>
    %add3A = arith.addf %reduce_min3A_10, %get3A_16 : vector<512xf32>
    %swap3A = arith.constant 0 : index
    %swap3A_17 = arith.constant 0 : index
    %swap3A_18 = arith.constant 0 : index
    %swap3A_19 = arith.constant 0 : index
    %swap3A_20 = vector.load %arg5[%swap3A, %swap3A_17, %swap3A_18, %swap3A_19] : memref<1x1x1x512xf32, #tpu.memory_space<vmem>>, vector<1x1x1x512xf32>
    %swap3A_21 = vector.shape_cast %swap3A_20 : vector<1x1x1x512xf32> to vector<512xf32>
    %swap3A_22 = vector.shape_cast %add3A : vector<512xf32> to vector<1x1x1x512xf32>
    tpu.vector_store %arg5[%swap3A, %swap3A_17, %swap3A_18, %swap3A_19], %swap3A_22 {strides = array<i32>} : memref<1x1x1x512xf32, #tpu.memory_space<vmem>>, vector<1x1x1x512xf32>,
    return
  }
  func.func @transform_0(%arg0: i32, %arg1: i32) -> (i32, i32, i32) {
    %c0_i32 = arith.constant 0 : i32
    %c0_i32_0 = arith.constant 0 : i32
    return %arg0, %c0_i32, %arg1 : i32, i32, i32
  }
  func.func @transform_1(%arg0: i32, %arg1: i32) -> (i32, i32, i32) {
    %c0_i32 = arith.constant 0 : i32
    %c0_i32_0 = arith.constant 0 : i32
    %c0_i32_1 = arith.constant 0 : i32
    return %arg0, %c0_i32, %c0_i32_0 : i32, i32, i32
  }
  func.func @transform_2(%arg0: i32, %arg1: i32) -> (i32, i32, i32, i32) {
    %c0_i32 = arith.constant 0 : i32
    %c0_i32_0 = arith.constant 0 : i32
    %c0_i32_1 = arith.constant 0 : i32
    return %arg0, %arg1, %c0_i32, %c0_i32_0 : i32, i32, i32, i32
  }
  func.func @transform_3(%arg0: i32, %arg1: i32) -> (i32, i32, i32, i32) {
    %c0_i32 = arith.constant 0 : i32
    %c0_i32_0 = arith.constant 0 : i32
    %c0_i32_1 = arith.constant 0 : i32
    return %arg0, %arg1, %c0_i32, %c0_i32_0 : i32, i32, i32, i32
  }
}

</mosaic_0001>

<sc_bundles>
// kernel: kernel.5.cloned.1.call-start
scs
__scs_entry_jumppad:
0x0: {  	(pc) =	sbr.rel $0x88, $3  }
0x1: {  	(tag) =	ssettag $0x0;
	lr =	simm.s32 $0x1  }
0x2: {  	[smem:$0x3F9D] =	sst lr;
	_ =	strace $0xD0000000  }
0x3: {  	_ = 	snop  }
0x4: {  	_ = 	snop  }
0x5: {  	_ = 	snop  }
0x6: {  	_ = 	snop  }
0x7: {  	_ = 	snop  }
__scs_overlays_trampoline_lowered:
0x8: {  	[smem:$0x3FAC] =	sst s0  }
0x9: {  	[smem:$0x3FAD] =	sst s1  }
0xa: {  	[smem:$0x3FAE] =	sst s2  }
0xb: {  	[smem:$0x3FAF] =	sst s3  }
0xc: {  	[smem:$0x3FB0] =	sst s4  }
0xd: {  	[smem:$0x3FB1] =	sst s5  }
0xe: {  	[smem:$0x3FB2] =	sst s6  }
0xf: {  	[smem:$0x3FB3] =	sst s7  }
0x10: {  	[smem:$0x3FB4] =	sst s8  }
0x11: {  	[smem:$0x3FB5] =	sst s9;
	s0 =	simm.s32 @!p0 $0x0  }
0x12: {  	s1 =	sld [smem:$0x3F9B];
	s0 =	simm.s32 @p0 $0x1  }
0x13: {  	[smem:$0x3FB6] =	sst s0;
	s0 =	simm.s32 @!p1 $0x0  }
0x14: {  	s2 =	sld [smem:$0x3F9A];
	s0 =	simm.s32 @p1 $0x1  }
0x15: {  	[smem:$0x3FB7] =	sst s0;
	s0 =	simm.s32 @!p2 $0x0  }
0x16: {  	s3 =	sld [smem:$0x3FDB];
	s0 =	simm.s32 @p2 $0x1  }
0x17: {  	s4 =	simm.s32 $0x1BF5;
	[smem:$0x3FB9] =	sst s0  }
0x18: {  	s0 =	sld [smem:$0x3F9C];
	_ =	swait.ge [sflag:s4], $0x0  }
0x19: {  	s7 =	sld [smem:$0x3F9D]  }
0x1a: {  	s8 =	sadd.s32 $0xFFFFE003, lr  }
0x1b: {  	s9 =	sadd.s32 $0xFFFFFEF7, lr;
	s5 =	simm.s32 $0xFFFFFFFF;
	p2 =	slt.u32 s8, $0xFFFFF086  }
0x1c: {  	p1 =	slt.u32 s9, $0xF7A;
	s5 =	simm.s32 @!p2 $0x0  }
0x1d: {  	s5 =	simm.s32 @p1 $0x1;
	p0 =	seq.s32 s7, s2  }
0x1e: {  	s7 =	smul.u32 @!p0 $0xF7A, s2;
	p2 =	seq.s32 @!p0 s5, $0x0  }
0x1f: {  	s9 =	smul.u32 $0xF7A, s1;
	s8 =	simm.s32 @!p0 $0x1BF5;
	p2 =	por !p2, p0  }
0x20: {  	[sflag:s8] =	ssyncset.s32 @!p0 $0xFFFFF086;
	s6 =	sadd.s32 @!p0 s3, s7;
	s7 =	simm.s32 @!p0 $0x108  }
0x21: {  	s3 =	sadd.s32 s3, s9;
	s6 =	sadd.s32 @!p0 $0x88, s6;
	s7 =	simm.s32 @p2 $0x1082  }
0x22: {  	[simem:s7], [sflag:s8] =	dma.local @!p0 [hbm:s6], $0xF7A  }
0x23: {  	s9 =	sor.u32 $0xD0000000, s2;
	s6 =	simm.s32 $0x108;
	_ =	swait.ge @!p0 [sflag:s8], $0x0  }
0x24: {  	s3 =	sadd.s32 $0x88, s3;
	s6 =	simm.s32 @!p1 $0x1082;
	[sflag:s4] =	ssyncset.s32 $0xFFFFF086  }
0x25: {  	[simem:s6], [sflag:s4] =	dma.local [hbm:s3], $0xF7A  }
0x26: {  	[smem:$0x3F9D] =	sst s1;
	(tag) =	ssettag s2;
	_ =	strace s9  }
0x27: {  	s1 =	sld [smem:$0x3FAD]  }
0x28: {  	s2 =	sld [smem:$0x3FAE]  }
0x29: {  	s4 =	sld [smem:$0x3FB0]  }
0x2a: {  	p0 =	seq.s32 s5, $0x0;
	s5 =	sld [smem:$0x3FB1]  }
0x2b: {  	s6 =	sld [smem:$0x3FB2]  }
0x2c: {  	s7 =	sld [smem:$0x3FB3]  }
0x2d: {  	s3 =	simm.s32 $0x108;
	s8 =	sld [smem:$0x3FB4]  }
0x2e: {  	s3 =	simm.s32 @!p0 $0x1082;
	s9 =	sld [smem:$0x3FB5]  }
0x2f: {  	lr =	sadd.s32 s0, s3;
	s0 =	sld [smem:$0x3FAC]  }
0x30: {  	s3 =	sld [smem:$0x3FAF]  }
0x31: {  	[smem:$0x3FB8] =	sst s10  }
0x32: {  	s10 =	sld [smem:$0x3FB6];
	_ =	sdelay $0x3  }
0x33: {  	p0 =	seq.s32 s10, $0x1;
	s10 =	sld [smem:$0x3FB8];
	_ =	sdelay $0x3  }
0x34: {  	[smem:$0x3FB8] =	sst s10  }
0x35: {  	s10 =	sld [smem:$0x3FB7];
	_ =	sdelay $0x3  }
0x36: {  	p1 =	seq.s32 s10, $0x1;
	s10 =	sld [smem:$0x3FB8];
	_ =	sdelay $0x3  }
0x37: {  	[smem:$0x3FB8] =	sst s10  }
0x38: {  	s10 =	sld [smem:$0x3FB9]  }
0x39: {  	_ = 	snop;
	(pc) =	sbr.ind lr, $3  }
0x3a: {  	_ = 	snop  }
0x3b: {  	_ = 	snop  }
0x3c: {  	p2 =	seq.s32 s10, $0x1;
	s10 =	sld [smem:$0x3FB8]  }
0x3d: {  	_ =	shalt  }
0x3e: {  	_ =	shalt  }
0x3f: {  	_ =	shalt  }
0x40: {  	_ =	shalt  }
0x41: {  	_ =	shalt  }
0x42: {  	_ =	shalt  }
0x43: {  	_ =	shalt  }
0x44: {  	_ =	shalt  }
0x45: {  	_ =	shalt  }
0x46: {  	_ =	shalt  }
0x47: {  	_ =	shalt  }
0x48: {  	_ =	shalt  }
0x49: {  	_ =	shalt  }
0x4a: {  	_ =	shalt  }
0x4b: {  	_ =	shalt  }
0x4c: {  	_ =	shalt  }
0x4d: {  	_ =	shalt  }
0x4e: {  	_ =	shalt  }
0x4f: {  	_ =	shalt  }
0x50: {  	_ =	shalt  }
0x51: {  	_ =	shalt  }
0x52: {  	_ =	shalt  }
0x53: {  	_ =	shalt  }
0x54: {  	_ =	shalt  }
0x55: {  	_ =	shalt  }
0x56: {  	_ =	shalt  }
0x57: {  	_ =	shalt  }
0x58: {  	_ =	shalt  }
0x59: {  	_ =	shalt  }
0x5a: {  	_ =	shalt  }
0x5b: {  	_ =	shalt  }
0x5c: {  	_ =	shalt  }
0x5d: {  	_ =	shalt  }
0x5e: {  	_ =	shalt  }
0x5f: {  	_ =	shalt  }
0x60: {  	_ =	shalt  }
0x61: {  	_ =	shalt  }
0x62: {  	_ =	shalt  }
0x63: {  	_ =	shalt  }
0x64: {  	_ =	shalt  }
0x65: {  	_ =	shalt  }
0x66: {  	_ =	shalt  }
0x67: {  	_ =	shalt  }
0x68: {  	_ =	shalt  }
0x69: {  	_ =	shalt  }
0x6a: {  	_ =	shalt  }
0x6b: {  	_ =	shalt  }
0x6c: {  	_ =	shalt  }
0x6d: {  	_ =	shalt  }
0x6e: {  	_ =	shalt  }
0x6f: {  	_ =	shalt  }
0x70: {  	_ =	shalt  }
0x71: {  	_ =	shalt  }
0x72: {  	_ =	shalt  }
0x73: {  	_ =	shalt  }
0x74: {  	_ =	shalt  }
0x75: {  	_ =	shalt  }
0x76: {  	_ =	shalt  }
0x77: {  	_ =	shalt  }
0x78: {  	_ =	shalt  }
0x79: {  	_ =	shalt  }
0x7a: {  	_ =	shalt  }
0x7b: {  	_ =	shalt  }
0x7c: {  	_ =	shalt  }
0x7d: {  	_ =	shalt  }
0x7e: {  	_ =	shalt  }
0x7f: {  	_ =	shalt  }
0x80: {  	_ =	shalt  }
0x81: {  	_ =	shalt  }
0x82: {  	_ =	shalt  }
0x83: {  	_ =	shalt  }
0x84: {  	_ =	shalt  }
0x85: {  	_ =	shalt  }
0x86: {  	_ =	shalt  }
0x87: {  	_ =	shalt  }
.Lfunc_end0:
.L_simem_size_0:
called_computation_lowered:
.L_overlay_start_0:
0x88: {  	s2 =	sld [smem:$0x3FD9]  }
0x89: {  	s3 =	sld [smem:$0x3FFE];
	_ =	sdelay $0x1  }
0x8a: {  	s1 =	srdreg.scid  }
0x8b: {  	s0 =	sand.u32 $0x1, s1  }
0x8c: {  	s16 =	sshll.u32 s0, $0xA;
	s2 =	sadd.s32 s3, s2  }
0x8d: {  	s2 =	sadd.s32 s2, s16  }
0x8e: {  	[smem:$0x3FC4] =	sst s2  }
0x8f: {  	_ = 	snop  }
0x90: {  	(tm) =	ssettm $0x1  }
0x91: {  	s17 =	sld [smem:$0x3FFB];
	_ =	sdelay $0x3  }
0x92: {  	_ =	strace s17  }
0x93: {  	s2 =	sld [smem:$0x3FFC];
	_ =	sdelay $0x3  }
0x94: {  	_ =	strace s2  }
0x95: {  	s2 =	sld [smem:$0x3FFD];
	_ =	sdelay $0x3  }
0x96: {  	_ =	strace s2  }
0x97: {  	_ =	strace $0x8FFFFFFF  }
0x98: {  	s18 =	sld [smem:$0x3FDB];
	_ =	sdelay $0x1  }
0x99: {  	s19 =	simm.s32 $_scs_section_size  }
0x9a: {  	s4 =	simm.s32 $_size__tile_overlayer_lowered;
	s5 =	simm.s32 $_tile_overlayer_lowered  }
0x9b: {  	s22 =	simm.s32 $0x1BFF;
	s21 =	sshll.u32 s5, $0x1;
	s2 =	sadd.s32 s19, s18  }
0x9c: {  	s6 =	simm.s32 $0x0;
	s20 =	sshll.u32 s4, $0x1;
	s4 =	sadd.s32 s21, s2  }
0x9d: {  	[timem:s6], [sflag:s22] =	dma.local [hbm:s4], s20  }
0x9e: {  	_ =	swait.ge [sflag:s22], s20  }
0x9f: {  	s3 =	ssub.s32 $0x0, s20;
	[sflag:s22] =	ssyncset.done $0x0  }
0xa0: {  	[sflag:s22] =	ssyncadd.s32 s3;
	_ =	sdelay $0x1  }
0xa1: {  	s23 =	simm.s32 $0x1B8B  }
0xa2: {  	_ =	swait.ge [sflag:s23], $0x1  }
0xa3: {  	[sflag:s23] =	ssyncset.done $0x0  }
0xa4: {  	s25 =	simm.s32 $0x1B8E;
	s24 =	sld [smem:$0x3FFE];
	[sflag:s23] =	ssyncadd.s32 $0xFFFFFFFF  }
0xa5: {  	s26 =	simm.s32 $execute0_lowered;
	[smem:$0x3FD2] =	sst s25  }
0xa6: {  	s4 =	sshll.u32 s26, $0x1;
	_ =	strace $0x80000046;
	[dreg:$0x1] =	wrdreg $0xFFFFFFFF  }
0xa7: {  	s28 =	simm.s32 $_size_execute0_lowered;
	s2 =	sadd.s32 s2, s4;
	[dreg:$0x0] =	wrdreg $0x0  }
0xa8: {  	s4 =	sshll.u32 s28, $0x1;
	[dreg:$0x2] =	wrdreg s2  }
0xa9: {  	[dreg:$0x3] =	wrdreg s4  }
0xaa: {  	[dreg:$0x4] =	wrdreg $0xC0  }
0xab: {  	_ =	task [dreg:s6], $0x5FFFF  }
0xac: {  	[dreg:$0x1] =	wrdreg $0xFFFFFFFF  }
0xad: {  	[dreg:$0x0] =	wrdreg $0x60  }
0xae: {  	[dreg:$0x2] =	wrdreg s24  }
0xaf: {  	[dreg:$0x3] =	wrdreg $0x9  }
0xb0: {  	_ =	task.clear_ibuf [dreg:s6], $0x4FFFF;
	_ =	strace $0x90000046  }
0xb1: {  	s29 =	simm.s32 $0x9;
	_ =	strace $0x80000048  }
0xb2: {  	_ =	swait.ge [sflag:s29], $0x1  }
0xb3: {  	[sflag:s29] =	ssyncadd.s32 $0xFFFFFFFF  }
0xb4: {  	_ =	strace $0x90000048  }
0xb5: {  	_ =	sfence  }
0xb6: {  	s30 =	sld [smem:$0x0];
	_ =	sdelay $0x2  }
0xb7: {  	s31 =	sshll.u32 s1, $0xD;
	s1 =	sshrl.u32 s1, $0x2  }
0xb8: {  	s3 =	sand.u32 $0x4000, s31;
	s1 =	sadd.s32 s1, s30  }
0xb9: {  	s0 =	sor.u32 s3, s0;
	s1 =	sshll.u32 s1, $0x11  }
0xba: {  	s0 =	sor.u32 s1, s0  }
0xbb: {  	s0 =	sadd.s32 $0x8F2B, s0  }
0xbc: {  	[sflag:s0] =	ssyncadd.remote.s32 $0x1  }
0xbd: {  	_ =	sfence.sel $0xFFFF  }
0xbe: {  	[dreg:$0x0] =	wrdreg $0xFFFFFFFF;
	(pc) =	sbr.abs _section_cstart, $3  }
0xbf: {  	[dreg:$0x1] =	wrdreg $0xFFFFFFFF  }
0xc0: {  	_ =	task.clear_ibuf [dreg:s6], $0x2FFFF;
	_ =	strace $0x9FFFFFFF  }
0xc1: {  	(tm) =	ssettm $0x7FFFFFFF  }
tec
execute0_lowered:
.L_overlay_start_1:
0x0: {  	(tag) =	ssettag $0x1  }
0x1: {  	s1 =	stileid.u32  }
0x2: {  	p0 =	sgt.u32 s1, $0x1  }
.Ltmp0:
0x3: {  	_ = 	snop;
	(pc) =	sbr.rel @p0 .LBB2_71-.Ltmp0, $4  }
0x4: {  	_ = 	snop  }
0x5: {  	s3 =	rddreg [dreg:$0x0];
	s2 =	simm.s32 $0x0  }
0x6: {  	[smem:$0x7FF] =	sst s2  }
0x7: {  	s0 =	rddreg [dreg:$0x1];
	_ =	strace $0x80000047  }
0x8: {  	v0 =	vimm.s32 $0xEFCDAB89  }
0x9: {  	v1 =	vimm.s32 $0x67452301;
	v2 =	vimm.s32 $0xDCFE98BA;
	v3 =	vimm.s32 $0x54761032  }
0xa: {  	v4 =	vimm.s32 $0xBA98FEDC;
	v5 =	vimm.s32 $0x32107654;
	v6 =	vimm.s32 $0xFEDCBA98  }
0xb: {  	v7 =	vimm.s32 $0x76543210;
	v0 =	vunpack.c.l.s4.s8 v0;
	v1 =	vunpack.c.l.s4.s8 v1  }
0xc: {  	v2 =	vunpack.c.l.s4.s8 v2;
	v3 =	vunpack.c.l.s4.s8 v3;
	v4 =	vunpack.c.l.s4.s8 v4  }
0xd: {  	s4 =	srdreg.scid;
	v5 =	vunpack.c.l.s4.s8 v5;
	v6 =	vunpack.c.l.s4.s8 v6;
	v0 =	vunpack.c.0.s8.s32 v0  }
0xe: {  	s5 =	sshll.u32 s1, $0x5;
	s7 =	sadd.s32 $0x400, s3;
	s4 =	sand.u32 $0x1, s4;
	v1 =	vunpack.c.0.s8.s32 v1;
	v2 =	vunpack.c.0.s8.s32 v2;
	v3 =	vunpack.c.0.s8.s32 v3  }
0xf: {  	s8 =	simm.s32 $0x1;
	s9 =	simm.s32 $0x2080;
	v7 =	vunpack.c.l.s4.s8 v7;
	s6 =	sshll.u32 s4, $0x4;
	v4 =	vunpack.c.0.s8.s32 v4;
	v5 =	vunpack.c.0.s8.s32 v5  }
0x10: {  	s10 =	simm.s32 $0x2000;
	s4 =	ssub.s32 $0x2, s4;
	s5 =	sor.u32 s6, s5;
	v1 =	vcombine.low v1, v0;
	v2 =	vcombine.low v3, v2;
	v3 =	vunpack.c.0.s8.s32 v6  }
0x11: {  	s11 =	simm.s32 $0x0;
	s30 =	sshrl.u32 s4, $0x1;
	s31 =	sadd.s32 s5, s3;
	v4 =	vcombine.low v5, v4;
	v0 =	vimm.f32 $0.0e+00;
	v5 =	vunpack.c.0.s8.s32 v7  }
0x12: {  	s6 =	ssub.s32 s4, s30;
	s4 =	sadd.s32 s7, s5;
	s7 =	simm.s32 $0x200;
	v1 =	vand.u32 $0xF, v1;
	v2 =	vand.u32 $0xF, v2;
	v6 =	vand.u32 $0xF, v3  }
0x13: {  	s3 =	sadd.s32 $0xC00, s31;
	s5 =	smax.u32 s6, $0x1;
	s6 =	simm.s32 $0x80;
	v3 =	vand.u32 $0xF, v4;
	v4 =	vcombine.low v6, v5;
	v5 =	vimm.s32 $0x0  }
.LBB2_2:
0x14: {  	s12 =	simm.s32 $0x0  }
0x15: {  	[tilespmem:s12], [sflag:$0x1] =	stream.strided.gather [hbm4b:s4+s6], $0x1000, s7, s6, $0x38;
	[tilespmem:$0x2100] =	vst v63  }
0x16: {  	_ =	swait.ge [sflag:s8], $0x1000  }
0x17: {  	[sflag:s8] =	ssyncset.done $0x0  }
0x18: {  	s12 =	simm.s32 $0x0;
	[sflag:s8] =	ssyncadd.s32 $0xFFFFF000  }
0x19: {  	v6 =	vld [tilespmem:s12+$0x0]  }
0x1a: {  	s14 =	simm.s32 $0x40;
	s13 =	simm.s32 $0x0  }
.LBB2_3:
0x1b: {  	p0 =	sne.s32 s14, $0x3FC0  }
.Ltmp1:
0x1c: {  	_ = 	snop;
	(pc) =	sbr.rel @p0 .LBB2_3-.Ltmp1, $4  }
0x1d: {  	_ = 	snop  }
0x1e: {  	s15 =	sshra.s32 s14, $0x2;
	s14 =	sadd.s32 $0x40, s14;
	vm0 =	vlt.s32 v6, $0x0;
	v7 =	vxor.u32 $0xFFFFFFFF, v6;
	v8 =	vor.u32 $0x80000000, v6  }
0x1f: {  	v6 =	vld [tilespmem:s15+$0x0];
	v7 =	vsel vm0, v7, v8  }
0x20: {  	[tilespmem:s13+$0x1000] =	vst v7;
	s13 =	smov.u32 s15  }
0x21: {  	_ =	sdelay $0x2  }
0x22: {  	vm0 =	vlt.s32 v6, $0x0;
	v7 =	vxor.u32 $0xFFFFFFFF, v6;
	v6 =	vor.u32 $0x80000000, v6  }
0x23: {  	v6 =	vsel vm0, v7, v6  }
0x24: {  	[tilespmem:s13+$0x1000] =	vst v6  }
0x25: {  	v7 =	vld [tilespmem:s12+$0x1000]  }
0x26: {  	v6 =	vimm.f32 $0.0e+00;
	s13 =	simm.s32 $0x40  }
.LBB2_5:
0x27: {  	p0 =	sne.s32 s13, $0x3FC0  }
.Ltmp2:
0x28: {  	_ = 	snop;
	(pc) =	sbr.rel @p0 .LBB2_5-.Ltmp2, $4  }
0x29: {  	_ = 	snop  }
0x2a: {  	s12 =	sshra.s32 s13, $0x2;
	s13 =	sadd.s32 $0x40, s13;
	vm0 =	vgt.s32 v7, $0xFFFFFFFF  }
0x2b: {  	v7 =	vld [tilespmem:s12+$0x1000];
	v8 =	vsel vm0, $0x3F800000, v0  }
0x2c: {  	v6 =	vadd.f32 v8, v6  }
0x2d: {  	_ =	sdelay $0x2  }
0x2e: {  	vm0 =	vgt.s32 v7, $0xFFFFFFFF  }
0x2f: {  	v7 =	vsel vm0, $0x3F800000, v0  }
0x30: {  	v6 =	vadd.f32 v7, v6;
	_ =	sdelay $0x1  }
0x31: {  	[tilespmem:$0x2080] =	vst v6  }
0x32: {  	v7 =	vld.idx.msk [tilespmem:v1+s9+$0x0], $0xffff;
	_ =	sdelay $0x4  }
0x33: {  	v6 =	vadd.f32 v7, v6;
	_ =	sdelay $0x1  }
0x34: {  	[tilespmem:$0x2080] =	vst v6  }
0x35: {  	v7 =	vld.idx.msk [tilespmem:v2+s9+$0x0], $0xffff;
	_ =	sdelay $0x4  }
0x36: {  	v6 =	vadd.f32 v7, v6;
	_ =	sdelay $0x1  }
0x37: {  	[tilespmem:$0x2080] =	vst v6  }
0x38: {  	v7 =	vld.idx.msk [tilespmem:v3+s9+$0x0], $0xffff;
	_ =	sdelay $0x4  }
0x39: {  	v6 =	vadd.f32 v7, v6;
	_ =	sdelay $0x1  }
0x3a: {  	[tilespmem:$0x2080] =	vst v6  }
0x3b: {  	v7 =	vld.idx.msk [tilespmem:v4+s9+$0x0], $0xffff;
	_ =	sdelay $0x4  }
0x3c: {  	v6 =	vadd.f32 v7, v6;
	_ =	sdelay $0x1  }
0x3d: {  	s13 =	simm.s32 $0x0;
	vm15 =	vlt.f32 v6, $2.048000000e+03  }
0x3e: {  	v9 =	vld [tilespmem:s13+$0x1000];
	v6 =	vsel vm15, $0x80000000, v5  }
0x3f: {  	v8 =	vimm.f32 $0.0e+00;
	s12 =	simm.s32 $0x40;
	v7 =	vor.u32 $0x40000000, v6  }
.LBB2_7:
0x40: {  	p0 =	sne.s32 s12, $0x3FC0  }
.Ltmp3:
0x41: {  	_ = 	snop;
	(pc) =	sbr.rel @p0 .LBB2_7-.Ltmp3, $4  }
0x42: {  	_ = 	snop  }
0x43: {  	s13 =	sshra.s32 s12, $0x2;
	s12 =	sadd.s32 $0x40, s12;
	vm0 =	vlt.u32 v9, v7  }
0x44: {  	v9 =	vld [tilespmem:s13+$0x1000];
	v10 =	vsel vm0, $0x3F800000, v0  }
0x45: {  	v8 =	vadd.f32 v10, v8  }
0x46: {  	_ =	sdelay $0x2  }
0x47: {  	vm0 =	vlt.u32 v9, v7  }
0x48: {  	v9 =	vsel vm0, $0x3F800000, v0  }
0x49: {  	v8 =	vadd.f32 v9, v8;
	_ =	sdelay $0x1  }
0x4a: {  	[tilespmem:$0x2080] =	vst v8  }
0x4b: {  	v9 =	vld.idx.msk [tilespmem:v1+s9+$0x0], $0xffff;
	_ =	sdelay $0x4  }
0x4c: {  	v8 =	vadd.f32 v9, v8;
	_ =	sdelay $0x1  }
0x4d: {  	[tilespmem:$0x2080] =	vst v8  }
0x4e: {  	v9 =	vld.idx.msk [tilespmem:v2+s9+$0x0], $0xffff;
	_ =	sdelay $0x4  }
0x4f: {  	v8 =	vadd.f32 v9, v8;
	_ =	sdelay $0x1  }
0x50: {  	[tilespmem:$0x2080] =	vst v8  }
0x51: {  	v9 =	vld.idx.msk [tilespmem:v3+s9+$0x0], $0xffff;
	_ =	sdelay $0x4  }
0x52: {  	v8 =	vadd.f32 v9, v8;
	_ =	sdelay $0x1  }
0x53: {  	[tilespmem:$0x2080] =	vst v8  }
0x54: {  	v9 =	vld.idx.msk [tilespmem:v4+s9+$0x0], $0xffff;
	_ =	sdelay $0x4  }
0x55: {  	v8 =	vadd.f32 v9, v8;
	_ =	sdelay $0x1  }
0x56: {  	s13 =	simm.s32 $0x0;
	vm15 =	vlt.f32 v8, $2.048000000e+03  }
0x57: {  	v9 =	vld [tilespmem:s13+$0x1000];
	v6 =	vsel vm15, v7, v6  }
0x58: {  	s12 =	simm.s32 $0x40;
	v8 =	vimm.f32 $0.0e+00;
	v7 =	vor.u32 $0x20000000, v6  }
.LBB2_9:
0x59: {  	p0 =	sne.s32 s12, $0x3FC0  }
.Ltmp4:
0x5a: {  	_ = 	snop;
	(pc) =	sbr.rel @p0 .LBB2_9-.Ltmp4, $4  }
0x5b: {  	_ = 	snop  }
0x5c: {  	s13 =	sshra.s32 s12, $0x2;
	s12 =	sadd.s32 $0x40, s12;
	vm0 =	vlt.u32 v9, v7  }
0x5d: {  	v9 =	vld [tilespmem:s13+$0x1000];
	v10 =	vsel vm0, $0x3F800000, v0  }
0x5e: {  	v8 =	vadd.f32 v10, v8  }
0x5f: {  	_ =	sdelay $0x2  }
0x60: {  	vm0 =	vlt.u32 v9, v7  }
0x61: {  	v9 =	vsel vm0, $0x3F800000, v0  }
0x62: {  	v8 =	vadd.f32 v9, v8;
	_ =	sdelay $0x1  }
0x63: {  	[tilespmem:$0x2080] =	vst v8  }
0x64: {  	v9 =	vld.idx.msk [tilespmem:v1+s9+$0x0], $0xffff;
	_ =	sdelay $0x4  }
0x65: {  	v8 =	vadd.f32 v9, v8;
	_ =	sdelay $0x1  }
0x66: {  	[tilespmem:$0x2080] =	vst v8  }
0x67: {  	v9 =	vld.idx.msk [tilespmem:v2+s9+$0x0], $0xffff;
	_ =	sdelay $0x4  }
0x68: {  	v8 =	vadd.f32 v9, v8;
	_ =	sdelay $0x1  }
0x69: {  	[tilespmem:$0x2080] =	vst v8  }
0x6a: {  	v9 =	vld.idx.msk [tilespmem:v3+s9+$0x0], $0xffff;
	_ =	sdelay $0x4  }
0x6b: {  	v8 =	vadd.f32 v9, v8;
	_ =	sdelay $0x1  }
0x6c: {  	[tilespmem:$0x2080] =	vst v8  }
0x6d: {  	v9 =	vld.idx.msk [tilespmem:v4+s9+$0x0], $0xffff;
	_ =	sdelay $0x4  }
0x6e: {  	v8 =	vadd.f32 v9, v8;
	_ =	sdelay $0x1  }
0x6f: {  	s13 =	simm.s32 $0x0;
	vm15 =	vlt.f32 v8, $2.048000000e+03  }
0x70: {  	v9 =	vld [tilespmem:s13+$0x1000];
	v6 =	vsel vm15, v7, v6  }
0x71: {  	s12 =	simm.s32 $0x40;
	v8 =	vimm.f32 $0.0e+00;
	v7 =	vor.u32 $0x10000000, v6  }
.LBB2_11:
0x72: {  	p0 =	sne.s32 s12, $0x3FC0  }
.Ltmp5:
0x73: {  	_ = 	snop;
	(pc) =	sbr.rel @p0 .LBB2_11-.Ltmp5, $4  }
0x74: {  	_ = 	snop  }
0x75: {  	s13 =	sshra.s32 s12, $0x2;
	s12 =	sadd.s32 $0x40, s12;
	vm0 =	vlt.u32 v9, v7  }
0x76: {  	v9 =	vld [tilespmem:s13+$0x1000];
	v10 =	vsel vm0, $0x3F800000, v0  }
0x77: {  	v8 =	vadd.f32 v10, v8  }
0x78: {  	_ =	sdelay $0x2  }
0x79: {  	vm0 =	vlt.u32 v9, v7  }
0x7a: {  	v9 =	vsel vm0, $0x3F800000, v0  }
0x7b: {  	v8 =	vadd.f32 v9, v8;
	_ =	sdelay $0x1  }
0x7c: {  	[tilespmem:$0x2080] =	vst v8  }
0x7d: {  	v9 =	vld.idx.msk [tilespmem:v1+s9+$0x0], $0xffff;
	_ =	sdelay $0x4  }
0x7e: {  	v8 =	vadd.f32 v9, v8;
	_ =	sdelay $0x1  }
0x7f: {  	[tilespmem:$0x2080] =	vst v8  }
0x80: {  	v9 =	vld.idx.msk [tilespmem:v2+s9+$0x0], $0xffff;
	_ =	sdelay $0x4  }
0x81: {  	v8 =	vadd.f32 v9, v8;
	_ =	sdelay $0x1  }
0x82: {  	[tilespmem:$0x2080] =	vst v8  }
0x83: {  	v9 =	vld.idx.msk [tilespmem:v3+s9+$0x0], $0xffff;
	_ =	sdelay $0x4  }
0x84: {  	v8 =	vadd.f32 v9, v8;
	_ =	sdelay $0x1  }
0x85: {  	[tilespmem:$0x2080] =	vst v8  }
0x86: {  	v9 =	vld.idx.msk [tilespmem:v4+s9+$0x0], $0xffff;
	_ =	sdelay $0x4  }
0x87: {  	v8 =	vadd.f32 v9, v8;
	_ =	sdelay $0x1  }
0x88: {  	s13 =	simm.s32 $0x0;
	vm15 =	vlt.f32 v8, $2.048000000e+03  }
0x89: {  	v9 =	vld [tilespmem:s13+$0x1000];
	v6 =	vsel vm15, v7, v6  }
0x8a: {  	s12 =	simm.s32 $0x40;
	v8 =	vimm.f32 $0.0e+00;
	v7 =	vor.u32 $0x8000000, v6  }
.LBB2_13:
0x8b: {  	p0 =	sne.s32 s12, $0x3FC0  }
.Ltmp6:
0x8c: {  	_ = 	snop;
	(pc) =	sbr.rel @p0 .LBB2_13-.Ltmp6, $4  }
0x8d: {  	_ = 	snop  }
0x8e: {  	s13 =	sshra.s32 s12, $0x2;
	s12 =	sadd.s32 $0x40, s12;
	vm0 =	vlt.u32 v9, v7  }
0x8f: {  	v9 =	vld [tilespmem:s13+$0x1000];
	v10 =	vsel vm0, $0x3F800000, v0  }
0x90: {  	v8 =	vadd.f32 v10, v8  }
0x91: {  	_ =	sdelay $0x2  }
0x92: {  	vm0 =	vlt.u32 v9, v7  }
0x93: {  	v9 =	vsel vm0, $0x3F800000, v0  }
0x94: {  	v8 =	vadd.f32 v9, v8;
	_ =	sdelay $0x1  }
0x95: {  	[tilespmem:$0x2080] =	vst v8  }
0x96: {  	v9 =	vld.idx.msk [tilespmem:v1+s9+$0x0], $0xffff;
	_ =	sdelay $0x4  }
0x97: {  	v8 =	vadd.f32 v9, v8;
	_ =	sdelay $0x1  }
0x98: {  	[tilespmem:$0x2080] =	vst v8  }
0x99: {  	v9 =	vld.idx.msk [tilespmem:v2+s9+$0x0], $0xffff;
	_ =	sdelay $0x4  }
0x9a: {  	v8 =	vadd.f32 v9, v8;
	_ =	sdelay $0x1  }
0x9b: {  	[tilespmem:$0x2080] =	vst v8  }
0x9c: {  	v9 =	vld.idx.msk [tilespmem:v3+s9+$0x0], $0xffff;
	_ =	sdelay $0x4  }
0x9d: {  	v8 =	vadd.f32 v9, v8;
	_ =	sdelay $0x1  }
0x9e: {  	[tilespmem:$0x2080] =	vst v8  }
0x9f: {  	v9 =	vld.idx.msk [tilespmem:v4+s9+$0x0], $0xffff;
	_ =	sdelay $0x4  }
0xa0: {  	v8 =	vadd.f32 v9, v8;
	_ =	sdelay $0x1  }
0xa1: {  	s13 =	simm.s32 $0x0;
	vm15 =	vlt.f32 v8, $2.048000000e+03  }
0xa2: {  	v9 =	vld [tilespmem:s13+$0x1000];
	v6 =	vsel vm15, v7, v6  }
0xa3: {  	s12 =	simm.s32 $0x40;
	v8 =	vimm.f32 $0.0e+00;
	v7 =	vor.u32 $0x4000000, v6  }
.LBB2_15:
0xa4: {  	p0 =	sne.s32 s12, $0x3FC0  }
.Ltmp7:
0xa5: {  	_ = 	snop;
	(pc) =	sbr.rel @p0 .LBB2_15-.Ltmp7, $4  }
0xa6: {  	_ = 	snop  }
0xa7: {  	s13 =	sshra.s32 s12, $0x2;
	s12 =	sadd.s32 $0x40, s12;
	vm0 =	vlt.u32 v9, v7  }
0xa8: {  	v9 =	vld [tilespmem:s13+$0x1000];
	v10 =	vsel vm0, $0x3F800000, v0  }
0xa9: {  	v8 =	vadd.f32 v10, v8  }
0xaa: {  	_ =	sdelay $0x2  }
0xab: {  	vm0 =	vlt.u32 v9, v7  }
0xac: {  	v9 =	vsel vm0, $0x3F800000, v0  }
0xad: {  	v8 =	vadd.f32 v9, v8;
	_ =	sdelay $0x1  }
0xae: {  	[tilespmem:$0x2080] =	vst v8  }
0xaf: {  	v9 =	vld.idx.msk [tilespmem:v1+s9+$0x0], $0xffff;
	_ =	sdelay $0x4  }
0xb0: {  	v8 =	vadd.f32 v9, v8;
	_ =	sdelay $0x1  }
0xb1: {  	[tilespmem:$0x2080] =	vst v8  }
0xb2: {  	v9 =	vld.idx.msk [tilespmem:v2+s9+$0x0], $0xffff;
	_ =	sdelay $0x4  }
0xb3: {  	v8 =	vadd.f32 v9, v8;
	_ =	sdelay $0x1  }
0xb4: {  	[tilespmem:$0x2080] =	vst v8  }
0xb5: {  	v9 =	vld.idx.msk [tilespmem:v3+s9+$0x0], $0xffff;
	_ =	sdelay $0x4  }
0xb6: {  	v8 =	vadd.f32 v9, v8;
	_ =	sdelay $0x1  }
0xb7: {  	[tilespmem:$0x2080] =	vst v8  }
0xb8: {  	v9 =	vld.idx.msk [tilespmem:v4+s9+$0x0], $0xffff;
	_ =	sdelay $0x4  }
0xb9: {  	v8 =	vadd.f32 v9, v8;
	_ =	sdelay $0x1  }
0xba: {  	s13 =	simm.s32 $0x0;
	vm15 =	vlt.f32 v8, $2.048000000e+03  }
0xbb: {  	v9 =	vld [tilespmem:s13+$0x1000];
	v6 =	vsel vm15, v7, v6  }
0xbc: {  	s12 =	simm.s32 $0x40;
	v8 =	vimm.f32 $0.0e+00;
	v7 =	vor.u32 $0x2000000, v6  }
.LBB2_17:
0xbd: {  	p0 =	sne.s32 s12, $0x3FC0  }
.Ltmp8:
0xbe: {  	_ = 	snop;
	(pc) =	sbr.rel @p0 .LBB2_17-.Ltmp8, $4  }
0xbf: {  	_ = 	snop  }
0xc0: {  	s13 =	sshra.s32 s12, $0x2;
	s12 =	sadd.s32 $0x40, s12;
	vm0 =	vlt.u32 v9, v7  }
0xc1: {  	v9 =	vld [tilespmem:s13+$0x1000];
	v10 =	vsel vm0, $0x3F800000, v0  }
0xc2: {  	v8 =	vadd.f32 v10, v8  }
0xc3: {  	_ =	sdelay $0x2  }
0xc4: {  	vm0 =	vlt.u32 v9, v7  }
0xc5: {  	v9 =	vsel vm0, $0x3F800000, v0  }
0xc6: {  	v8 =	vadd.f32 v9, v8;
	_ =	sdelay $0x1  }
0xc7: {  	[tilespmem:$0x2080] =	vst v8  }
0xc8: {  	v9 =	vld.idx.msk [tilespmem:v1+s9+$0x0], $0xffff;
	_ =	sdelay $0x4  }
0xc9: {  	v8 =	vadd.f32 v9, v8;
	_ =	sdelay $0x1  }
0xca: {  	[tilespmem:$0x2080] =	vst v8  }
0xcb: {  	v9 =	vld.idx.msk [tilespmem:v2+s9+$0x0], $0xffff;
	_ =	sdelay $0x4  }
0xcc: {  	v8 =	vadd.f32 v9, v8;
	_ =	sdelay $0x1  }
0xcd: {  	[tilespmem:$0x2080] =	vst v8  }
0xce: {  	v9 =	vld.idx.msk [tilespmem:v3+s9+$0x0], $0xffff;
	_ =	sdelay $0x4  }
0xcf: {  	v8 =	vadd.f32 v9, v8;
	_ =	sdelay $0x1  }
0xd0: {  	[tilespmem:$0x2080] =	vst v8  }
0xd1: {  	v9 =	vld.idx.msk [tilespmem:v4+s9+$0x0], $0xffff;
	_ =	sdelay $0x4  }
0xd2: {  	v8 =	vadd.f32 v9, v8;
	_ =	sdelay $0x1  }
0xd3: {  	s13 =	simm.s32 $0x0;
	vm15 =	vlt.f32 v8, $2.048000000e+03  }
0xd4: {  	v9 =	vld [tilespmem:s13+$0x1000];
	v6 =	vsel vm15, v7, v6  }
0xd5: {  	s12 =	simm.s32 $0x40;
	v8 =	vimm.f32 $0.0e+00;
	v7 =	vor.u32 $0x1000000, v6  }
.LBB2_19:
0xd6: {  	p0 =	sne.s32 s12, $0x3FC0  }
.Ltmp9:
0xd7: {  	_ = 	snop;
	(pc) =	sbr.rel @p0 .LBB2_19-.Ltmp9, $4  }
0xd8: {  	_ = 	snop  }
0xd9: {  	s13 =	sshra.s32 s12, $0x2;
	s12 =	sadd.s32 $0x40, s12;
	vm0 =	vlt.u32 v9, v7  }
0xda: {  	v9 =	vld [tilespmem:s13+$0x1000];
	v10 =	vsel vm0, $0x3F800000, v0  }
0xdb: {  	v8 =	vadd.f32 v10, v8  }
0xdc: {  	_ =	sdelay $0x2  }
0xdd: {  	vm0 =	vlt.u32 v9, v7  }
0xde: {  	v9 =	vsel vm0, $0x3F800000, v0  }
0xdf: {  	v8 =	vadd.f32 v9, v8;
	_ =	sdelay $0x1  }
0xe0: {  	[tilespmem:$0x2080] =	vst v8  }
0xe1: {  	v9 =	vld.idx.msk [tilespmem:v1+s9+$0x0], $0xffff;
	_ =	sdelay $0x4  }
0xe2: {  	v8 =	vadd.f32 v9, v8;
	_ =	sdelay $0x1  }
0xe3: {  	[tilespmem:$0x2080] =	vst v8  }
0xe4: {  	v9 =	vld.idx.msk [tilespmem:v2+s9+$0x0], $0xffff;
	_ =	sdelay $0x4  }
0xe5: {  	v8 =	vadd.f32 v9, v8;
	_ =	sdelay $0x1  }
0xe6: {  	[tilespmem:$0x2080] =	vst v8  }
0xe7: {  	v9 =	vld.idx.msk [tilespmem:v3+s9+$0x0], $0xffff;
	_ =	sdelay $0x4  }
0xe8: {  	v8 =	vadd.f32 v9, v8;
	_ =	sdelay $0x1  }
0xe9: {  	[tilespmem:$0x2080] =	vst v8  }
0xea: {  	v9 =	vld.idx.msk [tilespmem:v4+s9+$0x0], $0xffff;
	_ =	sdelay $0x4  }
0xeb: {  	v8 =	vadd.f32 v9, v8;
	_ =	sdelay $0x1  }
0xec: {  	s13 =	simm.s32 $0x0;
	vm15 =	vlt.f32 v8, $2.048000000e+03  }
0xed: {  	v9 =	vld [tilespmem:s13+$0x1000];
	v6 =	vsel vm15, v7, v6  }
0xee: {  	s12 =	simm.s32 $0x40;
	v8 =	vimm.f32 $0.0e+00;
	v7 =	vor.u32 $0x800000, v6  }
.LBB2_21:
0xef: {  	p0 =	sne.s32 s12, $0x3FC0  }
.Ltmp10:
0xf0: {  	_ = 	snop;
	(pc) =	sbr.rel @p0 .LBB2_21-.Ltmp10, $4  }
0xf1: {  	_ = 	snop  }
0xf2: {  	s13 =	sshra.s32 s12, $0x2;
	s12 =	sadd.s32 $0x40, s12;
	vm0 =	vlt.u32 v9, v7  }
0xf3: {  	v9 =	vld [tilespmem:s13+$0x1000];
	v10 =	vsel vm0, $0x3F800000, v0  }
0xf4: {  	v8 =	vadd.f32 v10, v8  }
0xf5: {  	_ =	sdelay $0x2  }
0xf6: {  	vm0 =	vlt.u32 v9, v7  }
0xf7: {  	v9 =	vsel vm0, $0x3F800000, v0  }
0xf8: {  	v8 =	vadd.f32 v9, v8;
	_ =	sdelay $0x1  }
0xf9: {  	[tilespmem:$0x2080] =	vst v8  }
0xfa: {  	v9 =	vld.idx.msk [tilespmem:v1+s9+$0x0], $0xffff;
	_ =	sdelay $0x4  }
0xfb: {  	v8 =	vadd.f32 v9, v8;
	_ =	sdelay $0x1  }
0xfc: {  	[tilespmem:$0x2080] =	vst v8  }
0xfd: {  	v9 =	vld.idx.msk [tilespmem:v2+s9+$0x0], $0xffff;
	_ =	sdelay $0x4  }
0xfe: {  	v8 =	vadd.f32 v9, v8;
	_ =	sdelay $0x1  }
0xff: {  	[tilespmem:$0x2080] =	vst v8  }
0x100: {  	v9 =	vld.idx.msk [tilespmem:v3+s9+$0x0], $0xffff;
	_ =	sdelay $0x4  }
0x101: {  	v8 =	vadd.f32 v9, v8;
	_ =	sdelay $0x1  }
0x102: {  	[tilespmem:$0x2080] =	vst v8  }
0x103: {  	v9 =	vld.idx.msk [tilespmem:v4+s9+$0x0], $0xffff;
	_ =	sdelay $0x4  }
0x104: {  	v8 =	vadd.f32 v9, v8;
	_ =	sdelay $0x1  }
0x105: {  	s13 =	simm.s32 $0x0;
	vm15 =	vlt.f32 v8, $2.048000000e+03  }
0x106: {  	v9 =	vld [tilespmem:s13+$0x1000];
	v6 =	vsel vm15, v7, v6  }
0x107: {  	s12 =	simm.s32 $0x40;
	v8 =	vimm.f32 $0.0e+00;
	v7 =	vor.u32 $0x400000, v6  }
.LBB2_23:
0x108: {  	p0 =	sne.s32 s12, $0x3FC0  }
.Ltmp11:
0x109: {  	_ = 	snop;
	(pc) =	sbr.rel @p0 .LBB2_23-.Ltmp11, $4  }
0x10a: {  	_ = 	snop  }
0x10b: {  	s13 =	sshra.s32 s12, $0x2;
	s12 =	sadd.s32 $0x40, s12;
	vm0 =	vlt.u32 v9, v7  }
0x10c: {  	v9 =	vld [tilespmem:s13+$0x1000];
	v10 =	vsel vm0, $0x3F800000, v0  }
0x10d: {  	v8 =	vadd.f32 v10, v8  }
0x10e: {  	_ =	sdelay $0x2  }
0x10f: {  	vm0 =	vlt.u32 v9, v7  }
0x110: {  	v9 =	vsel vm0, $0x3F800000, v0  }
0x111: {  	v8 =	vadd.f32 v9, v8;
	_ =	sdelay $0x1  }
0x112: {  	[tilespmem:$0x2080] =	vst v8  }
0x113: {  	v9 =	vld.idx.msk [tilespmem:v1+s9+$0x0], $0xffff;
	_ =	sdelay $0x4  }
0x114: {  	v8 =	vadd.f32 v9, v8;
	_ =	sdelay $0x1  }
0x115: {  	[tilespmem:$0x2080] =	vst v8  }
0x116: {  	v9 =	vld.idx.msk [tilespmem:v2+s9+$0x0], $0xffff;
	_ =	sdelay $0x4  }
0x117: {  	v8 =	vadd.f32 v9, v8;
	_ =	sdelay $0x1  }
0x118: {  	[tilespmem:$0x2080] =	vst v8  }
0x119: {  	v9 =	vld.idx.msk [tilespmem:v3+s9+$0x0], $0xffff;
	_ =	sdelay $0x4  }
0x11a: {  	v8 =	vadd.f32 v9, v8;
	_ =	sdelay $0x1  }
0x11b: {  	[tilespmem:$0x2080] =	vst v8  }
0x11c: {  	v9 =	vld.idx.msk [tilespmem:v4+s9+$0x0], $0xffff;
	_ =	sdelay $0x4  }
0x11d: {  	v8 =	vadd.f32 v9, v8;
	_ =	sdelay $0x1  }
0x11e: {  	s13 =	simm.s32 $0x0;
	vm15 =	vlt.f32 v8, $2.048000000e+03  }
0x11f: {  	v9 =	vld [tilespmem:s13+$0x1000];
	v6 =	vsel vm15, v7, v6  }
0x120: {  	s12 =	simm.s32 $0x40;
	v8 =	vimm.f32 $0.0e+00;
	v7 =	vor.u32 $0x200000, v6  }
.LBB2_25:
0x121: {  	p0 =	sne.s32 s12, $0x3FC0  }
.Ltmp12:
0x122: {  	_ = 	snop;
	(pc) =	sbr.rel @p0 .LBB2_25-.Ltmp12, $4  }
0x123: {  	_ = 	snop  }
0x124: {  	s13 =	sshra.s32 s12, $0x2;
	s12 =	sadd.s32 $0x40, s12;
	vm0 =	vlt.u32 v9, v7  }
0x125: {  	v9 =	vld [tilespmem:s13+$0x1000];
	v10 =	vsel vm0, $0x3F800000, v0  }
0x126: {  	v8 =	vadd.f32 v10, v8  }
0x127: {  	_ =	sdelay $0x2  }
0x128: {  	vm0 =	vlt.u32 v9, v7  }
0x129: {  	v9 =	vsel vm0, $0x3F800000, v0  }
0x12a: {  	v8 =	vadd.f32 v9, v8;
	_ =	sdelay $0x1  }
0x12b: {  	[tilespmem:$0x2080] =	vst v8  }
0x12c: {  	v9 =	vld.idx.msk [tilespmem:v1+s9+$0x0], $0xffff;
	_ =	sdelay $0x4  }
0x12d: {  	v8 =	vadd.f32 v9, v8;
	_ =	sdelay $0x1  }
0x12e: {  	[tilespmem:$0x2080] =	vst v8  }
0x12f: {  	v9 =	vld.idx.msk [tilespmem:v2+s9+$0x0], $0xffff;
	_ =	sdelay $0x4  }
0x130: {  	v8 =	vadd.f32 v9, v8;
	_ =	sdelay $0x1  }
0x131: {  	[tilespmem:$0x2080] =	vst v8  }
0x132: {  	v9 =	vld.idx.msk [tilespmem:v3+s9+$0x0], $0xffff;
	_ =	sdelay $0x4  }
0x133: {  	v8 =	vadd.f32 v9, v8;
	_ =	sdelay $0x1  }
0x134: {  	[tilespmem:$0x2080] =	vst v8  }
0x135: {  	v9 =	vld.idx.msk [tilespmem:v4+s9+$0x0], $0xffff;
	_ =	sdelay $0x4  }
0x136: {  	v8 =	vadd.f32 v9, v8;
	_ =	sdelay $0x1  }
0x137: {  	s13 =	simm.s32 $0x0;
	vm15 =	vlt.f32 v8, $2.048000000e+03  }
0x138: {  	v9 =	vld [tilespmem:s13+$0x1000];
	v6 =	vsel vm15, v7, v6  }
0x139: {  	s12 =	simm.s32 $0x40;
	v8 =	vimm.f32 $0.0e+00;
	v7 =	vor.u32 $0x100000, v6  }
.LBB2_27:
0x13a: {  	p0 =	sne.s32 s12, $0x3FC0  }
.Ltmp13:
0x13b: {  	_ = 	snop;
	(pc) =	sbr.rel @p0 .LBB2_27-.Ltmp13, $4  }
0x13c: {  	_ = 	snop  }
0x13d: {  	s13 =	sshra.s32 s12, $0x2;
	s12 =	sadd.s32 $0x40, s12;
	vm0 =	vlt.u32 v9, v7  }
0x13e: {  	v9 =	vld [tilespmem:s13+$0x1000];
	v10 =	vsel vm0, $0x3F800000, v0  }
0x13f: {  	v8 =	vadd.f32 v10, v8  }
0x140: {  	_ =	sdelay $0x2  }
0x141: {  	vm0 =	vlt.u32 v9, v7  }
0x142: {  	v9 =	vsel vm0, $0x3F800000, v0  }
0x143: {  	v8 =	vadd.f32 v9, v8;
	_ =	sdelay $0x1  }
0x144: {  	[tilespmem:$0x2080] =	vst v8  }
0x145: {  	v9 =	vld.idx.msk [tilespmem:v1+s9+$0x0], $0xffff;
	_ =	sdelay $0x4  }
0x146: {  	v8 =	vadd.f32 v9, v8;
	_ =	sdelay $0x1  }
0x147: {  	[tilespmem:$0x2080] =	vst v8  }
0x148: {  	v9 =	vld.idx.msk [tilespmem:v2+s9+$0x0], $0xffff;
	_ =	sdelay $0x4  }
0x149: {  	v8 =	vadd.f32 v9, v8;
	_ =	sdelay $0x1  }
0x14a: {  	[tilespmem:$0x2080] =	vst v8  }
0x14b: {  	v9 =	vld.idx.msk [tilespmem:v3+s9+$0x0], $0xffff;
	_ =	sdelay $0x4  }
0x14c: {  	v8 =	vadd.f32 v9, v8;
	_ =	sdelay $0x1  }
0x14d: {  	[tilespmem:$0x2080] =	vst v8  }
0x14e: {  	v9 =	vld.idx.msk [tilespmem:v4+s9+$0x0], $0xffff;
	_ =	sdelay $0x4  }
0x14f: {  	v8 =	vadd.f32 v9, v8;
	_ =	sdelay $0x1  }
0x150: {  	s13 =	simm.s32 $0x0;
	vm15 =	vlt.f32 v8, $2.048000000e+03  }
0x151: {  	v9 =	vld [tilespmem:s13+$0x1000];
	v6 =	vsel vm15, v7, v6  }
0x152: {  	s12 =	simm.s32 $0x40;
	v8 =	vimm.f32 $0.0e+00;
	v7 =	vor.u32 $0x80000, v6  }
.LBB2_29:
0x153: {  	p0 =	sne.s32 s12, $0x3FC0  }
.Ltmp14:
0x154: {  	_ = 	snop;
	(pc) =	sbr.rel @p0 .LBB2_29-.Ltmp14, $4  }
0x155: {  	_ = 	snop  }
0x156: {  	s13 =	sshra.s32 s12, $0x2;
	s12 =	sadd.s32 $0x40, s12;
	vm0 =	vlt.u32 v9, v7  }
0x157: {  	v9 =	vld [tilespmem:s13+$0x1000];
	v10 =	vsel vm0, $0x3F800000, v0  }
0x158: {  	v8 =	vadd.f32 v10, v8  }
0x159: {  	_ =	sdelay $0x2  }
0x15a: {  	vm0 =	vlt.u32 v9, v7  }
0x15b: {  	v9 =	vsel vm0, $0x3F800000, v0  }
0x15c: {  	v8 =	vadd.f32 v9, v8;
	_ =	sdelay $0x1  }
0x15d: {  	[tilespmem:$0x2080] =	vst v8  }
0x15e: {  	v9 =	vld.idx.msk [tilespmem:v1+s9+$0x0], $0xffff;
	_ =	sdelay $0x4  }
0x15f: {  	v8 =	vadd.f32 v9, v8;
	_ =	sdelay $0x1  }
0x160: {  	[tilespmem:$0x2080] =	vst v8  }
0x161: {  	v9 =	vld.idx.msk [tilespmem:v2+s9+$0x0], $0xffff;
	_ =	sdelay $0x4  }
0x162: {  	v8 =	vadd.f32 v9, v8;
	_ =	sdelay $0x1  }
0x163: {  	[tilespmem:$0x2080] =	vst v8  }
0x164: {  	v9 =	vld.idx.msk [tilespmem:v3+s9+$0x0], $0xffff;
	_ =	sdelay $0x4  }
0x165: {  	v8 =	vadd.f32 v9, v8;
	_ =	sdelay $0x1  }
0x166: {  	[tilespmem:$0x2080] =	vst v8  }
0x167: {  	v9 =	vld.idx.msk [tilespmem:v4+s9+$0x0], $0xffff;
	_ =	sdelay $0x4  }
0x168: {  	v8 =	vadd.f32 v9, v8;
	_ =	sdelay $0x1  }
0x169: {  	s13 =	simm.s32 $0x0;
	vm15 =	vlt.f32 v8, $2.048000000e+03  }
0x16a: {  	v9 =	vld [tilespmem:s13+$0x1000];
	v6 =	vsel vm15, v7, v6  }
0x16b: {  	s12 =	simm.s32 $0x40;
	v8 =	vimm.f32 $0.0e+00;
	v7 =	vor.u32 $0x40000, v6  }
.LBB2_31:
0x16c: {  	p0 =	sne.s32 s12, $0x3FC0  }
.Ltmp15:
0x16d: {  	_ = 	snop;
	(pc) =	sbr.rel @p0 .LBB2_31-.Ltmp15, $4  }
0x16e: {  	_ = 	snop  }
0x16f: {  	s13 =	sshra.s32 s12, $0x2;
	s12 =	sadd.s32 $0x40, s12;
	vm0 =	vlt.u32 v9, v7  }
0x170: {  	v9 =	vld [tilespmem:s13+$0x1000];
	v10 =	vsel vm0, $0x3F800000, v0  }
0x171: {  	v8 =	vadd.f32 v10, v8  }
0x172: {  	_ =	sdelay $0x2  }
0x173: {  	vm0 =	vlt.u32 v9, v7  }
0x174: {  	v9 =	vsel vm0, $0x3F800000, v0  }
0x175: {  	v8 =	vadd.f32 v9, v8;
	_ =	sdelay $0x1  }
0x176: {  	[tilespmem:$0x2080] =	vst v8  }
0x177: {  	v9 =	vld.idx.msk [tilespmem:v1+s9+$0x0], $0xffff;
	_ =	sdelay $0x4  }
0x178: {  	v8 =	vadd.f32 v9, v8;
	_ =	sdelay $0x1  }
0x179: {  	[tilespmem:$0x2080] =	vst v8  }
0x17a: {  	v9 =	vld.idx.msk [tilespmem:v2+s9+$0x0], $0xffff;
	_ =	sdelay $0x4  }
0x17b: {  	v8 =	vadd.f32 v9, v8;
	_ =	sdelay $0x1  }
0x17c: {  	[tilespmem:$0x2080] =	vst v8  }
0x17d: {  	v9 =	vld.idx.msk [tilespmem:v3+s9+$0x0], $0xffff;
	_ =	sdelay $0x4  }
0x17e: {  	v8 =	vadd.f32 v9, v8;
	_ =	sdelay $0x1  }
0x17f: {  	[tilespmem:$0x2080] =	vst v8  }
0x180: {  	v9 =	vld.idx.msk [tilespmem:v4+s9+$0x0], $0xffff;
	_ =	sdelay $0x4  }
0x181: {  	v8 =	vadd.f32 v9, v8;
	_ =	sdelay $0x1  }
0x182: {  	s13 =	simm.s32 $0x0;
	vm15 =	vlt.f32 v8, $2.048000000e+03  }
0x183: {  	v9 =	vld [tilespmem:s13+$0x1000];
	v6 =	vsel vm15, v7, v6  }
0x184: {  	s12 =	simm.s32 $0x40;
	v8 =	vimm.f32 $0.0e+00;
	v7 =	vor.u32 $0x20000, v6  }
.LBB2_33:
0x185: {  	p0 =	sne.s32 s12, $0x3FC0  }
.Ltmp16:
0x186: {  	_ = 	snop;
	(pc) =	sbr.rel @p0 .LBB2_33-.Ltmp16, $4  }
0x187: {  	_ = 	snop  }
0x188: {  	s13 =	sshra.s32 s12, $0x2;
	s12 =	sadd.s32 $0x40, s12;
	vm0 =	vlt.u32 v9, v7  }
0x189: {  	v9 =	vld [tilespmem:s13+$0x1000];
	v10 =	vsel vm0, $0x3F800000, v0  }
0x18a: {  	v8 =	vadd.f32 v10, v8  }
0x18b: {  	_ =	sdelay $0x2  }
0x18c: {  	vm0 =	vlt.u32 v9, v7  }
0x18d: {  	v9 =	vsel vm0, $0x3F800000, v0  }
0x18e: {  	v8 =	vadd.f32 v9, v8;
	_ =	sdelay $0x1  }
0x18f: {  	[tilespmem:$0x2080] =	vst v8  }
0x190: {  	v9 =	vld.idx.msk [tilespmem:v1+s9+$0x0], $0xffff;
	_ =	sdelay $0x4  }
0x191: {  	v8 =	vadd.f32 v9, v8;
	_ =	sdelay $0x1  }
0x192: {  	[tilespmem:$0x2080] =	vst v8  }
0x193: {  	v9 =	vld.idx.msk [tilespmem:v2+s9+$0x0], $0xffff;
	_ =	sdelay $0x4  }
0x194: {  	v8 =	vadd.f32 v9, v8;
	_ =	sdelay $0x1  }
0x195: {  	[tilespmem:$0x2080] =	vst v8  }
0x196: {  	v9 =	vld.idx.msk [tilespmem:v3+s9+$0x0], $0xffff;
	_ =	sdelay $0x4  }
0x197: {  	v8 =	vadd.f32 v9, v8;
	_ =	sdelay $0x1  }
0x198: {  	[tilespmem:$0x2080] =	vst v8  }
0x199: {  	v9 =	vld.idx.msk [tilespmem:v4+s9+$0x0], $0xffff;
	_ =	sdelay $0x4  }
0x19a: {  	v8 =	vadd.f32 v9, v8;
	_ =	sdelay $0x1  }
0x19b: {  	s13 =	simm.s32 $0x0;
	vm15 =	vlt.f32 v8, $2.048000000e+03  }
0x19c: {  	v9 =	vld [tilespmem:s13+$0x1000];
	v6 =	vsel vm15, v7, v6  }
0x19d: {  	s12 =	simm.s32 $0x40;
	v8 =	vimm.f32 $0.0e+00;
	v7 =	vor.u32 $0x10000, v6  }
.LBB2_35:
0x19e: {  	p0 =	sne.s32 s12, $0x3FC0  }
.Ltmp17:
0x19f: {  	_ = 	snop;
	(pc) =	sbr.rel @p0 .LBB2_35-.Ltmp17, $4  }
0x1a0: {  	_ = 	snop  }
0x1a1: {  	s13 =	sshra.s32 s12, $0x2;
	s12 =	sadd.s32 $0x40, s12;
	vm0 =	vlt.u32 v9, v7  }
0x1a2: {  	v9 =	vld [tilespmem:s13+$0x1000];
	v10 =	vsel vm0, $0x3F800000, v0  }
0x1a3: {  	v8 =	vadd.f32 v10, v8  }
0x1a4: {  	_ =	sdelay $0x2  }
0x1a5: {  	vm0 =	vlt.u32 v9, v7  }
0x1a6: {  	v9 =	vsel vm0, $0x3F800000, v0  }
0x1a7: {  	v8 =	vadd.f32 v9, v8;
	_ =	sdelay $0x1  }
0x1a8: {  	[tilespmem:$0x2080] =	vst v8  }
0x1a9: {  	v9 =	vld.idx.msk [tilespmem:v1+s9+$0x0], $0xffff;
	_ =	sdelay $0x4  }
0x1aa: {  	v8 =	vadd.f32 v9, v8;
	_ =	sdelay $0x1  }
0x1ab: {  	[tilespmem:$0x2080] =	vst v8  }
0x1ac: {  	v9 =	vld.idx.msk [tilespmem:v2+s9+$0x0], $0xffff;
	_ =	sdelay $0x4  }
0x1ad: {  	v8 =	vadd.f32 v9, v8;
	_ =	sdelay $0x1  }
0x1ae: {  	[tilespmem:$0x2080] =	vst v8  }
0x1af: {  	v9 =	vld.idx.msk [tilespmem:v3+s9+$0x0], $0xffff;
	_ =	sdelay $0x4  }
0x1b0: {  	v8 =	vadd.f32 v9, v8;
	_ =	sdelay $0x1  }
0x1b1: {  	[tilespmem:$0x2080] =	vst v8  }
0x1b2: {  	v9 =	vld.idx.msk [tilespmem:v4+s9+$0x0], $0xffff;
	_ =	sdelay $0x4  }
0x1b3: {  	v8 =	vadd.f32 v9, v8;
	_ =	sdelay $0x1  }
0x1b4: {  	s13 =	simm.s32 $0x0;
	vm15 =	vlt.f32 v8, $2.048000000e+03  }
0x1b5: {  	v9 =	vld [tilespmem:s13+$0x1000];
	v6 =	vsel vm15, v7, v6  }
0x1b6: {  	s12 =	simm.s32 $0x40;
	v8 =	vimm.f32 $0.0e+00;
	v7 =	vor.u32 $0x8000, v6  }
.LBB2_37:
0x1b7: {  	p0 =	sne.s32 s12, $0x3FC0  }
.Ltmp18:
0x1b8: {  	_ = 	snop;
	(pc) =	sbr.rel @p0 .LBB2_37-.Ltmp18, $4  }
0x1b9: {  	_ = 	snop  }
0x1ba: {  	s13 =	sshra.s32 s12, $0x2;
	s12 =	sadd.s32 $0x40, s12;
	vm0 =	vlt.u32 v9, v7  }
0x1bb: {  	v9 =	vld [tilespmem:s13+$0x1000];
	v10 =	vsel vm0, $0x3F800000, v0  }
0x1bc: {  	v8 =	vadd.f32 v10, v8  }
0x1bd: {  	_ =	sdelay $0x2  }
0x1be: {  	vm0 =	vlt.u32 v9, v7  }
0x1bf: {  	v9 =	vsel vm0, $0x3F800000, v0  }
0x1c0: {  	v8 =	vadd.f32 v9, v8;
	_ =	sdelay $0x1  }
0x1c1: {  	[tilespmem:$0x2080] =	vst v8  }
0x1c2: {  	v9 =	vld.idx.msk [tilespmem:v1+s9+$0x0], $0xffff;
	_ =	sdelay $0x4  }
0x1c3: {  	v8 =	vadd.f32 v9, v8;
	_ =	sdelay $0x1  }
0x1c4: {  	[tilespmem:$0x2080] =	vst v8  }
0x1c5: {  	v9 =	vld.idx.msk [tilespmem:v2+s9+$0x0], $0xffff;
	_ =	sdelay $0x4  }
0x1c6: {  	v8 =	vadd.f32 v9, v8;
	_ =	sdelay $0x1  }
0x1c7: {  	[tilespmem:$0x2080] =	vst v8  }
0x1c8: {  	v9 =	vld.idx.msk [tilespmem:v3+s9+$0x0], $0xffff;
	_ =	sdelay $0x4  }
0x1c9: {  	v8 =	vadd.f32 v9, v8;
	_ =	sdelay $0x1  }
0x1ca: {  	[tilespmem:$0x2080] =	vst v8  }
0x1cb: {  	v9 =	vld.idx.msk [tilespmem:v4+s9+$0x0], $0xffff;
	_ =	sdelay $0x4  }
0x1cc: {  	v8 =	vadd.f32 v9, v8;
	_ =	sdelay $0x1  }
0x1cd: {  	s13 =	simm.s32 $0x0;
	vm15 =	vlt.f32 v8, $2.048000000e+03  }
0x1ce: {  	v9 =	vld [tilespmem:s13+$0x1000];
	v6 =	vsel vm15, v7, v6  }
0x1cf: {  	s12 =	simm.s32 $0x40;
	v8 =	vimm.f32 $0.0e+00;
	v7 =	vor.u32 $0x4000, v6  }
.LBB2_39:
0x1d0: {  	p0 =	sne.s32 s12, $0x3FC0  }
.Ltmp19:
0x1d1: {  	_ = 	snop;
	(pc) =	sbr.rel @p0 .LBB2_39-.Ltmp19, $4  }
0x1d2: {  	_ = 	snop  }
0x1d3: {  	s13 =	sshra.s32 s12, $0x2;
	s12 =	sadd.s32 $0x40, s12;
	vm0 =	vlt.u32 v9, v7  }
0x1d4: {  	v9 =	vld [tilespmem:s13+$0x1000];
	v10 =	vsel vm0, $0x3F800000, v0  }
0x1d5: {  	v8 =	vadd.f32 v10, v8  }
0x1d6: {  	_ =	sdelay $0x2  }
0x1d7: {  	vm0 =	vlt.u32 v9, v7  }
0x1d8: {  	v9 =	vsel vm0, $0x3F800000, v0  }
0x1d9: {  	v8 =	vadd.f32 v9, v8;
	_ =	sdelay $0x1  }
0x1da: {  	[tilespmem:$0x2080] =	vst v8  }
0x1db: {  	v9 =	vld.idx.msk [tilespmem:v1+s9+$0x0], $0xffff;
	_ =	sdelay $0x4  }
0x1dc: {  	v8 =	vadd.f32 v9, v8;
	_ =	sdelay $0x1  }
0x1dd: {  	[tilespmem:$0x2080] =	vst v8  }
0x1de: {  	v9 =	vld.idx.msk [tilespmem:v2+s9+$0x0], $0xffff;
	_ =	sdelay $0x4  }
0x1df: {  	v8 =	vadd.f32 v9, v8;
	_ =	sdelay $0x1  }
0x1e0: {  	[tilespmem:$0x2080] =	vst v8  }
0x1e1: {  	v9 =	vld.idx.msk [tilespmem:v3+s9+$0x0], $0xffff;
	_ =	sdelay $0x4  }
0x1e2: {  	v8 =	vadd.f32 v9, v8;
	_ =	sdelay $0x1  }
0x1e3: {  	[tilespmem:$0x2080] =	vst v8  }
0x1e4: {  	v9 =	vld.idx.msk [tilespmem:v4+s9+$0x0], $0xffff;
	_ =	sdelay $0x4  }
0x1e5: {  	v8 =	vadd.f32 v9, v8;
	_ =	sdelay $0x1  }
0x1e6: {  	s13 =	simm.s32 $0x0;
	vm15 =	vlt.f32 v8, $2.048000000e+03  }
0x1e7: {  	v9 =	vld [tilespmem:s13+$0x1000];
	v6 =	vsel vm15, v7, v6  }
0x1e8: {  	s12 =	simm.s32 $0x40;
	v8 =	vimm.f32 $0.0e+00;
	v7 =	vor.u32 $0x2000, v6  }
.LBB2_41:
0x1e9: {  	p0 =	sne.s32 s12, $0x3FC0  }
.Ltmp20:
0x1ea: {  	_ = 	snop;
	(pc) =	sbr.rel @p0 .LBB2_41-.Ltmp20, $4  }
0x1eb: {  	_ = 	snop  }
0x1ec: {  	s13 =	sshra.s32 s12, $0x2;
	s12 =	sadd.s32 $0x40, s12;
	vm0 =	vlt.u32 v9, v7  }
0x1ed: {  	v9 =	vld [tilespmem:s13+$0x1000];
	v10 =	vsel vm0, $0x3F800000, v0  }
0x1ee: {  	v8 =	vadd.f32 v10, v8  }
0x1ef: {  	_ =	sdelay $0x2  }
0x1f0: {  	vm0 =	vlt.u32 v9, v7  }
0x1f1: {  	v9 =	vsel vm0, $0x3F800000, v0  }
0x1f2: {  	v8 =	vadd.f32 v9, v8;
	_ =	sdelay $0x1  }
0x1f3: {  	[tilespmem:$0x2080] =	vst v8  }
0x1f4: {  	v9 =	vld.idx.msk [tilespmem:v1+s9+$0x0], $0xffff;
	_ =	sdelay $0x4  }
0x1f5: {  	v8 =	vadd.f32 v9, v8;
	_ =	sdelay $0x1  }
0x1f6: {  	[tilespmem:$0x2080] =	vst v8  }
0x1f7: {  	v9 =	vld.idx.msk [tilespmem:v2+s9+$0x0], $0xffff;
	_ =	sdelay $0x4  }
0x1f8: {  	v8 =	vadd.f32 v9, v8;
	_ =	sdelay $0x1  }
0x1f9: {  	[tilespmem:$0x2080] =	vst v8  }
0x1fa: {  	v9 =	vld.idx.msk [tilespmem:v3+s9+$0x0], $0xffff;
	_ =	sdelay $0x4  }
0x1fb: {  	v8 =	vadd.f32 v9, v8;
	_ =	sdelay $0x1  }
0x1fc: {  	[tilespmem:$0x2080] =	vst v8  }
0x1fd: {  	v9 =	vld.idx.msk [tilespmem:v4+s9+$0x0], $0xffff;
	_ =	sdelay $0x4  }
0x1fe: {  	v8 =	vadd.f32 v9, v8;
	_ =	sdelay $0x1  }
0x1ff: {  	s13 =	simm.s32 $0x0;
	vm15 =	vlt.f32 v8, $2.048000000e+03  }
0x200: {  	v9 =	vld [tilespmem:s13+$0x1000];
	v6 =	vsel vm15, v7, v6  }
0x201: {  	s12 =	simm.s32 $0x40;
	v8 =	vimm.f32 $0.0e+00;
	v7 =	vor.u32 $0x1000, v6  }
.LBB2_43:
0x202: {  	p0 =	sne.s32 s12, $0x3FC0  }
.Ltmp21:
0x203: {  	_ = 	snop;
	(pc) =	sbr.rel @p0 .LBB2_43-.Ltmp21, $4  }
0x204: {  	_ = 	snop  }
0x205: {  	s13 =	sshra.s32 s12, $0x2;
	s12 =	sadd.s32 $0x40, s12;
	vm0 =	vlt.u32 v9, v7  }
0x206: {  	v9 =	vld [tilespmem:s13+$0x1000];
	v10 =	vsel vm0, $0x3F800000, v0  }
0x207: {  	v8 =	vadd.f32 v10, v8  }
0x208: {  	_ =	sdelay $0x2  }
0x209: {  	vm0 =	vlt.u32 v9, v7  }
0x20a: {  	v9 =	vsel vm0, $0x3F800000, v0  }
0x20b: {  	v8 =	vadd.f32 v9, v8;
	_ =	sdelay $0x1  }
0x20c: {  	[tilespmem:$0x2080] =	vst v8  }
0x20d: {  	v9 =	vld.idx.msk [tilespmem:v1+s9+$0x0], $0xffff;
	_ =	sdelay $0x4  }
0x20e: {  	v8 =	vadd.f32 v9, v8;
	_ =	sdelay $0x1  }
0x20f: {  	[tilespmem:$0x2080] =	vst v8  }
0x210: {  	v9 =	vld.idx.msk [tilespmem:v2+s9+$0x0], $0xffff;
	_ =	sdelay $0x4  }
0x211: {  	v8 =	vadd.f32 v9, v8;
	_ =	sdelay $0x1  }
0x212: {  	[tilespmem:$0x2080] =	vst v8  }
0x213: {  	v9 =	vld.idx.msk [tilespmem:v3+s9+$0x0], $0xffff;
	_ =	sdelay $0x4  }
0x214: {  	v8 =	vadd.f32 v9, v8;
	_ =	sdelay $0x1  }
0x215: {  	[tilespmem:$0x2080] =	vst v8  }
0x216: {  	v9 =	vld.idx.msk [tilespmem:v4+s9+$0x0], $0xffff;
	_ =	sdelay $0x4  }
0x217: {  	v8 =	vadd.f32 v9, v8;
	_ =	sdelay $0x1  }
0x218: {  	s13 =	simm.s32 $0x0;
	vm15 =	vlt.f32 v8, $2.048000000e+03  }
0x219: {  	v9 =	vld [tilespmem:s13+$0x1000];
	v6 =	vsel vm15, v7, v6  }
0x21a: {  	s12 =	simm.s32 $0x40;
	v8 =	vimm.f32 $0.0e+00;
	v7 =	vor.u32 $0x800, v6  }
.LBB2_45:
0x21b: {  	p0 =	sne.s32 s12, $0x3FC0  }
.Ltmp22:
0x21c: {  	_ = 	snop;
	(pc) =	sbr.rel @p0 .LBB2_45-.Ltmp22, $4  }
0x21d: {  	_ = 	snop  }
0x21e: {  	s13 =	sshra.s32 s12, $0x2;
	s12 =	sadd.s32 $0x40, s12;
	vm0 =	vlt.u32 v9, v7  }
0x21f: {  	v9 =	vld [tilespmem:s13+$0x1000];
	v10 =	vsel vm0, $0x3F800000, v0  }
0x220: {  	v8 =	vadd.f32 v10, v8  }
0x221: {  	_ =	sdelay $0x2  }
0x222: {  	vm0 =	vlt.u32 v9, v7  }
0x223: {  	v9 =	vsel vm0, $0x3F800000, v0  }
0x224: {  	v8 =	vadd.f32 v9, v8;
	_ =	sdelay $0x1  }
0x225: {  	[tilespmem:$0x2080] =	vst v8  }
0x226: {  	v9 =	vld.idx.msk [tilespmem:v1+s9+$0x0], $0xffff;
	_ =	sdelay $0x4  }
0x227: {  	v8 =	vadd.f32 v9, v8;
	_ =	sdelay $0x1  }
0x228: {  	[tilespmem:$0x2080] =	vst v8  }
0x229: {  	v9 =	vld.idx.msk [tilespmem:v2+s9+$0x0], $0xffff;
	_ =	sdelay $0x4  }
0x22a: {  	v8 =	vadd.f32 v9, v8;
	_ =	sdelay $0x1  }
0x22b: {  	[tilespmem:$0x2080] =	vst v8  }
0x22c: {  	v9 =	vld.idx.msk [tilespmem:v3+s9+$0x0], $0xffff;
	_ =	sdelay $0x4  }
0x22d: {  	v8 =	vadd.f32 v9, v8;
	_ =	sdelay $0x1  }
0x22e: {  	[tilespmem:$0x2080] =	vst v8  }
0x22f: {  	v9 =	vld.idx.msk [tilespmem:v4+s9+$0x0], $0xffff;
	_ =	sdelay $0x4  }
0x230: {  	v8 =	vadd.f32 v9, v8;
	_ =	sdelay $0x1  }
0x231: {  	s13 =	simm.s32 $0x0;
	vm15 =	vlt.f32 v8, $2.048000000e+03  }
0x232: {  	v9 =	vld [tilespmem:s13+$0x1000];
	v6 =	vsel vm15, v7, v6  }
0x233: {  	s12 =	simm.s32 $0x40;
	v8 =	vimm.f32 $0.0e+00;
	v7 =	vor.u32 $0x400, v6  }
.LBB2_47:
0x234: {  	p0 =	sne.s32 s12, $0x3FC0  }
.Ltmp23:
0x235: {  	_ = 	snop;
	(pc) =	sbr.rel @p0 .LBB2_47-.Ltmp23, $4  }
0x236: {  	_ = 	snop  }
0x237: {  	s13 =	sshra.s32 s12, $0x2;
	s12 =	sadd.s32 $0x40, s12;
	vm0 =	vlt.u32 v9, v7  }
0x238: {  	v9 =	vld [tilespmem:s13+$0x1000];
	v10 =	vsel vm0, $0x3F800000, v0  }
0x239: {  	v8 =	vadd.f32 v10, v8  }
0x23a: {  	_ =	sdelay $0x2  }
0x23b: {  	vm0 =	vlt.u32 v9, v7  }
0x23c: {  	v9 =	vsel vm0, $0x3F800000, v0  }
0x23d: {  	v8 =	vadd.f32 v9, v8;
	_ =	sdelay $0x1  }
0x23e: {  	[tilespmem:$0x2080] =	vst v8  }
0x23f: {  	v9 =	vld.idx.msk [tilespmem:v1+s9+$0x0], $0xffff;
	_ =	sdelay $0x4  }
0x240: {  	v8 =	vadd.f32 v9, v8;
	_ =	sdelay $0x1  }
0x241: {  	[tilespmem:$0x2080] =	vst v8  }
0x242: {  	v9 =	vld.idx.msk [tilespmem:v2+s9+$0x0], $0xffff;
	_ =	sdelay $0x4  }
0x243: {  	v8 =	vadd.f32 v9, v8;
	_ =	sdelay $0x1  }
0x244: {  	[tilespmem:$0x2080] =	vst v8  }
0x245: {  	v9 =	vld.idx.msk [tilespmem:v3+s9+$0x0], $0xffff;
	_ =	sdelay $0x4  }
0x246: {  	v8 =	vadd.f32 v9, v8;
	_ =	sdelay $0x1  }
0x247: {  	[tilespmem:$0x2080] =	vst v8  }
0x248: {  	v9 =	vld.idx.msk [tilespmem:v4+s9+$0x0], $0xffff;
	_ =	sdelay $0x4  }
0x249: {  	v8 =	vadd.f32 v9, v8;
	_ =	sdelay $0x1  }
0x24a: {  	s13 =	simm.s32 $0x0;
	vm15 =	vlt.f32 v8, $2.048000000e+03  }
0x24b: {  	v9 =	vld [tilespmem:s13+$0x1000];
	v6 =	vsel vm15, v7, v6  }
0x24c: {  	s12 =	simm.s32 $0x40;
	v8 =	vimm.f32 $0.0e+00;
	v7 =	vor.u32 $0x200, v6  }
.LBB2_49:
0x24d: {  	p0 =	sne.s32 s12, $0x3FC0  }
.Ltmp24:
0x24e: {  	_ = 	snop;
	(pc) =	sbr.rel @p0 .LBB2_49-.Ltmp24, $4  }
0x24f: {  	_ = 	snop  }
0x250: {  	s13 =	sshra.s32 s12, $0x2;
	s12 =	sadd.s32 $0x40, s12;
	vm0 =	vlt.u32 v9, v7  }
0x251: {  	v9 =	vld [tilespmem:s13+$0x1000];
	v10 =	vsel vm0, $0x3F800000, v0  }
0x252: {  	v8 =	vadd.f32 v10, v8  }
0x253: {  	_ =	sdelay $0x2  }
0x254: {  	vm0 =	vlt.u32 v9, v7  }
0x255: {  	v9 =	vsel vm0, $0x3F800000, v0  }
0x256: {  	v8 =	vadd.f32 v9, v8;
	_ =	sdelay $0x1  }
0x257: {  	[tilespmem:$0x2080] =	vst v8  }
0x258: {  	v9 =	vld.idx.msk [tilespmem:v1+s9+$0x0], $0xffff;
	_ =	sdelay $0x4  }
0x259: {  	v8 =	vadd.f32 v9, v8;
	_ =	sdelay $0x1  }
0x25a: {  	[tilespmem:$0x2080] =	vst v8  }
0x25b: {  	v9 =	vld.idx.msk [tilespmem:v2+s9+$0x0], $0xffff;
	_ =	sdelay $0x4  }
0x25c: {  	v8 =	vadd.f32 v9, v8;
	_ =	sdelay $0x1  }
0x25d: {  	[tilespmem:$0x2080] =	vst v8  }
0x25e: {  	v9 =	vld.idx.msk [tilespmem:v3+s9+$0x0], $0xffff;
	_ =	sdelay $0x4  }
0x25f: {  	v8 =	vadd.f32 v9, v8;
	_ =	sdelay $0x1  }
0x260: {  	[tilespmem:$0x2080] =	vst v8  }
0x261: {  	v9 =	vld.idx.msk [tilespmem:v4+s9+$0x0], $0xffff;
	_ =	sdelay $0x4  }
0x262: {  	v8 =	vadd.f32 v9, v8;
	_ =	sdelay $0x1  }
0x263: {  	s13 =	simm.s32 $0x0;
	vm15 =	vlt.f32 v8, $2.048000000e+03  }
0x264: {  	v9 =	vld [tilespmem:s13+$0x1000];
	v6 =	vsel vm15, v7, v6  }
0x265: {  	s12 =	simm.s32 $0x40;
	v8 =	vimm.f32 $0.0e+00;
	v7 =	vor.u32 $0x100, v6  }
.LBB2_51:
0x266: {  	p0 =	sne.s32 s12, $0x3FC0  }
.Ltmp25:
0x267: {  	_ = 	snop;
	(pc) =	sbr.rel @p0 .LBB2_51-.Ltmp25, $4  }
0x268: {  	_ = 	snop  }
0x269: {  	s13 =	sshra.s32 s12, $0x2;
	s12 =	sadd.s32 $0x40, s12;
	vm0 =	vlt.u32 v9, v7  }
0x26a: {  	v9 =	vld [tilespmem:s13+$0x1000];
	v10 =	vsel vm0, $0x3F800000, v0  }
0x26b: {  	v8 =	vadd.f32 v10, v8  }
0x26c: {  	_ =	sdelay $0x2  }
0x26d: {  	vm0 =	vlt.u32 v9, v7  }
0x26e: {  	v9 =	vsel vm0, $0x3F800000, v0  }
0x26f: {  	v8 =	vadd.f32 v9, v8;
	_ =	sdelay $0x1  }
0x270: {  	[tilespmem:$0x2080] =	vst v8  }
0x271: {  	v9 =	vld.idx.msk [tilespmem:v1+s9+$0x0], $0xffff;
	_ =	sdelay $0x4  }
0x272: {  	v8 =	vadd.f32 v9, v8;
	_ =	sdelay $0x1  }
0x273: {  	[tilespmem:$0x2080] =	vst v8  }
0x274: {  	v9 =	vld.idx.msk [tilespmem:v2+s9+$0x0], $0xffff;
	_ =	sdelay $0x4  }
0x275: {  	v8 =	vadd.f32 v9, v8;
	_ =	sdelay $0x1  }
0x276: {  	[tilespmem:$0x2080] =	vst v8  }
0x277: {  	v9 =	vld.idx.msk [tilespmem:v3+s9+$0x0], $0xffff;
	_ =	sdelay $0x4  }
0x278: {  	v8 =	vadd.f32 v9, v8;
	_ =	sdelay $0x1  }
0x279: {  	[tilespmem:$0x2080] =	vst v8  }
0x27a: {  	v9 =	vld.idx.msk [tilespmem:v4+s9+$0x0], $0xffff;
	_ =	sdelay $0x4  }
0x27b: {  	v8 =	vadd.f32 v9, v8;
	_ =	sdelay $0x1  }
0x27c: {  	s13 =	simm.s32 $0x0;
	vm15 =	vlt.f32 v8, $2.048000000e+03  }
0x27d: {  	v9 =	vld [tilespmem:s13+$0x1000];
	v6 =	vsel vm15, v7, v6  }
0x27e: {  	s12 =	simm.s32 $0x40;
	v8 =	vimm.f32 $0.0e+00;
	v7 =	vor.u32 $0x80, v6  }
.LBB2_53:
0x27f: {  	p0 =	sne.s32 s12, $0x3FC0  }
.Ltmp26:
0x280: {  	_ = 	snop;
	(pc) =	sbr.rel @p0 .LBB2_53-.Ltmp26, $4  }
0x281: {  	_ = 	snop  }
0x282: {  	s13 =	sshra.s32 s12, $0x2;
	s12 =	sadd.s32 $0x40, s12;
	vm0 =	vlt.u32 v9, v7  }
0x283: {  	v9 =	vld [tilespmem:s13+$0x1000];
	v10 =	vsel vm0, $0x3F800000, v0  }
0x284: {  	v8 =	vadd.f32 v10, v8  }
0x285: {  	_ =	sdelay $0x2  }
0x286: {  	vm0 =	vlt.u32 v9, v7  }
0x287: {  	v9 =	vsel vm0, $0x3F800000, v0  }
0x288: {  	v8 =	vadd.f32 v9, v8;
	_ =	sdelay $0x1  }
0x289: {  	[tilespmem:$0x2080] =	vst v8  }
0x28a: {  	v9 =	vld.idx.msk [tilespmem:v1+s9+$0x0], $0xffff;
	_ =	sdelay $0x4  }
0x28b: {  	v8 =	vadd.f32 v9, v8;
	_ =	sdelay $0x1  }
0x28c: {  	[tilespmem:$0x2080] =	vst v8  }
0x28d: {  	v9 =	vld.idx.msk [tilespmem:v2+s9+$0x0], $0xffff;
	_ =	sdelay $0x4  }
0x28e: {  	v8 =	vadd.f32 v9, v8;
	_ =	sdelay $0x1  }
0x28f: {  	[tilespmem:$0x2080] =	vst v8  }
0x290: {  	v9 =	vld.idx.msk [tilespmem:v3+s9+$0x0], $0xffff;
	_ =	sdelay $0x4  }
0x291: {  	v8 =	vadd.f32 v9, v8;
	_ =	sdelay $0x1  }
0x292: {  	[tilespmem:$0x2080] =	vst v8  }
0x293: {  	v9 =	vld.idx.msk [tilespmem:v4+s9+$0x0], $0xffff;
	_ =	sdelay $0x4  }
0x294: {  	v8 =	vadd.f32 v9, v8;
	_ =	sdelay $0x1  }
0x295: {  	s13 =	simm.s32 $0x0;
	vm15 =	vlt.f32 v8, $2.048000000e+03  }
0x296: {  	v9 =	vld [tilespmem:s13+$0x1000];
	v6 =	vsel vm15, v7, v6  }
0x297: {  	s12 =	simm.s32 $0x40;
	v8 =	vimm.f32 $0.0e+00;
	v7 =	vor.u32 $0x40, v6  }
.LBB2_55:
0x298: {  	p0 =	sne.s32 s12, $0x3FC0  }
.Ltmp27:
0x299: {  	_ = 	snop;
	(pc) =	sbr.rel @p0 .LBB2_55-.Ltmp27, $4  }
0x29a: {  	_ = 	snop  }
0x29b: {  	s13 =	sshra.s32 s12, $0x2;
	s12 =	sadd.s32 $0x40, s12;
	vm0 =	vlt.u32 v9, v7  }
0x29c: {  	v9 =	vld [tilespmem:s13+$0x1000];
	v10 =	vsel vm0, $0x3F800000, v0  }
0x29d: {  	v8 =	vadd.f32 v10, v8  }
0x29e: {  	_ =	sdelay $0x2  }
0x29f: {  	vm0 =	vlt.u32 v9, v7  }
0x2a0: {  	v9 =	vsel vm0, $0x3F800000, v0  }
0x2a1: {  	v8 =	vadd.f32 v9, v8;
	_ =	sdelay $0x1  }
0x2a2: {  	[tilespmem:$0x2080] =	vst v8  }
0x2a3: {  	v9 =	vld.idx.msk [tilespmem:v1+s9+$0x0], $0xffff;
	_ =	sdelay $0x4  }
0x2a4: {  	v8 =	vadd.f32 v9, v8;
	_ =	sdelay $0x1  }
0x2a5: {  	[tilespmem:$0x2080] =	vst v8  }
0x2a6: {  	v9 =	vld.idx.msk [tilespmem:v2+s9+$0x0], $0xffff;
	_ =	sdelay $0x4  }
0x2a7: {  	v8 =	vadd.f32 v9, v8;
	_ =	sdelay $0x1  }
0x2a8: {  	[tilespmem:$0x2080] =	vst v8  }
0x2a9: {  	v9 =	vld.idx.msk [tilespmem:v3+s9+$0x0], $0xffff;
	_ =	sdelay $0x4  }
0x2aa: {  	v8 =	vadd.f32 v9, v8;
	_ =	sdelay $0x1  }
0x2ab: {  	[tilespmem:$0x2080] =	vst v8  }
0x2ac: {  	v9 =	vld.idx.msk [tilespmem:v4+s9+$0x0], $0xffff;
	_ =	sdelay $0x4  }
0x2ad: {  	v8 =	vadd.f32 v9, v8;
	_ =	sdelay $0x1  }
0x2ae: {  	s13 =	simm.s32 $0x0;
	vm15 =	vlt.f32 v8, $2.048000000e+03  }
0x2af: {  	v9 =	vld [tilespmem:s13+$0x1000];
	v6 =	vsel vm15, v7, v6  }
0x2b0: {  	s12 =	simm.s32 $0x40;
	v8 =	vimm.f32 $0.0e+00;
	v7 =	vor.u32 $0x20, v6  }
.LBB2_57:
0x2b1: {  	p0 =	sne.s32 s12, $0x3FC0  }
.Ltmp28:
0x2b2: {  	_ = 	snop;
	(pc) =	sbr.rel @p0 .LBB2_57-.Ltmp28, $4  }
0x2b3: {  	_ = 	snop  }
0x2b4: {  	s13 =	sshra.s32 s12, $0x2;
	s12 =	sadd.s32 $0x40, s12;
	vm0 =	vlt.u32 v9, v7  }
0x2b5: {  	v9 =	vld [tilespmem:s13+$0x1000];
	v10 =	vsel vm0, $0x3F800000, v0  }
0x2b6: {  	v8 =	vadd.f32 v10, v8  }
0x2b7: {  	_ =	sdelay $0x2  }
0x2b8: {  	vm0 =	vlt.u32 v9, v7  }
0x2b9: {  	v9 =	vsel vm0, $0x3F800000, v0  }
0x2ba: {  	v8 =	vadd.f32 v9, v8;
	_ =	sdelay $0x1  }
0x2bb: {  	[tilespmem:$0x2080] =	vst v8  }
0x2bc: {  	v9 =	vld.idx.msk [tilespmem:v1+s9+$0x0], $0xffff;
	_ =	sdelay $0x4  }
0x2bd: {  	v8 =	vadd.f32 v9, v8;
	_ =	sdelay $0x1  }
0x2be: {  	[tilespmem:$0x2080] =	vst v8  }
0x2bf: {  	v9 =	vld.idx.msk [tilespmem:v2+s9+$0x0], $0xffff;
	_ =	sdelay $0x4  }
0x2c0: {  	v8 =	vadd.f32 v9, v8;
	_ =	sdelay $0x1  }
0x2c1: {  	[tilespmem:$0x2080] =	vst v8  }
0x2c2: {  	v9 =	vld.idx.msk [tilespmem:v3+s9+$0x0], $0xffff;
	_ =	sdelay $0x4  }
0x2c3: {  	v8 =	vadd.f32 v9, v8;
	_ =	sdelay $0x1  }
0x2c4: {  	[tilespmem:$0x2080] =	vst v8  }
0x2c5: {  	v9 =	vld.idx.msk [tilespmem:v4+s9+$0x0], $0xffff;
	_ =	sdelay $0x4  }
0x2c6: {  	v8 =	vadd.f32 v9, v8;
	_ =	sdelay $0x1  }
0x2c7: {  	s13 =	simm.s32 $0x0;
	vm15 =	vlt.f32 v8, $2.048000000e+03  }
0x2c8: {  	v9 =	vld [tilespmem:s13+$0x1000];
	v6 =	vsel vm15, v7, v6  }
0x2c9: {  	s12 =	simm.s32 $0x40;
	v8 =	vimm.f32 $0.0e+00;
	v7 =	vor.u32 $0x10, v6  }
.LBB2_59:
0x2ca: {  	p0 =	sne.s32 s12, $0x3FC0  }
.Ltmp29:
0x2cb: {  	_ = 	snop;
	(pc) =	sbr.rel @p0 .LBB2_59-.Ltmp29, $4  }
0x2cc: {  	_ = 	snop  }
0x2cd: {  	s13 =	sshra.s32 s12, $0x2;
	s12 =	sadd.s32 $0x40, s12;
	vm0 =	vlt.u32 v9, v7  }
0x2ce: {  	v9 =	vld [tilespmem:s13+$0x1000];
	v10 =	vsel vm0, $0x3F800000, v0  }
0x2cf: {  	v8 =	vadd.f32 v10, v8  }
0x2d0: {  	_ =	sdelay $0x2  }
0x2d1: {  	vm0 =	vlt.u32 v9, v7  }
0x2d2: {  	v9 =	vsel vm0, $0x3F800000, v0  }
0x2d3: {  	v8 =	vadd.f32 v9, v8;
	_ =	sdelay $0x1  }
0x2d4: {  	[tilespmem:$0x2080] =	vst v8  }
0x2d5: {  	v9 =	vld.idx.msk [tilespmem:v1+s9+$0x0], $0xffff;
	_ =	sdelay $0x4  }
0x2d6: {  	v8 =	vadd.f32 v9, v8;
	_ =	sdelay $0x1  }
0x2d7: {  	[tilespmem:$0x2080] =	vst v8  }
0x2d8: {  	v9 =	vld.idx.msk [tilespmem:v2+s9+$0x0], $0xffff;
	_ =	sdelay $0x4  }
0x2d9: {  	v8 =	vadd.f32 v9, v8;
	_ =	sdelay $0x1  }
0x2da: {  	[tilespmem:$0x2080] =	vst v8  }
0x2db: {  	v9 =	vld.idx.msk [tilespmem:v3+s9+$0x0], $0xffff;
	_ =	sdelay $0x4  }
0x2dc: {  	v8 =	vadd.f32 v9, v8;
	_ =	sdelay $0x1  }
0x2dd: {  	[tilespmem:$0x2080] =	vst v8  }
0x2de: {  	v9 =	vld.idx.msk [tilespmem:v4+s9+$0x0], $0xffff;
	_ =	sdelay $0x4  }
0x2df: {  	v8 =	vadd.f32 v9, v8;
	_ =	sdelay $0x1  }
0x2e0: {  	s13 =	simm.s32 $0x0;
	vm15 =	vlt.f32 v8, $2.048000000e+03  }
0x2e1: {  	v9 =	vld [tilespmem:s13+$0x1000];
	v6 =	vsel vm15, v7, v6  }
0x2e2: {  	s12 =	simm.s32 $0x40;
	v8 =	vimm.f32 $0.0e+00;
	v7 =	vor.u32 $0x8, v6  }
.LBB2_61:
0x2e3: {  	p0 =	sne.s32 s12, $0x3FC0  }
.Ltmp30:
0x2e4: {  	_ = 	snop;
	(pc) =	sbr.rel @p0 .LBB2_61-.Ltmp30, $4  }
0x2e5: {  	_ = 	snop  }
0x2e6: {  	s13 =	sshra.s32 s12, $0x2;
	s12 =	sadd.s32 $0x40, s12;
	vm0 =	vlt.u32 v9, v7  }
0x2e7: {  	v9 =	vld [tilespmem:s13+$0x1000];
	v10 =	vsel vm0, $0x3F800000, v0  }
0x2e8: {  	v8 =	vadd.f32 v10, v8  }
0x2e9: {  	_ =	sdelay $0x2  }
0x2ea: {  	vm0 =	vlt.u32 v9, v7  }
0x2eb: {  	v9 =	vsel vm0, $0x3F800000, v0  }
0x2ec: {  	v8 =	vadd.f32 v9, v8;
	_ =	sdelay $0x1  }
0x2ed: {  	[tilespmem:$0x2080] =	vst v8  }
0x2ee: {  	v9 =	vld.idx.msk [tilespmem:v1+s9+$0x0], $0xffff;
	_ =	sdelay $0x4  }
0x2ef: {  	v8 =	vadd.f32 v9, v8;
	_ =	sdelay $0x1  }
0x2f0: {  	[tilespmem:$0x2080] =	vst v8  }
0x2f1: {  	v9 =	vld.idx.msk [tilespmem:v2+s9+$0x0], $0xffff;
	_ =	sdelay $0x4  }
0x2f2: {  	v8 =	vadd.f32 v9, v8;
	_ =	sdelay $0x1  }
0x2f3: {  	[tilespmem:$0x2080] =	vst v8  }
0x2f4: {  	v9 =	vld.idx.msk [tilespmem:v3+s9+$0x0], $0xffff;
	_ =	sdelay $0x4  }
0x2f5: {  	v8 =	vadd.f32 v9, v8;
	_ =	sdelay $0x1  }
0x2f6: {  	[tilespmem:$0x2080] =	vst v8  }
0x2f7: {  	v9 =	vld.idx.msk [tilespmem:v4+s9+$0x0], $0xffff;
	_ =	sdelay $0x4  }
0x2f8: {  	v8 =	vadd.f32 v9, v8;
	_ =	sdelay $0x1  }
0x2f9: {  	s13 =	simm.s32 $0x0;
	vm15 =	vlt.f32 v8, $2.048000000e+03  }
0x2fa: {  	v9 =	vld [tilespmem:s13+$0x1000];
	v6 =	vsel vm15, v7, v6  }
0x2fb: {  	s12 =	simm.s32 $0x40;
	v8 =	vimm.f32 $0.0e+00;
	v7 =	vor.u32 $0x4, v6  }
.LBB2_63:
0x2fc: {  	p0 =	sne.s32 s12, $0x3FC0  }
.Ltmp31:
0x2fd: {  	_ = 	snop;
	(pc) =	sbr.rel @p0 .LBB2_63-.Ltmp31, $4  }
0x2fe: {  	_ = 	snop  }
0x2ff: {  	s13 =	sshra.s32 s12, $0x2;
	s12 =	sadd.s32 $0x40, s12;
	vm0 =	vlt.u32 v9, v7  }
0x300: {  	v9 =	vld [tilespmem:s13+$0x1000];
	v10 =	vsel vm0, $0x3F800000, v0  }
0x301: {  	v8 =	vadd.f32 v10, v8  }
0x302: {  	_ =	sdelay $0x2  }
0x303: {  	vm0 =	vlt.u32 v9, v7  }
0x304: {  	v9 =	vsel vm0, $0x3F800000, v0  }
0x305: {  	v8 =	vadd.f32 v9, v8;
	_ =	sdelay $0x1  }
0x306: {  	[tilespmem:$0x2080] =	vst v8  }
0x307: {  	v9 =	vld.idx.msk [tilespmem:v1+s9+$0x0], $0xffff;
	_ =	sdelay $0x4  }
0x308: {  	v8 =	vadd.f32 v9, v8;
	_ =	sdelay $0x1  }
0x309: {  	[tilespmem:$0x2080] =	vst v8  }
0x30a: {  	v9 =	vld.idx.msk [tilespmem:v2+s9+$0x0], $0xffff;
	_ =	sdelay $0x4  }
0x30b: {  	v8 =	vadd.f32 v9, v8;
	_ =	sdelay $0x1  }
0x30c: {  	[tilespmem:$0x2080] =	vst v8  }
0x30d: {  	v9 =	vld.idx.msk [tilespmem:v3+s9+$0x0], $0xffff;
	_ =	sdelay $0x4  }
0x30e: {  	v8 =	vadd.f32 v9, v8;
	_ =	sdelay $0x1  }
0x30f: {  	[tilespmem:$0x2080] =	vst v8  }
0x310: {  	v9 =	vld.idx.msk [tilespmem:v4+s9+$0x0], $0xffff;
	_ =	sdelay $0x4  }
0x311: {  	v8 =	vadd.f32 v9, v8;
	_ =	sdelay $0x1  }
0x312: {  	s13 =	simm.s32 $0x0;
	vm15 =	vlt.f32 v8, $2.048000000e+03  }
0x313: {  	v9 =	vld [tilespmem:s13+$0x1000];
	v6 =	vsel vm15, v7, v6  }
0x314: {  	s12 =	simm.s32 $0x40;
	v8 =	vimm.f32 $0.0e+00;
	v7 =	vor.u32 $0x2, v6  }
.LBB2_65:
0x315: {  	p0 =	sne.s32 s12, $0x3FC0  }
.Ltmp32:
0x316: {  	_ = 	snop;
	(pc) =	sbr.rel @p0 .LBB2_65-.Ltmp32, $4  }
0x317: {  	_ = 	snop  }
0x318: {  	s13 =	sshra.s32 s12, $0x2;
	s12 =	sadd.s32 $0x40, s12;
	vm0 =	vlt.u32 v9, v7  }
0x319: {  	v9 =	vld [tilespmem:s13+$0x1000];
	v10 =	vsel vm0, $0x3F800000, v0  }
0x31a: {  	v8 =	vadd.f32 v10, v8  }
0x31b: {  	_ =	sdelay $0x2  }
0x31c: {  	vm0 =	vlt.u32 v9, v7  }
0x31d: {  	v9 =	vsel vm0, $0x3F800000, v0  }
0x31e: {  	v8 =	vadd.f32 v9, v8;
	_ =	sdelay $0x1  }
0x31f: {  	[tilespmem:$0x2080] =	vst v8  }
0x320: {  	v9 =	vld.idx.msk [tilespmem:v1+s9+$0x0], $0xffff;
	_ =	sdelay $0x4  }
0x321: {  	v8 =	vadd.f32 v9, v8;
	_ =	sdelay $0x1  }
0x322: {  	[tilespmem:$0x2080] =	vst v8  }
0x323: {  	v9 =	vld.idx.msk [tilespmem:v2+s9+$0x0], $0xffff;
	_ =	sdelay $0x4  }
0x324: {  	v8 =	vadd.f32 v9, v8;
	_ =	sdelay $0x1  }
0x325: {  	[tilespmem:$0x2080] =	vst v8  }
0x326: {  	v9 =	vld.idx.msk [tilespmem:v3+s9+$0x0], $0xffff;
	_ =	sdelay $0x4  }
0x327: {  	v8 =	vadd.f32 v9, v8;
	_ =	sdelay $0x1  }
0x328: {  	[tilespmem:$0x2080] =	vst v8  }
0x329: {  	v9 =	vld.idx.msk [tilespmem:v4+s9+$0x0], $0xffff;
	_ =	sdelay $0x4  }
0x32a: {  	v8 =	vadd.f32 v9, v8;
	_ =	sdelay $0x1  }
0x32b: {  	s13 =	simm.s32 $0x0;
	vm15 =	vlt.f32 v8, $2.048000000e+03  }
0x32c: {  	v9 =	vld [tilespmem:s13+$0x1000];
	v6 =	vsel vm15, v7, v6  }
0x32d: {  	s12 =	simm.s32 $0x40;
	v8 =	vimm.f32 $0.0e+00;
	v7 =	vor.u32 $0x1, v6  }
.LBB2_67:
0x32e: {  	p0 =	sne.s32 s12, $0x3FC0  }
.Ltmp33:
0x32f: {  	_ = 	snop;
	(pc) =	sbr.rel @p0 .LBB2_67-.Ltmp33, $4  }
0x330: {  	_ = 	snop  }
0x331: {  	s13 =	sshra.s32 s12, $0x2;
	s12 =	sadd.s32 $0x40, s12;
	vm0 =	vlt.u32 v9, v7  }
0x332: {  	v9 =	vld [tilespmem:s13+$0x1000];
	v10 =	vsel vm0, $0x3F800000, v0  }
0x333: {  	v8 =	vadd.f32 v10, v8  }
0x334: {  	_ =	sdelay $0x2  }
0x335: {  	vm0 =	vlt.u32 v9, v7  }
0x336: {  	v9 =	vsel vm0, $0x3F800000, v0  }
0x337: {  	v8 =	vadd.f32 v9, v8;
	_ =	sdelay $0x1  }
0x338: {  	[tilespmem:$0x2080] =	vst v8  }
0x339: {  	v9 =	vld.idx.msk [tilespmem:v1+s9+$0x0], $0xffff;
	_ =	sdelay $0x4  }
0x33a: {  	v8 =	vadd.f32 v9, v8;
	_ =	sdelay $0x1  }
0x33b: {  	[tilespmem:$0x2080] =	vst v8  }
0x33c: {  	v9 =	vld.idx.msk [tilespmem:v2+s9+$0x0], $0xffff;
	_ =	sdelay $0x4  }
0x33d: {  	v8 =	vadd.f32 v9, v8;
	_ =	sdelay $0x1  }
0x33e: {  	[tilespmem:$0x2080] =	vst v8  }
0x33f: {  	v9 =	vld.idx.msk [tilespmem:v3+s9+$0x0], $0xffff;
	_ =	sdelay $0x4  }
0x340: {  	v8 =	vadd.f32 v9, v8;
	_ =	sdelay $0x1  }
0x341: {  	[tilespmem:$0x2080] =	vst v8  }
0x342: {  	v9 =	vld.idx.msk [tilespmem:v4+s9+$0x0], $0xffff;
	_ =	sdelay $0x4  }
0x343: {  	v8 =	vadd.f32 v9, v8  }
0x344: {  	s13 =	simm.s32 $0x0  }
0x345: {  	v10 =	vld [tilespmem:s13+$0x1000];
	vm15 =	vlt.f32 v8, $2.048000000e+03  }
0x346: {  	s12 =	simm.s32 $0x40;
	v9 =	vimm.f32 $0.0e+00;
	v8 =	vld [tilespmem:s13+$0x0];
	v6 =	vsel vm15, v7, v6;
	v7 =	vimm.f32 $0.0e+00  }
.LBB2_69:
0x347: {  	p0 =	sne.s32 s12, $0x3FC0  }
.Ltmp34:
0x348: {  	_ = 	snop;
	(pc) =	sbr.rel @p0 .LBB2_69-.Ltmp34, $4  }
0x349: {  	_ = 	snop  }
0x34a: {  	s13 =	sshra.s32 s12, $0x2;
	s12 =	sadd.s32 $0x40, s12;
	vm0 =	vlt.u32 v10, v6  }
0x34b: {  	v10 =	vld [tilespmem:s13+$0x1000];
	v11 =	vsel vm0, $0x3F800000, v0;
	v12 =	vnsel vm0, $0x0, v8  }
0x34c: {  	v8 =	vld [tilespmem:s13+$0x0];
	v9 =	vadd.f32 v11, v9;
	v7 =	vadd.f32 v12, v7  }
0x34d: {  	_ =	sdelay $0x2  }
0x34e: {  	vm0 =	vlt.u32 v10, v6  }
0x34f: {  	v10 =	vsel vm0, $0x3F800000, v0  }
0x350: {  	v9 =	vadd.f32 v10, v9;
	_ =	sdelay $0x1  }
0x351: {  	[tilespmem:$0x2080] =	vst v9  }
0x352: {  	v55 =	vld.idx.msk [tilespmem:v1+s9+$0x0], $0xffff;
	_ =	sdelay $0x4  }
0x353: {  	v9 =	vadd.f32 v55, v9;
	_ =	sdelay $0x1  }
0x354: {  	[tilespmem:$0x2080] =	vst v9  }
0x355: {  	v56 =	vld.idx.msk [tilespmem:v2+s9+$0x0], $0xffff;
	_ =	sdelay $0x4  }
0x356: {  	v9 =	vadd.f32 v56, v9;
	_ =	sdelay $0x1  }
0x357: {  	[tilespmem:$0x2080] =	vst v9  }
0x358: {  	v57 =	vld.idx.msk [tilespmem:v3+s9+$0x0], $0xffff;
	_ =	sdelay $0x4  }
0x359: {  	v8 =	vnsel vm0, $0x0, v8;
	v9 =	vadd.f32 v57, v9  }
0x35a: {  	v7 =	vadd.f32 v8, v7  }
0x35b: {  	[tilespmem:$0x2080] =	vst v9  }
0x35c: {  	v58 =	vld.idx.msk [tilespmem:v4+s9+$0x0], $0xffff;
	[tilespmem:$0x2080] =	vst v7  }
0x35d: {  	v59 =	vld.idx.msk [tilespmem:v1+s9+$0x0], $0xffff;
	_ =	sdelay $0x4  }
0x35e: {  	v7 =	vadd.f32 v59, v7;
	_ =	sdelay $0x1  }
0x35f: {  	[tilespmem:$0x2080] =	vst v7  }
0x360: {  	v60 =	vld.idx.msk [tilespmem:v2+s9+$0x0], $0xffff;
	_ =	sdelay $0x4  }
0x361: {  	v7 =	vadd.f32 v60, v7;
	_ =	sdelay $0x1  }
0x362: {  	[tilespmem:$0x2080] =	vst v7  }
0x363: {  	v61 =	vld.idx.msk [tilespmem:v3+s9+$0x0], $0xffff;
	_ =	sdelay $0x4  }
0x364: {  	v7 =	vadd.f32 v61, v7;
	_ =	sdelay $0x1  }
0x365: {  	[tilespmem:$0x2080] =	vst v7  }
0x366: {  	v62 =	vld.idx.msk [tilespmem:v4+s9+$0x0], $0xffff  }
0x367: {  	v8 =	vadd.f32 v58, v9  }
0x368: {  	vm15 =	vlt.s32 v6, $0x0  }
0x369: {  	v63 =	vand.u32 $0x7FFFFFFF, v6;
	v6 =	vxor.u32 $0xFFFFFFFF, v6;
	v8 =	vsub.f32 $2.048000000e+03, v8  }
0x36a: {  	v6 =	vsel vm15, v63, v6  }
0x36b: {  	v6 =	vmul.f32 v6, v8;
	v7 =	vadd.f32 v62, v7;
	_ =	sdelay $0x1  }
0x36c: {  	v6 =	vadd.f32 v7, v6;
	_ =	sdelay $0x1  }
0x36d: {  	s11 =	sadd.s32 $0x1, s11;
	v6 =	vmul.f32 $9.765625000e-04, v6  }
0x36e: {  	p0 =	sne.s32 s11, s5  }
.Ltmp35:
0x36f: {  	[tilespmem:$0x2000] =	vst v6;
	(pc) =	sbr.rel @p0 .LBB2_2-.Ltmp35, $4  }
0x370: {  	[hbm4b:s3+s2] =	stream.linear.scatter [tilespmem:s10], [sflag:$0x1], $0x80, $0x38;
	[tilespmem:$0x2100] =	vst v63  }
0x371: {  	_ =	swait.ge [sflag:s8], $0x80  }
0x372: {  	[sflag:s8] =	ssyncset.done $0x0  }
0x373: {  	[sflag:s8] =	ssyncadd.s32 $0xFFFFFF80  }
.LBB2_71:
0x374: {  	_ =	sfence.sel $0x180000  }
0x375: {  	[bflag:$0x0] =	sbarrier.arrive $0xFFFF  }
0x376: {  	p0 =	sne.s32 s1, $0x0;
	_ =	strace $0x90000047  }
0x377: {  	s0 =	sadd.s32 @!p0 $0x100000, s0;
	[bflag:$0x2] =	sbarrier.arrive $0xFFFF  }
0x378: {  	[sflag:s0] =	ssyncadd.tile.s32 @!p0 $0x1;
	_ =	shalt  }
.Lfunc_end2:
_tile_overlayer_lowered:
.L_overlay_start_2:
0x379: {  	(tag) =	ssettag $0x2  }
0x37a: {  	s0 =	rddreg [dreg:$0x0];
	s2 =	stileid.u32  }
0x37b: {  	s1 =	rddreg [dreg:$0x1];
	p0 =	sne.s32 s2, $0x0  }
0x37c: {  	s3 =	rddreg [dreg:$0x2];
	[bflag:$0x3] =	sbarrier.arrive $0xFFFF;
	s2 =	simm.s32 @!p0 $0x1C01  }
0x37d: {  	[timem:s3], [sflag:s2] =	dma.local @!p0 [hbm:s0], s1  }
0x37e: {  	s0 =	simm.s32 @!p0 $0x1  }
0x37f: {  	_ =	swait.ge @!p0 [sflag:s0], s1  }
0x380: {  	s1 =	ssub.s32 @!p0 $0x0, s1;
	[sflag:s0] =	ssyncset.done @!p0 $0x0  }
0x381: {  	[sflag:s0] =	ssyncadd.s32 @!p0 s1  }
0x382: {  	[bflag:$0x3] =	sbarrier.arrive $0xFFFF  }
0x383: {  	_ =	shalt  }

</sc_bundles>
